<compile_context>
chip_gen: v7x
topology: tpu7x:2x2x1
jax: 0.10.2.dev20260603
libtpu: 0.0.44.dev20260713+nightly
codegen_flags: <defaults>
</compile_context>

<pallas_src>
import functools

import jax
import jax.numpy as jnp
from jax import lax
from jax.experimental import pallas as pl
from jax.experimental.pallas import tpu as pltpu
from jax.experimental.pallas import tpu_sc as plsc

_N = 10000
_E = 160000
_DF = 128
_DE = 16
_H = 8
_HP = 16
_OUT = 3

_NC = 2
_NS = 16
_NW = _NC * _NS

_CH = 128
_NCHUNK = _E // _CH
_CPW = -(-_NCHUNK // _NW)
_LASTW = _NCHUNK - (_NW - 1) * _CPW
_NCHUNK_PAD = _CPW * _NW
_RPS = 624
_RPS_LAST = _N - (_NS - 1) * _RPS
_SPLIT = 768
_CPW_A = _SPLIT // _NW
_CPW_B = (_NCHUNK_PAD - _SPLIT) // _NW
_EA = _SPLIT * _CH
_EB = (_NCHUNK_PAD - _SPLIT) * _CH
_BE_A = 1536
_BE_B = 2048

def _worker_id():
    return lax.axis_index("s") * _NC + lax.axis_index("c")




@functools.cache
def _sc_kernels():
    mesh = plsc.VectorSubcoreMesh(
        core_axis_name="c", subcore_axis_name="s",
        num_cores=_NC, num_subcores=_NS,
    )
    linear = pltpu.CompilerParams(use_tc_tiling_on_sc=False)

    def make_gather_x(start, cpw):
        @functools.partial(
            pl.kernel,
            out_type=jax.ShapeDtypeStruct((_NW * cpw * _CH, _DF), jnp.float32),
            mesh=mesh,
            scratch_types=[
                pltpu.VMEM((cpw, _CH), jnp.int32),
                pltpu.VMEM((_CH, _DF), jnp.float32),
                pltpu.VMEM((_CH, _DF), jnp.float32),
                pltpu.SemaphoreType.DMA,
                pltpu.SemaphoreType.DMA,
            ],
        )
        def gather_x(x_hbm, src2d_hbm, out_hbm, idx_v, rows0, rows1, sem0, sem1):
            w = _worker_id()
            cstart = start + w * cpw
            pltpu.sync_copy(src2d_hbm.at[pl.ds(cstart, cpw)], idx_v)
            nchunks = jnp.clip(_NCHUNK - cstart, 0, cpw)

            def body(p, carry):
                j0 = 2 * p
                j1 = j0 + 1
                d0 = pltpu.async_copy(x_hbm.at[idx_v.at[j0]], rows0, sem0)
                d1 = pltpu.async_copy(x_hbm.at[idx_v.at[j1]], rows1, sem1)
                d0.wait()
                pltpu.sync_copy(rows0, out_hbm.at[pl.ds((w * cpw + j0) * _CH, _CH)])
                d1.wait()
                pltpu.sync_copy(rows1, out_hbm.at[pl.ds((w * cpw + j1) * _CH, _CH)])
                return carry

            lax.fori_loop(0, nchunks // 2, body, 0)

        return gather_x

    def make_scatter(start, cpw):
        @functools.partial(
            pl.kernel,
            out_type=jax.ShapeDtypeStruct((_NC, _N, _HP), jnp.float32),
            mesh=mesh,
            scratch_types=[
                pltpu.VMEM((cpw, _CH), jnp.int32),
                pltpu.VMEM((_CH, _HP), jnp.float32),
                pltpu.VMEM((_CH, _HP), jnp.float32),
                pltpu.VMEM_SHARED((_N, _HP), jnp.float32),
                pltpu.SemaphoreType.DMA,
                pltpu.SemaphoreType.DMA,
                pltpu.SemaphoreType.DMA,
                pltpu.SemaphoreType.DMA,
            ],
            compiler_params=linear,
        )
        def scatter_msg(dst2d_hbm, msg_hbm, zeros_hbm, out_hbm,
                        idx_v, rows0, rows1, acc_sh, sem0, sem1, sem2, sem3):
            c = lax.axis_index("c")
            s = lax.axis_index("s")
            w = _worker_id()
            cstart = start + w * cpw

            @pl.when(s == 0)
            def _():
                pltpu.sync_copy(zeros_hbm, acc_sh)

            plsc.subcore_barrier()

            pltpu.sync_copy(dst2d_hbm.at[pl.ds(cstart, cpw)], idx_v)
            nchunks = jnp.clip(_NCHUNK - cstart, 0, cpw)

            def body(p, carry):
                j0 = 2 * p
                j1 = j0 + 1
                base0 = (w * cpw + j0) * _CH
                base1 = (w * cpw + j1) * _CH
                d0 = pltpu.async_copy(msg_hbm.at[pl.ds(base0, _CH)], rows0, sem0)
                d1 = pltpu.async_copy(msg_hbm.at[pl.ds(base1, _CH)], rows1, sem1)
                d0.wait()
                a0 = pltpu.async_copy(rows0, acc_sh.at[idx_v.at[j0]], sem2, add=True)
                d1.wait()
                a1 = pltpu.async_copy(rows1, acc_sh.at[idx_v.at[j1]], sem3, add=True)
                a0.wait()
                a1.wait()
                return carry

            lax.fori_loop(0, nchunks // 2, body, 0)

            plsc.subcore_barrier()

            @pl.when(s < _NS - 1)
            def _():
                pltpu.sync_copy(acc_sh.at[pl.ds(s * _RPS, _RPS)],
                                out_hbm.at[c, pl.ds(s * _RPS, _RPS)])

            @pl.when(s == _NS - 1)
            def _():
                pltpu.sync_copy(acc_sh.at[pl.ds((_NS - 1) * _RPS, _RPS_LAST)],
                                out_hbm.at[c, pl.ds((_NS - 1) * _RPS, _RPS_LAST)])

        return scatter_msg

    @functools.partial(
        pl.kernel,
        out_type=(
            jax.ShapeDtypeStruct((_E, _HP), jnp.float32),
            jax.ShapeDtypeStruct((_E, _HP), jnp.float32),
        ),
        mesh=mesh,
        scratch_types=[
            pltpu.VMEM((_CPW, _CH), jnp.int32),
            pltpu.VMEM((_CPW, _CH), jnp.int32),
            pltpu.VMEM((_CH, _HP), jnp.float32),
            pltpu.VMEM((_CH, _HP), jnp.float32),
            pltpu.VMEM((_CH, _HP), jnp.float32),
            pltpu.VMEM((_CH, _HP), jnp.float32),
            pltpu.VMEM_SHARED((_N, _HP), jnp.float32),
            pltpu.SemaphoreType.DMA,
            pltpu.SemaphoreType.DMA,
            pltpu.SemaphoreType.DMA,
            pltpu.SemaphoreType.DMA,
        ],
        compiler_params=linear,
    )
    def gather_h(h_hbm, src2d_hbm, dst2d_hbm, hs_hbm, hd_hbm,
                 idxs_v, idxd_v, rs0, rd0, rs1, rd1, h_sh,
                 sa, sb, sc, sd):
        s = lax.axis_index("s")
        w = _worker_id()
        cbase = w * _CPW

        @pl.when(s == 0)
        def _():
            pltpu.sync_copy(h_hbm, h_sh)

        pltpu.sync_copy(src2d_hbm.at[pl.ds(cbase, _CPW)], idxs_v)
        pltpu.sync_copy(dst2d_hbm.at[pl.ds(cbase, _CPW)], idxd_v)
        plsc.subcore_barrier()
        nchunks = jnp.where(w == _NW - 1, _LASTW, _CPW)

        def body(p, carry):
            j0 = 2 * p
            j1 = j0 + 1
            base0 = (cbase + j0) * _CH
            base1 = (cbase + j1) * _CH
            ds0 = pltpu.async_copy(h_sh.at[idxs_v.at[j0]], rs0, sa)
            dd0 = pltpu.async_copy(h_sh.at[idxd_v.at[j0]], rd0, sb)
            ds1 = pltpu.async_copy(h_sh.at[idxs_v.at[j1]], rs1, sc)
            dd1 = pltpu.async_copy(h_sh.at[idxd_v.at[j1]], rd1, sd)
            ds0.wait()
            pltpu.sync_copy(rs0, hs_hbm.at[pl.ds(base0, _CH)])
            dd0.wait()
            pltpu.sync_copy(rd0, hd_hbm.at[pl.ds(base0, _CH)])
            ds1.wait()
            pltpu.sync_copy(rs1, hs_hbm.at[pl.ds(base1, _CH)])
            dd1.wait()
            pltpu.sync_copy(rd1, hd_hbm.at[pl.ds(base1, _CH)])
            return carry

        lax.fori_loop(0, nchunks // 2, body, 0)

    return (make_gather_x(0, _CPW_A), make_gather_x(_SPLIT, _CPW_B),
            make_scatter(0, _CPW_A), make_scatter(_SPLIT, _CPW_B), gather_h)



_BE = 2000
_BE2 = 2000


def _msg_body(ea_ref, h_ref, We1_ref, be1_ref, We2P_hbm, be2P_ref, S_ref,
              out_ref, We2P_v, wsem):
    @pl.when(pl.program_id(0) == 0)
    def _():
        pltpu.make_async_copy(We2P_hbm, We2P_v, wsem).start()
        pltpu.make_async_copy(We2P_hbm, We2P_v, wsem).wait()

    a = jnp.maximum(
        jnp.dot(ea_ref[...], We1_ref[...], preferred_element_type=jnp.float32)
        + be1_ref[...], 0.0)
    weP = jnp.dot(a, We2P_v[...],
                  preferred_element_type=jnp.float32) + be2P_ref[...]
    h8 = jnp.concatenate([h_ref[...]] * _H, axis=1)
    out_ref[...] = jnp.dot(weP * h8, S_ref[...],
                           preferred_element_type=jnp.float32)


def _msg_call(ea, h_src, We1, be1, We2P, be2P, S, rows, _BE):
    grid = (rows // _BE,)
    return pl.pallas_call(
        _msg_body,
        grid=grid,
        in_specs=[
            pl.BlockSpec((_BE, _DE), lambda i: (i, 0)),
            pl.BlockSpec((_BE, _DF), lambda i: (i, 0)),
            pl.BlockSpec((_DE, _H * _DF), lambda i: (0, 0)),
            pl.BlockSpec((1, _H * _DF), lambda i: (0, 0)),
            pl.BlockSpec(memory_space=pltpu.MemorySpace.HBM),
            pl.BlockSpec((1, _H * _DF), lambda i: (0, 0)),
            pl.BlockSpec((_H * _DF, _HP), lambda i: (0, 0)),
        ],
        out_specs=pl.BlockSpec((_BE, _HP), lambda i: (i, 0)),
        out_shape=jax.ShapeDtypeStruct((rows, _HP), jnp.float32),
        scratch_shapes=[
            pltpu.VMEM((_H * _DF, _H * _DF), jnp.float32),
            pltpu.SemaphoreType.DMA,
        ],
    )(ea, h_src, We1, be1, We2P, be2P, S)


def _combine_body(pa_ref, pb_ref, b_ref, h_ref):
    h_ref[...] = jnp.maximum(
        pa_ref[0] + pa_ref[1] + pb_ref[0] + pb_ref[1] + b_ref[...], 0.0)


def _combine_call(partials_a, partials_b, b16):
    return pl.pallas_call(
        _combine_body,
        out_shape=jax.ShapeDtypeStruct((_N, _HP), jnp.float32),
    )(partials_a, partials_b, b16)


def _cls_body(hs_ref, hd_ref, ea_ref, W1s_ref, W1d_ref, W1e_ref, b1_ref,
              W2_ref, b2_ref, out_ref):
    z = (jnp.dot(hs_ref[...], W1s_ref[...], preferred_element_type=jnp.float32)
         + jnp.dot(hd_ref[...], W1d_ref[...], preferred_element_type=jnp.float32)
         + jnp.dot(ea_ref[...], W1e_ref[...], preferred_element_type=jnp.float32)
         + b1_ref[...])
    z = jnp.maximum(z, 0.0)
    out_ref[...] = (jnp.dot(z, W2_ref[...], preferred_element_type=jnp.float32)
                    + b2_ref[...])


def _cls_call(hs2, hd2, ea2, W1s_bd, W1d_bd, W1e_bd, b1_bd, W2_bd, b2_bd):
    rows = _E // 8
    grid = (rows // _BE2,)
    return pl.pallas_call(
        _cls_body,
        grid=grid,
        in_specs=[
            pl.BlockSpec((_BE2, 128), lambda i: (i, 0)),
            pl.BlockSpec((_BE2, 128), lambda i: (i, 0)),
            pl.BlockSpec((_BE2, 128), lambda i: (i, 0)),
            pl.BlockSpec((128, 64), lambda i: (0, 0)),
            pl.BlockSpec((128, 64), lambda i: (0, 0)),
            pl.BlockSpec((128, 64), lambda i: (0, 0)),
            pl.BlockSpec((1, 64), lambda i: (0, 0)),
            pl.BlockSpec((64, 128), lambda i: (0, 0)),
            pl.BlockSpec((1, 128), lambda i: (0, 0)),
        ],
        out_specs=pl.BlockSpec((_BE2, 128), lambda i: (i, 0)),
        out_shape=jax.ShapeDtypeStruct((rows, 128), jnp.float32),
    )(hs2, hd2, ea2, W1s_bd, W1d_bd, W1e_bd, b1_bd, W2_bd, b2_bd)




def kernel(x, edge_index, edge_attr, edge_indices, W_e1, b_e1, W_e2, b_e2,
           b_conv, W_c1, b_c1, W_c2, b_c2):
    del edge_indices
    src = edge_index[0]
    dst = edge_index[1]
    pad = _NCHUNK_PAD * _CH - _E
    src2d = jnp.concatenate([src, jnp.zeros((pad,), jnp.int32)]).reshape(
        _NCHUNK_PAD, _CH)
    dst2d = jnp.concatenate([dst, jnp.zeros((pad,), jnp.int32)]).reshape(
        _NCHUNK_PAD, _CH)

    K = _H * _DF
    We2P = W_e2.reshape(K, _DF, _H).transpose(0, 2, 1).reshape(K, K)
    be2P = b_e2.reshape(_DF, _H).T.reshape(1, K)
    S = (jnp.arange(K, dtype=jnp.int32)[:, None] // _DF
         == jnp.arange(_HP, dtype=jnp.int32)[None, :]).astype(jnp.float32)

    gather_x_a, gather_x_b, scatter_a, scatter_b, gather_h = _sc_kernels()

    ea_pad = jnp.concatenate(
        [edge_attr, jnp.zeros((_NCHUNK_PAD * _CH - _E, _DE), jnp.float32)])
    zeros = jnp.zeros((_N, _HP), jnp.float32)
    be1 = b_e1.reshape(1, K)

    h_src_a = gather_x_a(x, src2d)
    h_src_b = gather_x_b(x, src2d)
    msg_a = _msg_call(ea_pad[:_EA], h_src_a, W_e1, be1, We2P, be2P, S,
                      _EA, _BE_A)
    msg_b = _msg_call(ea_pad[_EA:], h_src_b, W_e1, be1, We2P, be2P, S,
                      _EB, _BE_B)
    partials_a = scatter_a(dst2d, msg_a, zeros)
    partials_b = scatter_b(dst2d, msg_b, zeros)
    b16 = jnp.concatenate([b_conv, jnp.zeros((_HP - _H,), jnp.float32)]).reshape(1, _HP)
    h16 = _combine_call(partials_a, partials_b, b16)

    hs, hd = gather_h(h16, src2d, dst2d)

    W1s = jnp.zeros((_HP, _H), jnp.float32).at[:_H].set(W_c1[:_H])
    W1d = jnp.zeros((_HP, _H), jnp.float32).at[:_H].set(W_c1[_H:2 * _H])
    W1e = jnp.zeros((_HP, _H), jnp.float32).at[:_DE].set(W_c1[2 * _H:])
    W2p = jnp.zeros((_H, _HP), jnp.float32).at[:, :_OUT].set(W_c2)
    b2p = jnp.zeros((_HP,), jnp.float32).at[:_OUT].set(b_c2)
    eye8 = jnp.eye(8, dtype=jnp.float32)
    ea2 = edge_attr.reshape(_E // 8, 128)
    logits = _cls_call(
        hs.reshape(_E // 8, 128), hd.reshape(_E // 8, 128), ea2,
        jnp.kron(eye8, W1s), jnp.kron(eye8, W1d), jnp.kron(eye8, W1e),
        jnp.tile(b_c1, 8).reshape(1, 64),
        jnp.kron(eye8, W2p), jnp.tile(b2p, 8).reshape(1, 128))
    return logits.reshape(_E, _HP)[:, :_OUT]

# --- scband reference (transcript-rebuilt; emitter-appended) ---
"""Pipeline reference for scband-nnconv-net-34462817583565 (READ-ONLY COPY).

The authoritative reference and input builder live on the scoring server;
editing this copy changes nothing except your own understanding.
"""

import jax, jax.numpy as jnp
import numpy as np

N = 10000
E = 160000
DF = 128
DE = 16
H = 8
OUT = 3


def setup_inputs(seed: int = 0) -> dict:
    key = jax.random.key(seed)
    ks = jax.random.split(key, 12)
    x = jax.random.normal(ks[0], (N, DF), dtype=jnp.float32)
    edge_index = jax.random.randint(ks[1], (2, E), 0, N, dtype=jnp.int32)
    edge_attr = jax.random.normal(ks[2], (E, DE), dtype=jnp.float32)
    edge_indices = jnp.arange(E, dtype=jnp.int32)
    # edge network params: Linear(DE, H*DF) -> ReLU -> Linear(H*DF, H*DF)
    W_e1 = jax.random.normal(ks[3], (DE, H * DF), dtype=jnp.float32) * 0.05
    b_e1 = jnp.zeros((H * DF,), dtype=jnp.float32)
    W_e2 = jax.random.normal(ks[4], (H * DF, H * DF), dtype=jnp.float32) * 0.02
    b_e2 = jnp.zeros((H * DF,), dtype=jnp.float32)
    # NNConv output bias
    b_conv = jnp.zeros((H,), dtype=jnp.float32)
    # edge classifier: Linear(2H+DE, H) -> ReLU -> Linear(H, OUT)
    W_c1 = jax.random.normal(ks[5], (2 * H + DE, H), dtype=jnp.float32) * 0.1
    b_c1 = jnp.zeros((H,), dtype=jnp.float32)
    W_c2 = jax.random.normal(ks[6], (H, OUT), dtype=jnp.float32) * 0.1
    b_c2 = jnp.zeros((OUT,), dtype=jnp.float32)
    return {
        "x": x,
        "edge_index": edge_index,
        "edge_attr": edge_attr,
        "edge_indices": edge_indices,
        "W_e1": W_e1,
        "b_e1": b_e1,
        "W_e2": W_e2,
        "b_e2": b_e2,
        "b_conv": b_conv,
        "W_c1": W_c1,
        "b_c1": b_c1,
        "W_c2": W_c2,
        "b_c2": b_c2,
    }


def reference(x, edge_index, edge_attr, edge_indices, W_e1, b_e1, W_e2, b_e2, b_conv, W_c1, b_c1, W_c2, b_c2):
    src = edge_index[0]
    dst = edge_index[1]
    # edge network producing per-edge weight matrix [E, DF, H]
    we = jnp.maximum(edge_attr @ W_e1 + b_e1, 0.0) @ W_e2 + b_e2
    we = we.reshape(-1, DF, H)
    # NNConv message: h_src (gather) times per-edge matrix, sum-aggregate by dst
    h_src = x[src]
    msg = jnp.einsum("ei,eio->eo", h_src, we)
    agg = jax.ops.segment_sum(msg, dst, num_segments=N)
    h = jnp.maximum(agg + b_conv, 0.0)  # relu(conv(...))
    # find_edges(edge_indices) -> endpoints of labelled edges
    s = src[edge_indices]
    d = dst[edge_indices]
    e_feat = edge_attr[edge_indices]
    edge_input = jnp.concatenate([h[s], h[d], e_feat], axis=1)
    logits = jnp.maximum(edge_input @ W_c1 + b_c1, 0.0) @ W_c2 + b_c2
    return logits

if __name__ == "__main__":
    import jax
    _d = setup_inputs()
    print(jax.jit(kernel)(*tuple(_d.values())))

</pallas_src>

<mosaic_0001>
#map = affine_map<(d0, d1) -> (0, 0)>
#map1 = affine_map<(d0, d1) -> (0, 0, 0)>
module attributes {stable_mosaic.version = 14 : i64} {
  func.func @scatter_msg(%arg0: i32, %arg1: i32, %arg2: memref<1280x128xi32, #tpu.memory_space<hbm>>, %arg3: memref<65536x16xf32, #tpu.memory_space<hbm>>, %arg4: memref<10000x16xf32, #tpu.memory_space<hbm>>, %arg5: memref<2x10000x16xf32, #tpu.memory_space<hbm>>, %arg6: memref<16x128xi32, #tpu.memory_space<vmem>>, %arg7: memref<128x16xf32, #tpu.memory_space<vmem>>, %arg8: memref<128x16xf32, #tpu.memory_space<vmem>>, %arg9: memref<10000x16xf32, #tpu.memory_space<vmem_shared>>, %arg10: memref<!tpu.dma_semaphore, #tpu.memory_space<semaphore_mem>>, %arg11: memref<!tpu.dma_semaphore, #tpu.memory_space<semaphore_mem>>, %arg12: memref<!tpu.dma_semaphore, #tpu.memory_space<semaphore_mem>>, %arg13: memref<!tpu.dma_semaphore, #tpu.memory_space<semaphore_mem>>) attributes {dimension_semantics = [#tpu.dimension_semantics<core_parallel>, #tpu.dimension_semantics<subcore_parallel>], iteration_bounds = array<i64: 2, 16>, scalar_prefetch = 0 : i64, scratch_operands = 8 : i64, tpu.core_type = #tpu.core_type<sc_vector_subcore>, window_params = [{transform_indices = #map}, {transform_indices = #map}, {transform_indices = #map}, {transform_indices = #map1}]} {
    %mul3A = arith.constant 2 : i32
    %mul3A_0 = arith.muli %arg1, %mul3A : i32
    %add3A = arith.addi %mul3A_0, %arg0 : i32
    %mul3A_1 = arith.constant 16 : i32
    %mul3A_2 = arith.muli %add3A, %mul3A_1 : i32
    %add3A_3 = arith.constant 768 : i32
    %add3A_4 = arith.addi %add3A_3, %mul3A_2 : i32
    %eq3A = arith.constant 0 : i32
    %eq3A_5 = arith.cmpi eq, %arg1, %eq3A : i32
    %convert_element_type3A = arith.extui %eq3A_5 : i1 to i32
    %cond3A = arith.constant 0 : i32
    %cond3A_6 = arith.cmpi ne, %convert_element_type3A, %cond3A : i32
    scf.if %cond3A_6 {
      "tpu.region"() ({
        %run_scoped3A = tpu.sem_alloc : memref<!tpu.dma_semaphore, #tpu.memory_space<semaphore_mem>>
        tpu.enqueue_dma source(%arg4 : memref<10000x16xf32, #tpu.memory_space<hbm>>) target(%arg9 : memref<10000x16xf32, #tpu.memory_space<vmem_shared>>) target_semaphore(%run_scoped3A : memref<!tpu.dma_semaphore, #tpu.memory_space<semaphore_mem>>)
        tpu.wait_dma2 semaphore(%run_scoped3A : memref<!tpu.dma_semaphore, #tpu.memory_space<semaphore_mem>>) src(%arg4 : memref<10000x16xf32, #tpu.memory_space<hbm>>) dst(%arg9 : memref<10000x16xf32, #tpu.memory_space<vmem_shared>>)
        tpu.yield
      }) : () -> ()
    } else {
    }
    %barrier3A = arith.constant 0 : index
    tpu.barrier barrier_id(%barrier3A)
    "tpu.region"() ({
      %run_scoped3A = tpu.sem_alloc : memref<!tpu.dma_semaphore, #tpu.memory_space<semaphore_mem>>
      %dma_start3A = arith.constant 0 : i32
      %dma_start3A_46 = tpu.memref_slice %arg2[%add3A_4, %dma_start3A] : memref<1280x128xi32, #tpu.memory_space<hbm>> -> memref<16x128xi32, #tpu.memory_space<hbm>>
      %dma_start3A_47 = arith.constant 0 : i32
      %dma_start3A_48 = tpu.memref_slice %arg2[%add3A_4, %dma_start3A_47] : memref<1280x128xi32, #tpu.memory_space<hbm>> -> memref<16x128xi32, #tpu.memory_space<hbm>>
      tpu.enqueue_dma source(%dma_start3A_48 : memref<16x128xi32, #tpu.memory_space<hbm>>) target(%arg6 : memref<16x128xi32, #tpu.memory_space<vmem>>) target_semaphore(%run_scoped3A : memref<!tpu.dma_semaphore, #tpu.memory_space<semaphore_mem>>)
      %dma_wait3A = arith.constant 0 : i32
      %dma_wait3A_49 = tpu.memref_slice %arg2[%add3A_4, %dma_wait3A] : memref<1280x128xi32, #tpu.memory_space<hbm>> -> memref<16x128xi32, #tpu.memory_space<hbm>>
      %dma_wait3A_50 = arith.constant 0 : i32
      %dma_wait3A_51 = tpu.memref_slice %arg2[%add3A_4, %dma_wait3A_50] : memref<1280x128xi32, #tpu.memory_space<hbm>> -> memref<16x128xi32, #tpu.memory_space<hbm>>
      tpu.wait_dma2 semaphore(%run_scoped3A : memref<!tpu.dma_semaphore, #tpu.memory_space<semaphore_mem>>) src(%dma_wait3A_51 : memref<16x128xi32, #tpu.memory_space<hbm>>) dst(%arg6 : memref<16x128xi32, #tpu.memory_space<vmem>>)
      tpu.yield
    }) : () -> ()
    %sub3A = arith.constant 1250 : i32
    %sub3A_7 = arith.subi %sub3A, %add3A_4 : i32
    %jit3A = arith.constant 0 : i32
    %jit3A_8 = arith.constant 16 : i32
    %max3A = arith.maxsi %jit3A, %sub3A_7 : i32
    %min3A = arith.minsi %jit3A_8, %max3A : i32
    %jit3A_9 = arith.constant 2 : i32
    %div3A = arith.divsi %min3A, %jit3A_9 : i32
    %sign3A = arith.constant 0 : i32
    %sign3A_10 = arith.cmpi sgt, %min3A, %sign3A : i32
    %sign3A_11 = arith.extui %sign3A_10 : i1 to i32
    %sign3A_12 = arith.constant 0 : i32
    %sign3A_13 = arith.cmpi slt, %min3A, %sign3A_12 : i32
    %sign3A_14 = arith.extui %sign3A_13 : i1 to i32
    %sign3A_15 = arith.subi %sign3A_11, %sign3A_14 : i32
    %sign3A_16 = arith.constant 0 : i32
    %sign3A_17 = arith.cmpi sgt, %jit3A_9, %sign3A_16 : i32
    %sign3A_18 = arith.extui %sign3A_17 : i1 to i32
    %sign3A_19 = arith.constant 0 : i32
    %sign3A_20 = arith.cmpi slt, %jit3A_9, %sign3A_19 : i32
    %sign3A_21 = arith.extui %sign3A_20 : i1 to i32
    %sign3A_22 = arith.subi %sign3A_18, %sign3A_21 : i32
    %ne3A = arith.cmpi ne, %sign3A_15, %sign3A_22 : i32
    %rem3A = arith.remsi %min3A, %jit3A_9 : i32
    %ne3A_23 = arith.constant 0 : i32
    %ne3A_24 = arith.cmpi ne, %rem3A, %ne3A_23 : i32
    %and3A = arith.andi %ne3A, %ne3A_24 : i1
    %sub3A_25 = arith.constant 1 : i32
    %sub3A_26 = arith.subi %div3A, %sub3A_25 : i32
    %select_n3A = arith.select %and3A, %sub3A_26, %div3A : i32
    %while3A = arith.constant 0 : i32
    %while3A_27 = arith.constant 0 : i32
    %while3A_28 = arith.subi %select_n3A, %while3A_27 : i32
    %while3A_29 = arith.addi %while3A_27, %while3A_28 : i32
    %while3A_30 = arith.constant 1 : i32
    %while3A_31 = arith.divsi %while3A_28, %while3A_30 : i32
    %while3A_32 = arith.muli %while3A_31, %while3A_30 : i32
    %while3A_33 = arith.addi %while3A_27, %while3A_32 : i32
    %while3A_34 = arith.constant 1 : i32
    scf.for %while3A_46 = %while3A_27 to %while3A_33 step %while3A_34  : i32 {
      %mul3A_47 = arith.constant 2 : i32
      %mul3A_48 = arith.muli %mul3A_47, %while3A_46 : i32
      %add3A_49 = arith.constant 1 : i32
      %add3A_50 = arith.addi %mul3A_48, %add3A_49 : i32
      %mul3A_51 = arith.constant 16 : i32
      %mul3A_52 = arith.muli %add3A, %mul3A_51 : i32
      %add3A_53 = arith.addi %mul3A_52, %mul3A_48 : i32
      %mul3A_54 = arith.constant 128 : i32
      %mul3A_55 = arith.muli %add3A_53, %mul3A_54 : i32
      %mul3A_56 = arith.constant 16 : i32
      %mul3A_57 = arith.muli %add3A, %mul3A_56 : i32
      %add3A_58 = arith.addi %mul3A_57, %add3A_50 : i32
      %mul3A_59 = arith.constant 128 : i32
      %mul3A_60 = arith.muli %add3A_58, %mul3A_59 : i32
      %dma_start3A = arith.constant 0 : i32
      %dma_start3A_61 = tpu.memref_slice %arg3[%mul3A_55, %dma_start3A] : memref<65536x16xf32, #tpu.memory_space<hbm>> -> memref<128x16xf32, #tpu.memory_space<hbm>>
      %dma_start3A_62 = arith.constant 0 : i32
      %dma_start3A_63 = tpu.memref_slice %arg3[%mul3A_55, %dma_start3A_62] : memref<65536x16xf32, #tpu.memory_space<hbm>> -> memref<128x16xf32, #tpu.memory_space<hbm>>
      tpu.enqueue_dma source(%dma_start3A_63 : memref<128x16xf32, #tpu.memory_space<hbm>>) target(%arg7 : memref<128x16xf32, #tpu.memory_space<vmem>>) target_semaphore(%arg10 : memref<!tpu.dma_semaphore, #tpu.memory_space<semaphore_mem>>)
      %dma_start3A_64 = arith.constant 0 : i32
      %dma_start3A_65 = tpu.memref_slice %arg3[%mul3A_60, %dma_start3A_64] : memref<65536x16xf32, #tpu.memory_space<hbm>> -> memref<128x16xf32, #tpu.memory_space<hbm>>
      %dma_start3A_66 = arith.constant 0 : i32
      %dma_start3A_67 = tpu.memref_slice %arg3[%mul3A_60, %dma_start3A_66] : memref<65536x16xf32, #tpu.memory_space<hbm>> -> memref<128x16xf32, #tpu.memory_space<hbm>>
      tpu.enqueue_dma source(%dma_start3A_67 : memref<128x16xf32, #tpu.memory_space<hbm>>) target(%arg8 : memref<128x16xf32, #tpu.memory_space<vmem>>) target_semaphore(%arg11 : memref<!tpu.dma_semaphore, #tpu.memory_space<semaphore_mem>>)
      %dma_wait3A = arith.constant 0 : i32
      %dma_wait3A_68 = tpu.memref_slice %arg3[%mul3A_55, %dma_wait3A] : memref<65536x16xf32, #tpu.memory_space<hbm>> -> memref<128x16xf32, #tpu.memory_space<hbm>>
      %dma_wait3A_69 = arith.constant 0 : i32
      %dma_wait3A_70 = tpu.memref_slice %arg3[%mul3A_55, %dma_wait3A_69] : memref<65536x16xf32, #tpu.memory_space<hbm>> -> memref<128x16xf32, #tpu.memory_space<hbm>>
      tpu.wait_dma2 semaphore(%arg10 : memref<!tpu.dma_semaphore, #tpu.memory_space<semaphore_mem>>) src(%dma_wait3A_70 : memref<128x16xf32, #tpu.memory_space<hbm>>) dst(%arg7 : memref<128x16xf32, #tpu.memory_space<vmem>>)
      %dma_start3A_71 = arith.constant 0 : i32
      %dma_start3A_72 = tpu.memref_slice %arg6[%mul3A_48, %dma_start3A_71] : memref<16x128xi32, #tpu.memory_space<vmem>> -> memref<1x128xi32, #tpu.memory_space<vmem>>
      %dma_start3A_73 = tpu.memref_squeeze %dma_start3A_72 : memref<1x128xi32, #tpu.memory_space<vmem>> -> memref<128xi32, #tpu.memory_space<vmem>>
      %dma_start3A_74 = arith.constant 0 : i32
      %dma_start3A_75 = arith.constant 0 : i32
      %dma_start3A_76 = tpu.memref_slice %arg9[%dma_start3A_74, %dma_start3A_75] : memref<10000x16xf32, #tpu.memory_space<vmem_shared>> -> memref<10000x16xf32, #tpu.memory_space<vmem_shared>>
      tpu.enqueue_indirect_dma source(%arg7 : memref<128x16xf32, #tpu.memory_space<vmem>>) target(%dma_start3A_76 : memref<10000x16xf32, #tpu.memory_space<vmem_shared>>) offsets(%dma_start3A_73 : memref<128xi32, #tpu.memory_space<vmem>>) semaphore(%arg12 : memref<!tpu.dma_semaphore, #tpu.memory_space<semaphore_mem>>) {add = true}
      %dma_wait3A_77 = arith.constant 0 : i32
      %dma_wait3A_78 = tpu.memref_slice %arg3[%mul3A_60, %dma_wait3A_77] : memref<65536x16xf32, #tpu.memory_space<hbm>> -> memref<128x16xf32, #tpu.memory_space<hbm>>
      %dma_wait3A_79 = arith.constant 0 : i32
      %dma_wait3A_80 = tpu.memref_slice %arg3[%mul3A_60, %dma_wait3A_79] : memref<65536x16xf32, #tpu.memory_space<hbm>> -> memref<128x16xf32, #tpu.memory_space<hbm>>
      tpu.wait_dma2 semaphore(%arg11 : memref<!tpu.dma_semaphore, #tpu.memory_space<semaphore_mem>>) src(%dma_wait3A_80 : memref<128x16xf32, #tpu.memory_space<hbm>>) dst(%arg8 : memref<128x16xf32, #tpu.memory_space<vmem>>)
      %dma_start3A_81 = arith.constant 0 : i32
      %dma_start3A_82 = tpu.memref_slice %arg6[%add3A_50, %dma_start3A_81] : memref<16x128xi32, #tpu.memory_space<vmem>> -> memref<1x128xi32, #tpu.memory_space<vmem>>
      %dma_start3A_83 = tpu.memref_squeeze %dma_start3A_82 : memref<1x128xi32, #tpu.memory_space<vmem>> -> memref<128xi32, #tpu.memory_space<vmem>>
      %dma_start3A_84 = arith.constant 0 : i32
      %dma_start3A_85 = arith.constant 0 : i32
      %dma_start3A_86 = tpu.memref_slice %arg9[%dma_start3A_84, %dma_start3A_85] : memref<10000x16xf32, #tpu.memory_space<vmem_shared>> -> memref<10000x16xf32, #tpu.memory_space<vmem_shared>>
      tpu.enqueue_indirect_dma source(%arg8 : memref<128x16xf32, #tpu.memory_space<vmem>>) target(%dma_start3A_86 : memref<10000x16xf32, #tpu.memory_space<vmem_shared>>) offsets(%dma_start3A_83 : memref<128xi32, #tpu.memory_space<vmem>>) semaphore(%arg13 : memref<!tpu.dma_semaphore, #tpu.memory_space<semaphore_mem>>) {add = true}
      %dma_wait3A_87 = arith.constant 0 : i32
      %dma_wait3A_88 = tpu.memref_slice %arg6[%mul3A_48, %dma_wait3A_87] : memref<16x128xi32, #tpu.memory_space<vmem>> -> memref<1x128xi32, #tpu.memory_space<vmem>>
      %dma_wait3A_89 = tpu.memref_squeeze %dma_wait3A_88 : memref<1x128xi32, #tpu.memory_space<vmem>> -> memref<128xi32, #tpu.memory_space<vmem>>
      %dma_wait3A_90 = arith.constant 0 : i32
      %dma_wait3A_91 = arith.constant 0 : i32
      %dma_wait3A_92 = tpu.memref_slice %arg9[%dma_wait3A_90, %dma_wait3A_91] : memref<10000x16xf32, #tpu.memory_space<vmem_shared>> -> memref<10000x16xf32, #tpu.memory_space<vmem_shared>>
      tpu.wait_indirect_dma semaphore(%arg12 : memref<!tpu.dma_semaphore, #tpu.memory_space<semaphore_mem>>) src(%arg7 : memref<128x16xf32, #tpu.memory_space<vmem>>) dst(%dma_wait3A_92 : memref<10000x16xf32, #tpu.memory_space<vmem_shared>>)
      %dma_wait3A_93 = arith.constant 0 : i32
      %dma_wait3A_94 = tpu.memref_slice %arg6[%add3A_50, %dma_wait3A_93] : memref<16x128xi32, #tpu.memory_space<vmem>> -> memref<1x128xi32, #tpu.memory_space<vmem>>
      %dma_wait3A_95 = tpu.memref_squeeze %dma_wait3A_94 : memref<1x128xi32, #tpu.memory_space<vmem>> -> memref<128xi32, #tpu.memory_space<vmem>>
      %dma_wait3A_96 = arith.constant 0 : i32
      %dma_wait3A_97 = arith.constant 0 : i32
      %dma_wait3A_98 = tpu.memref_slice %arg9[%dma_wait3A_96, %dma_wait3A_97] : memref<10000x16xf32, #tpu.memory_space<vmem_shared>> -> memref<10000x16xf32, #tpu.memory_space<vmem_shared>>
      tpu.wait_indirect_dma semaphore(%arg13 : memref<!tpu.dma_semaphore, #tpu.memory_space<semaphore_mem>>) src(%arg8 : memref<128x16xf32, #tpu.memory_space<vmem>>) dst(%dma_wait3A_98 : memref<10000x16xf32, #tpu.memory_space<vmem_shared>>)
    }
    %while3A_35 = arith.constant 1 : i32
    scf.for %while3A_46 = %while3A_33 to %while3A_29 step %while3A_35  : i32 {
      %mul3A_47 = arith.constant 2 : i32
      %mul3A_48 = arith.muli %mul3A_47, %while3A_46 : i32
      %add3A_49 = arith.constant 1 : i32
      %add3A_50 = arith.addi %mul3A_48, %add3A_49 : i32
      %mul3A_51 = arith.constant 16 : i32
      %mul3A_52 = arith.muli %add3A, %mul3A_51 : i32
      %add3A_53 = arith.addi %mul3A_52, %mul3A_48 : i32
      %mul3A_54 = arith.constant 128 : i32
      %mul3A_55 = arith.muli %add3A_53, %mul3A_54 : i32
      %mul3A_56 = arith.constant 16 : i32
      %mul3A_57 = arith.muli %add3A, %mul3A_56 : i32
      %add3A_58 = arith.addi %mul3A_57, %add3A_50 : i32
      %mul3A_59 = arith.constant 128 : i32
      %mul3A_60 = arith.muli %add3A_58, %mul3A_59 : i32
      %dma_start3A = arith.constant 0 : i32
      %dma_start3A_61 = tpu.memref_slice %arg3[%mul3A_55, %dma_start3A] : memref<65536x16xf32, #tpu.memory_space<hbm>> -> memref<128x16xf32, #tpu.memory_space<hbm>>
      %dma_start3A_62 = arith.constant 0 : i32
      %dma_start3A_63 = tpu.memref_slice %arg3[%mul3A_55, %dma_start3A_62] : memref<65536x16xf32, #tpu.memory_space<hbm>> -> memref<128x16xf32, #tpu.memory_space<hbm>>
      tpu.enqueue_dma source(%dma_start3A_63 : memref<128x16xf32, #tpu.memory_space<hbm>>) target(%arg7 : memref<128x16xf32, #tpu.memory_space<vmem>>) target_semaphore(%arg10 : memref<!tpu.dma_semaphore, #tpu.memory_space<semaphore_mem>>)
      %dma_start3A_64 = arith.constant 0 : i32
      %dma_start3A_65 = tpu.memref_slice %arg3[%mul3A_60, %dma_start3A_64] : memref<65536x16xf32, #tpu.memory_space<hbm>> -> memref<128x16xf32, #tpu.memory_space<hbm>>
      %dma_start3A_66 = arith.constant 0 : i32
      %dma_start3A_67 = tpu.memref_slice %arg3[%mul3A_60, %dma_start3A_66] : memref<65536x16xf32, #tpu.memory_space<hbm>> -> memref<128x16xf32, #tpu.memory_space<hbm>>
      tpu.enqueue_dma source(%dma_start3A_67 : memref<128x16xf32, #tpu.memory_space<hbm>>) target(%arg8 : memref<128x16xf32, #tpu.memory_space<vmem>>) target_semaphore(%arg11 : memref<!tpu.dma_semaphore, #tpu.memory_space<semaphore_mem>>)
      %dma_wait3A = arith.constant 0 : i32
      %dma_wait3A_68 = tpu.memref_slice %arg3[%mul3A_55, %dma_wait3A] : memref<65536x16xf32, #tpu.memory_space<hbm>> -> memref<128x16xf32, #tpu.memory_space<hbm>>
      %dma_wait3A_69 = arith.constant 0 : i32
      %dma_wait3A_70 = tpu.memref_slice %arg3[%mul3A_55, %dma_wait3A_69] : memref<65536x16xf32, #tpu.memory_space<hbm>> -> memref<128x16xf32, #tpu.memory_space<hbm>>
      tpu.wait_dma2 semaphore(%arg10 : memref<!tpu.dma_semaphore, #tpu.memory_space<semaphore_mem>>) src(%dma_wait3A_70 : memref<128x16xf32, #tpu.memory_space<hbm>>) dst(%arg7 : memref<128x16xf32, #tpu.memory_space<vmem>>)
      %dma_start3A_71 = arith.constant 0 : i32
      %dma_start3A_72 = tpu.memref_slice %arg6[%mul3A_48, %dma_start3A_71] : memref<16x128xi32, #tpu.memory_space<vmem>> -> memref<1x128xi32, #tpu.memory_space<vmem>>
      %dma_start3A_73 = tpu.memref_squeeze %dma_start3A_72 : memref<1x128xi32, #tpu.memory_space<vmem>> -> memref<128xi32, #tpu.memory_space<vmem>>
      %dma_start3A_74 = arith.constant 0 : i32
      %dma_start3A_75 = arith.constant 0 : i32
      %dma_start3A_76 = tpu.memref_slice %arg9[%dma_start3A_74, %dma_start3A_75] : memref<10000x16xf32, #tpu.memory_space<vmem_shared>> -> memref<10000x16xf32, #tpu.memory_space<vmem_shared>>
      tpu.enqueue_indirect_dma source(%arg7 : memref<128x16xf32, #tpu.memory_space<vmem>>) target(%dma_start3A_76 : memref<10000x16xf32, #tpu.memory_space<vmem_shared>>) offsets(%dma_start3A_73 : memref<128xi32, #tpu.memory_space<vmem>>) semaphore(%arg12 : memref<!tpu.dma_semaphore, #tpu.memory_space<semaphore_mem>>) {add = true}
      %dma_wait3A_77 = arith.constant 0 : i32
      %dma_wait3A_78 = tpu.memref_slice %arg3[%mul3A_60, %dma_wait3A_77] : memref<65536x16xf32, #tpu.memory_space<hbm>> -> memref<128x16xf32, #tpu.memory_space<hbm>>
      %dma_wait3A_79 = arith.constant 0 : i32
      %dma_wait3A_80 = tpu.memref_slice %arg3[%mul3A_60, %dma_wait3A_79] : memref<65536x16xf32, #tpu.memory_space<hbm>> -> memref<128x16xf32, #tpu.memory_space<hbm>>
      tpu.wait_dma2 semaphore(%arg11 : memref<!tpu.dma_semaphore, #tpu.memory_space<semaphore_mem>>) src(%dma_wait3A_80 : memref<128x16xf32, #tpu.memory_space<hbm>>) dst(%arg8 : memref<128x16xf32, #tpu.memory_space<vmem>>)
      %dma_start3A_81 = arith.constant 0 : i32
      %dma_start3A_82 = tpu.memref_slice %arg6[%add3A_50, %dma_start3A_81] : memref<16x128xi32, #tpu.memory_space<vmem>> -> memref<1x128xi32, #tpu.memory_space<vmem>>
      %dma_start3A_83 = tpu.memref_squeeze %dma_start3A_82 : memref<1x128xi32, #tpu.memory_space<vmem>> -> memref<128xi32, #tpu.memory_space<vmem>>
      %dma_start3A_84 = arith.constant 0 : i32
      %dma_start3A_85 = arith.constant 0 : i32
      %dma_start3A_86 = tpu.memref_slice %arg9[%dma_start3A_84, %dma_start3A_85] : memref<10000x16xf32, #tpu.memory_space<vmem_shared>> -> memref<10000x16xf32, #tpu.memory_space<vmem_shared>>
      tpu.enqueue_indirect_dma source(%arg8 : memref<128x16xf32, #tpu.memory_space<vmem>>) target(%dma_start3A_86 : memref<10000x16xf32, #tpu.memory_space<vmem_shared>>) offsets(%dma_start3A_83 : memref<128xi32, #tpu.memory_space<vmem>>) semaphore(%arg13 : memref<!tpu.dma_semaphore, #tpu.memory_space<semaphore_mem>>) {add = true}
      %dma_wait3A_87 = arith.constant 0 : i32
      %dma_wait3A_88 = tpu.memref_slice %arg6[%mul3A_48, %dma_wait3A_87] : memref<16x128xi32, #tpu.memory_space<vmem>> -> memref<1x128xi32, #tpu.memory_space<vmem>>
      %dma_wait3A_89 = tpu.memref_squeeze %dma_wait3A_88 : memref<1x128xi32, #tpu.memory_space<vmem>> -> memref<128xi32, #tpu.memory_space<vmem>>
      %dma_wait3A_90 = arith.constant 0 : i32
      %dma_wait3A_91 = arith.constant 0 : i32
      %dma_wait3A_92 = tpu.memref_slice %arg9[%dma_wait3A_90, %dma_wait3A_91] : memref<10000x16xf32, #tpu.memory_space<vmem_shared>> -> memref<10000x16xf32, #tpu.memory_space<vmem_shared>>
      tpu.wait_indirect_dma semaphore(%arg12 : memref<!tpu.dma_semaphore, #tpu.memory_space<semaphore_mem>>) src(%arg7 : memref<128x16xf32, #tpu.memory_space<vmem>>) dst(%dma_wait3A_92 : memref<10000x16xf32, #tpu.memory_space<vmem_shared>>)
      %dma_wait3A_93 = arith.constant 0 : i32
      %dma_wait3A_94 = tpu.memref_slice %arg6[%add3A_50, %dma_wait3A_93] : memref<16x128xi32, #tpu.memory_space<vmem>> -> memref<1x128xi32, #tpu.memory_space<vmem>>
      %dma_wait3A_95 = tpu.memref_squeeze %dma_wait3A_94 : memref<1x128xi32, #tpu.memory_space<vmem>> -> memref<128xi32, #tpu.memory_space<vmem>>
      %dma_wait3A_96 = arith.constant 0 : i32
      %dma_wait3A_97 = arith.constant 0 : i32
      %dma_wait3A_98 = tpu.memref_slice %arg9[%dma_wait3A_96, %dma_wait3A_97] : memref<10000x16xf32, #tpu.memory_space<vmem_shared>> -> memref<10000x16xf32, #tpu.memory_space<vmem_shared>>
      tpu.wait_indirect_dma semaphore(%arg13 : memref<!tpu.dma_semaphore, #tpu.memory_space<semaphore_mem>>) src(%arg8 : memref<128x16xf32, #tpu.memory_space<vmem>>) dst(%dma_wait3A_98 : memref<10000x16xf32, #tpu.memory_space<vmem_shared>>)
    }
    %barrier3A_36 = arith.constant 0 : index
    tpu.barrier barrier_id(%barrier3A_36)
    %lt3A = arith.constant 15 : i32
    %lt3A_37 = arith.cmpi slt, %arg1, %lt3A : i32
    %convert_element_type3A_38 = arith.extui %lt3A_37 : i1 to i32
    %cond3A_39 = arith.constant 0 : i32
    %cond3A_40 = arith.cmpi ne, %convert_element_type3A_38, %cond3A_39 : i32
    scf.if %cond3A_40 {
      %mul3A_46 = arith.constant 624 : i32
      %mul3A_47 = arith.muli %arg1, %mul3A_46 : i32
      %mul3A_48 = arith.constant 624 : i32
      %mul3A_49 = arith.muli %arg1, %mul3A_48 : i32
      "tpu.region"() ({
        %run_scoped3A = tpu.sem_alloc : memref<!tpu.dma_semaphore, #tpu.memory_space<semaphore_mem>>
        %dma_start3A = arith.constant 0 : i32
        %dma_start3A_50 = tpu.memref_slice %arg5[%arg0, %mul3A_49, %dma_start3A] : memref<2x10000x16xf32, #tpu.memory_space<hbm>> -> memref<1x624x16xf32, #tpu.memory_space<hbm>>
        %dma_start3A_51 = tpu.memref_squeeze %dma_start3A_50 : memref<1x624x16xf32, #tpu.memory_space<hbm>> -> memref<624x16xf32, #tpu.memory_space<hbm>>
        %dma_start3A_52 = arith.constant 0 : i32
        %dma_start3A_53 = tpu.memref_slice %arg9[%mul3A_47, %dma_start3A_52] : memref<10000x16xf32, #tpu.memory_space<vmem_shared>> -> memref<624x16xf32, #tpu.memory_space<vmem_shared>>
        tpu.enqueue_dma source(%dma_start3A_53 : memref<624x16xf32, #tpu.memory_space<vmem_shared>>) target(%dma_start3A_51 : memref<624x16xf32, #tpu.memory_space<hbm>>) target_semaphore(%run_scoped3A : memref<!tpu.dma_semaphore, #tpu.memory_space<semaphore_mem>>)
        %dma_wait3A = arith.constant 0 : i32
        %dma_wait3A_54 = tpu.memref_slice %arg5[%arg0, %mul3A_49, %dma_wait3A] : memref<2x10000x16xf32, #tpu.memory_space<hbm>> -> memref<1x624x16xf32, #tpu.memory_space<hbm>>
        %dma_wait3A_55 = tpu.memref_squeeze %dma_wait3A_54 : memref<1x624x16xf32, #tpu.memory_space<hbm>> -> memref<624x16xf32, #tpu.memory_space<hbm>>
        %dma_wait3A_56 = arith.constant 0 : i32
        %dma_wait3A_57 = tpu.memref_slice %arg9[%mul3A_47, %dma_wait3A_56] : memref<10000x16xf32, #tpu.memory_space<vmem_shared>> -> memref<624x16xf32, #tpu.memory_space<vmem_shared>>
        tpu.wait_dma2 semaphore(%run_scoped3A : memref<!tpu.dma_semaphore, #tpu.memory_space<semaphore_mem>>) src(%dma_wait3A_57 : memref<624x16xf32, #tpu.memory_space<vmem_shared>>) dst(%dma_wait3A_55 : memref<624x16xf32, #tpu.memory_space<hbm>>)
        tpu.yield
      }) : () -> ()
    } else {
    }
    %eq3A_41 = arith.constant 15 : i32
    %eq3A_42 = arith.cmpi eq, %arg1, %eq3A_41 : i32
    %convert_element_type3A_43 = arith.extui %eq3A_42 : i1 to i32
    %cond3A_44 = arith.constant 0 : i32
    %cond3A_45 = arith.cmpi ne, %convert_element_type3A_43, %cond3A_44 : i32
    scf.if %cond3A_45 {
      "tpu.region"() ({
        %run_scoped3A = tpu.sem_alloc : memref<!tpu.dma_semaphore, #tpu.memory_space<semaphore_mem>>
        %dma_start3A = arith.constant 9360 : i32
        %dma_start3A_46 = arith.constant 0 : i32
        %dma_start3A_47 = tpu.memref_slice %arg5[%arg0, %dma_start3A, %dma_start3A_46] : memref<2x10000x16xf32, #tpu.memory_space<hbm>> -> memref<1x640x16xf32, #tpu.memory_space<hbm>>
        %dma_start3A_48 = tpu.memref_squeeze %dma_start3A_47 : memref<1x640x16xf32, #tpu.memory_space<hbm>> -> memref<640x16xf32, #tpu.memory_space<hbm>>
        %dma_start3A_49 = arith.constant 9360 : i32
        %dma_start3A_50 = arith.constant 0 : i32
        %dma_start3A_51 = tpu.memref_slice %arg9[%dma_start3A_49, %dma_start3A_50] : memref<10000x16xf32, #tpu.memory_space<vmem_shared>> -> memref<640x16xf32, #tpu.memory_space<vmem_shared>>
        tpu.enqueue_dma source(%dma_start3A_51 : memref<640x16xf32, #tpu.memory_space<vmem_shared>>) target(%dma_start3A_48 : memref<640x16xf32, #tpu.memory_space<hbm>>) target_semaphore(%run_scoped3A : memref<!tpu.dma_semaphore, #tpu.memory_space<semaphore_mem>>)
        %dma_wait3A = arith.constant 9360 : i32
        %dma_wait3A_52 = arith.constant 0 : i32
        %dma_wait3A_53 = tpu.memref_slice %arg5[%arg0, %dma_wait3A, %dma_wait3A_52] : memref<2x10000x16xf32, #tpu.memory_space<hbm>> -> memref<1x640x16xf32, #tpu.memory_space<hbm>>
        %dma_wait3A_54 = tpu.memref_squeeze %dma_wait3A_53 : memref<1x640x16xf32, #tpu.memory_space<hbm>> -> memref<640x16xf32, #tpu.memory_space<hbm>>
        %dma_wait3A_55 = arith.constant 9360 : i32
        %dma_wait3A_56 = arith.constant 0 : i32
        %dma_wait3A_57 = tpu.memref_slice %arg9[%dma_wait3A_55, %dma_wait3A_56] : memref<10000x16xf32, #tpu.memory_space<vmem_shared>> -> memref<640x16xf32, #tpu.memory_space<vmem_shared>>
        tpu.wait_dma2 semaphore(%run_scoped3A : memref<!tpu.dma_semaphore, #tpu.memory_space<semaphore_mem>>) src(%dma_wait3A_57 : memref<640x16xf32, #tpu.memory_space<vmem_shared>>) dst(%dma_wait3A_54 : memref<640x16xf32, #tpu.memory_space<hbm>>)
        tpu.yield
      }) : () -> ()
    } else {
    }
    return
  }
}

#map = affine_map<(d0, d1) -> (0, 0)>
module attributes {stable_mosaic.version = 14 : i64} {
  func.func @gather_x(%arg0: i32, %arg1: i32, %arg2: memref<10000x128xf32, #tpu.memory_space<hbm>>, %arg3: memref<1280x128xi32, #tpu.memory_space<hbm>>, %arg4: memref<98304x128xf32, #tpu.memory_space<hbm>>, %arg5: memref<24x128xi32, #tpu.memory_space<vmem>>, %arg6: memref<128x128xf32, #tpu.memory_space<vmem>>, %arg7: memref<128x128xf32, #tpu.memory_space<vmem>>, %arg8: memref<!tpu.dma_semaphore, #tpu.memory_space<semaphore_mem>>, %arg9: memref<!tpu.dma_semaphore, #tpu.memory_space<semaphore_mem>>) attributes {dimension_semantics = [#tpu.dimension_semantics<core_parallel>, #tpu.dimension_semantics<subcore_parallel>], iteration_bounds = array<i64: 2, 16>, scalar_prefetch = 0 : i64, scratch_operands = 5 : i64, tpu.core_type = #tpu.core_type<sc_vector_subcore>, window_params = [{transform_indices = #map}, {transform_indices = #map}, {transform_indices = #map}]} {
    %mul3A = arith.constant 2 : i32
    %mul3A_0 = arith.muli %arg1, %mul3A : i32
    %add3A = arith.addi %mul3A_0, %arg0 : i32
    %mul3A_1 = arith.constant 24 : i32
    %mul3A_2 = arith.muli %add3A, %mul3A_1 : i32
    %add3A_3 = arith.constant 0 : i32
    %add3A_4 = arith.addi %add3A_3, %mul3A_2 : i32
    "tpu.region"() ({
      %run_scoped3A = tpu.sem_alloc : memref<!tpu.dma_semaphore, #tpu.memory_space<semaphore_mem>>
      %dma_start3A = arith.constant 0 : i32
      %dma_start3A_34 = tpu.memref_slice %arg3[%add3A_4, %dma_start3A] : memref<1280x128xi32, #tpu.memory_space<hbm>> -> memref<24x128xi32, #tpu.memory_space<hbm>>
      %dma_start3A_35 = arith.constant 0 : i32
      %dma_start3A_36 = tpu.memref_slice %arg3[%add3A_4, %dma_start3A_35] : memref<1280x128xi32, #tpu.memory_space<hbm>> -> memref<24x128xi32, #tpu.memory_space<hbm>>
      tpu.enqueue_dma source(%dma_start3A_36 : memref<24x128xi32, #tpu.memory_space<hbm>>) target(%arg5 : memref<24x128xi32, #tpu.memory_space<vmem>>) target_semaphore(%run_scoped3A : memref<!tpu.dma_semaphore, #tpu.memory_space<semaphore_mem>>)
      %dma_wait3A = arith.constant 0 : i32
      %dma_wait3A_37 = tpu.memref_slice %arg3[%add3A_4, %dma_wait3A] : memref<1280x128xi32, #tpu.memory_space<hbm>> -> memref<24x128xi32, #tpu.memory_space<hbm>>
      %dma_wait3A_38 = arith.constant 0 : i32
      %dma_wait3A_39 = tpu.memref_slice %arg3[%add3A_4, %dma_wait3A_38] : memref<1280x128xi32, #tpu.memory_space<hbm>> -> memref<24x128xi32, #tpu.memory_space<hbm>>
      tpu.wait_dma2 semaphore(%run_scoped3A : memref<!tpu.dma_semaphore, #tpu.memory_space<semaphore_mem>>) src(%dma_wait3A_39 : memref<24x128xi32, #tpu.memory_space<hbm>>) dst(%arg5 : memref<24x128xi32, #tpu.memory_space<vmem>>)
      tpu.yield
    }) : () -> ()
    %sub3A = arith.constant 1250 : i32
    %sub3A_5 = arith.subi %sub3A, %add3A_4 : i32
    %jit3A = arith.constant 0 : i32
    %jit3A_6 = arith.constant 24 : i32
    %max3A = arith.maxsi %jit3A, %sub3A_5 : i32
    %min3A = arith.minsi %jit3A_6, %max3A : i32
    %jit3A_7 = arith.constant 2 : i32
    %div3A = arith.divsi %min3A, %jit3A_7 : i32
    %sign3A = arith.constant 0 : i32
    %sign3A_8 = arith.cmpi sgt, %min3A, %sign3A : i32
    %sign3A_9 = arith.extui %sign3A_8 : i1 to i32
    %sign3A_10 = arith.constant 0 : i32
    %sign3A_11 = arith.cmpi slt, %min3A, %sign3A_10 : i32
    %sign3A_12 = arith.extui %sign3A_11 : i1 to i32
    %sign3A_13 = arith.subi %sign3A_9, %sign3A_12 : i32
    %sign3A_14 = arith.constant 0 : i32
    %sign3A_15 = arith.cmpi sgt, %jit3A_7, %sign3A_14 : i32
    %sign3A_16 = arith.extui %sign3A_15 : i1 to i32
    %sign3A_17 = arith.constant 0 : i32
    %sign3A_18 = arith.cmpi slt, %jit3A_7, %sign3A_17 : i32
    %sign3A_19 = arith.extui %sign3A_18 : i1 to i32
    %sign3A_20 = arith.subi %sign3A_16, %sign3A_19 : i32
    %ne3A = arith.cmpi ne, %sign3A_13, %sign3A_20 : i32
    %rem3A = arith.remsi %min3A, %jit3A_7 : i32
    %ne3A_21 = arith.constant 0 : i32
    %ne3A_22 = arith.cmpi ne, %rem3A, %ne3A_21 : i32
    %and3A = arith.andi %ne3A, %ne3A_22 : i1
    %sub3A_23 = arith.constant 1 : i32
    %sub3A_24 = arith.subi %div3A, %sub3A_23 : i32
    %select_n3A = arith.select %and3A, %sub3A_24, %div3A : i32
    %while3A = arith.constant 0 : i32
    %while3A_25 = arith.constant 0 : i32
    %while3A_26 = arith.subi %select_n3A, %while3A_25 : i32
    %while3A_27 = arith.addi %while3A_25, %while3A_26 : i32
    %while3A_28 = arith.constant 1 : i32
    %while3A_29 = arith.divsi %while3A_26, %while3A_28 : i32
    %while3A_30 = arith.muli %while3A_29, %while3A_28 : i32
    %while3A_31 = arith.addi %while3A_25, %while3A_30 : i32
    %while3A_32 = arith.constant 1 : i32
    scf.for %while3A_34 = %while3A_25 to %while3A_31 step %while3A_32  : i32 {
      %mul3A_35 = arith.constant 2 : i32
      %mul3A_36 = arith.muli %mul3A_35, %while3A_34 : i32
      %add3A_37 = arith.constant 1 : i32
      %add3A_38 = arith.addi %mul3A_36, %add3A_37 : i32
      %dma_start3A = arith.constant 0 : i32
      %dma_start3A_39 = tpu.memref_slice %arg5[%mul3A_36, %dma_start3A] : memref<24x128xi32, #tpu.memory_space<vmem>> -> memref<1x128xi32, #tpu.memory_space<vmem>>
      %dma_start3A_40 = tpu.memref_squeeze %dma_start3A_39 : memref<1x128xi32, #tpu.memory_space<vmem>> -> memref<128xi32, #tpu.memory_space<vmem>>
      %dma_start3A_41 = arith.constant 0 : i32
      %dma_start3A_42 = arith.constant 0 : i32
      %dma_start3A_43 = tpu.memref_slice %arg2[%dma_start3A_41, %dma_start3A_42] : memref<10000x128xf32, #tpu.memory_space<hbm>> -> memref<10000x128xf32, #tpu.memory_space<hbm>>
      tpu.enqueue_indirect_dma source(%dma_start3A_43 : memref<10000x128xf32, #tpu.memory_space<hbm>>) target(%arg6 : memref<128x128xf32, #tpu.memory_space<vmem>>) offsets(%dma_start3A_40 : memref<128xi32, #tpu.memory_space<vmem>>) semaphore(%arg8 : memref<!tpu.dma_semaphore, #tpu.memory_space<semaphore_mem>>)
      %dma_start3A_44 = arith.constant 0 : i32
      %dma_start3A_45 = tpu.memref_slice %arg5[%add3A_38, %dma_start3A_44] : memref<24x128xi32, #tpu.memory_space<vmem>> -> memref<1x128xi32, #tpu.memory_space<vmem>>
      %dma_start3A_46 = tpu.memref_squeeze %dma_start3A_45 : memref<1x128xi32, #tpu.memory_space<vmem>> -> memref<128xi32, #tpu.memory_space<vmem>>
      %dma_start3A_47 = arith.constant 0 : i32
      %dma_start3A_48 = arith.constant 0 : i32
      %dma_start3A_49 = tpu.memref_slice %arg2[%dma_start3A_47, %dma_start3A_48] : memref<10000x128xf32, #tpu.memory_space<hbm>> -> memref<10000x128xf32, #tpu.memory_space<hbm>>
      tpu.enqueue_indirect_dma source(%dma_start3A_49 : memref<10000x128xf32, #tpu.memory_space<hbm>>) target(%arg7 : memref<128x128xf32, #tpu.memory_space<vmem>>) offsets(%dma_start3A_46 : memref<128xi32, #tpu.memory_space<vmem>>) semaphore(%arg9 : memref<!tpu.dma_semaphore, #tpu.memory_space<semaphore_mem>>)
      %dma_wait3A = arith.constant 0 : i32
      %dma_wait3A_50 = tpu.memref_slice %arg5[%mul3A_36, %dma_wait3A] : memref<24x128xi32, #tpu.memory_space<vmem>> -> memref<1x128xi32, #tpu.memory_space<vmem>>
      %dma_wait3A_51 = tpu.memref_squeeze %dma_wait3A_50 : memref<1x128xi32, #tpu.memory_space<vmem>> -> memref<128xi32, #tpu.memory_space<vmem>>
      %dma_wait3A_52 = arith.constant 0 : i32
      %dma_wait3A_53 = arith.constant 0 : i32
      %dma_wait3A_54 = tpu.memref_slice %arg2[%dma_wait3A_52, %dma_wait3A_53] : memref<10000x128xf32, #tpu.memory_space<hbm>> -> memref<10000x128xf32, #tpu.memory_space<hbm>>
      tpu.wait_indirect_dma semaphore(%arg8 : memref<!tpu.dma_semaphore, #tpu.memory_space<semaphore_mem>>) src(%dma_wait3A_54 : memref<10000x128xf32, #tpu.memory_space<hbm>>) dst(%arg6 : memref<128x128xf32, #tpu.memory_space<vmem>>)
      %mul3A_55 = arith.constant 24 : i32
      %mul3A_56 = arith.muli %add3A, %mul3A_55 : i32
      %add3A_57 = arith.addi %mul3A_56, %mul3A_36 : i32
      %mul3A_58 = arith.constant 128 : i32
      %mul3A_59 = arith.muli %add3A_57, %mul3A_58 : i32
      "tpu.region"() ({
        %run_scoped3A = tpu.sem_alloc : memref<!tpu.dma_semaphore, #tpu.memory_space<semaphore_mem>>
        %dma_start3A_71 = arith.constant 0 : i32
        %dma_start3A_72 = tpu.memref_slice %arg4[%mul3A_59, %dma_start3A_71] : memref<98304x128xf32, #tpu.memory_space<hbm>> -> memref<128x128xf32, #tpu.memory_space<hbm>>
        %dma_start3A_73 = arith.constant 0 : i32
        %dma_start3A_74 = tpu.memref_slice %arg4[%mul3A_59, %dma_start3A_73] : memref<98304x128xf32, #tpu.memory_space<hbm>> -> memref<128x128xf32, #tpu.memory_space<hbm>>
        tpu.enqueue_dma source(%arg6 : memref<128x128xf32, #tpu.memory_space<vmem>>) target(%dma_start3A_74 : memref<128x128xf32, #tpu.memory_space<hbm>>) target_semaphore(%run_scoped3A : memref<!tpu.dma_semaphore, #tpu.memory_space<semaphore_mem>>)
        %dma_wait3A_75 = arith.constant 0 : i32
        %dma_wait3A_76 = tpu.memref_slice %arg4[%mul3A_59, %dma_wait3A_75] : memref<98304x128xf32, #tpu.memory_space<hbm>> -> memref<128x128xf32, #tpu.memory_space<hbm>>
        %dma_wait3A_77 = arith.constant 0 : i32
        %dma_wait3A_78 = tpu.memref_slice %arg4[%mul3A_59, %dma_wait3A_77] : memref<98304x128xf32, #tpu.memory_space<hbm>> -> memref<128x128xf32, #tpu.memory_space<hbm>>
        tpu.wait_dma2 semaphore(%run_scoped3A : memref<!tpu.dma_semaphore, #tpu.memory_space<semaphore_mem>>) src(%arg6 : memref<128x128xf32, #tpu.memory_space<vmem>>) dst(%dma_wait3A_78 : memref<128x128xf32, #tpu.memory_space<hbm>>)
        tpu.yield
      }) : () -> ()
      %dma_wait3A_60 = arith.constant 0 : i32
      %dma_wait3A_61 = tpu.memref_slice %arg5[%add3A_38, %dma_wait3A_60] : memref<24x128xi32, #tpu.memory_space<vmem>> -> memref<1x128xi32, #tpu.memory_space<vmem>>
      %dma_wait3A_62 = tpu.memref_squeeze %dma_wait3A_61 : memref<1x128xi32, #tpu.memory_space<vmem>> -> memref<128xi32, #tpu.memory_space<vmem>>
      %dma_wait3A_63 = arith.constant 0 : i32
      %dma_wait3A_64 = arith.constant 0 : i32
      %dma_wait3A_65 = tpu.memref_slice %arg2[%dma_wait3A_63, %dma_wait3A_64] : memref<10000x128xf32, #tpu.memory_space<hbm>> -> memref<10000x128xf32, #tpu.memory_space<hbm>>
      tpu.wait_indirect_dma semaphore(%arg9 : memref<!tpu.dma_semaphore, #tpu.memory_space<semaphore_mem>>) src(%dma_wait3A_65 : memref<10000x128xf32, #tpu.memory_space<hbm>>) dst(%arg7 : memref<128x128xf32, #tpu.memory_space<vmem>>)
      %mul3A_66 = arith.constant 24 : i32
      %mul3A_67 = arith.muli %add3A, %mul3A_66 : i32
      %add3A_68 = arith.addi %mul3A_67, %add3A_38 : i32
      %mul3A_69 = arith.constant 128 : i32
      %mul3A_70 = arith.muli %add3A_68, %mul3A_69 : i32
      "tpu.region"() ({
        %run_scoped3A = tpu.sem_alloc : memref<!tpu.dma_semaphore, #tpu.memory_space<semaphore_mem>>
        %dma_start3A_71 = arith.constant 0 : i32
        %dma_start3A_72 = tpu.memref_slice %arg4[%mul3A_70, %dma_start3A_71] : memref<98304x128xf32, #tpu.memory_space<hbm>> -> memref<128x128xf32, #tpu.memory_space<hbm>>
        %dma_start3A_73 = arith.constant 0 : i32
        %dma_start3A_74 = tpu.memref_slice %arg4[%mul3A_70, %dma_start3A_73] : memref<98304x128xf32, #tpu.memory_space<hbm>> -> memref<128x128xf32, #tpu.memory_space<hbm>>
        tpu.enqueue_dma source(%arg7 : memref<128x128xf32, #tpu.memory_space<vmem>>) target(%dma_start3A_74 : memref<128x128xf32, #tpu.memory_space<hbm>>) target_semaphore(%run_scoped3A : memref<!tpu.dma_semaphore, #tpu.memory_space<semaphore_mem>>)
        %dma_wait3A_75 = arith.constant 0 : i32
        %dma_wait3A_76 = tpu.memref_slice %arg4[%mul3A_70, %dma_wait3A_75] : memref<98304x128xf32, #tpu.memory_space<hbm>> -> memref<128x128xf32, #tpu.memory_space<hbm>>
        %dma_wait3A_77 = arith.constant 0 : i32
        %dma_wait3A_78 = tpu.memref_slice %arg4[%mul3A_70, %dma_wait3A_77] : memref<98304x128xf32, #tpu.memory_space<hbm>> -> memref<128x128xf32, #tpu.memory_space<hbm>>
        tpu.wait_dma2 semaphore(%run_scoped3A : memref<!tpu.dma_semaphore, #tpu.memory_space<semaphore_mem>>) src(%arg7 : memref<128x128xf32, #tpu.memory_space<vmem>>) dst(%dma_wait3A_78 : memref<128x128xf32, #tpu.memory_space<hbm>>)
        tpu.yield
      }) : () -> ()
    }
    %while3A_33 = arith.constant 1 : i32
    scf.for %while3A_34 = %while3A_31 to %while3A_27 step %while3A_33  : i32 {
      %mul3A_35 = arith.constant 2 : i32
      %mul3A_36 = arith.muli %mul3A_35, %while3A_34 : i32
      %add3A_37 = arith.constant 1 : i32
      %add3A_38 = arith.addi %mul3A_36, %add3A_37 : i32
      %dma_start3A = arith.constant 0 : i32
      %dma_start3A_39 = tpu.memref_slice %arg5[%mul3A_36, %dma_start3A] : memref<24x128xi32, #tpu.memory_space<vmem>> -> memref<1x128xi32, #tpu.memory_space<vmem>>
      %dma_start3A_40 = tpu.memref_squeeze %dma_start3A_39 : memref<1x128xi32, #tpu.memory_space<vmem>> -> memref<128xi32, #tpu.memory_space<vmem>>
      %dma_start3A_41 = arith.constant 0 : i32
      %dma_start3A_42 = arith.constant 0 : i32
      %dma_start3A_43 = tpu.memref_slice %arg2[%dma_start3A_41, %dma_start3A_42] : memref<10000x128xf32, #tpu.memory_space<hbm>> -> memref<10000x128xf32, #tpu.memory_space<hbm>>
      tpu.enqueue_indirect_dma source(%dma_start3A_43 : memref<10000x128xf32, #tpu.memory_space<hbm>>) target(%arg6 : memref<128x128xf32, #tpu.memory_space<vmem>>) offsets(%dma_start3A_40 : memref<128xi32, #tpu.memory_space<vmem>>) semaphore(%arg8 : memref<!tpu.dma_semaphore, #tpu.memory_space<semaphore_mem>>)
      %dma_start3A_44 = arith.constant 0 : i32
      %dma_start3A_45 = tpu.memref_slice %arg5[%add3A_38, %dma_start3A_44] : memref<24x128xi32, #tpu.memory_space<vmem>> -> memref<1x128xi32, #tpu.memory_space<vmem>>
      %dma_start3A_46 = tpu.memref_squeeze %dma_start3A_45 : memref<1x128xi32, #tpu.memory_space<vmem>> -> memref<128xi32, #tpu.memory_space<vmem>>
      %dma_start3A_47 = arith.constant 0 : i32
      %dma_start3A_48 = arith.constant 0 : i32
      %dma_start3A_49 = tpu.memref_slice %arg2[%dma_start3A_47, %dma_start3A_48] : memref<10000x128xf32, #tpu.memory_space<hbm>> -> memref<10000x128xf32, #tpu.memory_space<hbm>>
      tpu.enqueue_indirect_dma source(%dma_start3A_49 : memref<10000x128xf32, #tpu.memory_space<hbm>>) target(%arg7 : memref<128x128xf32, #tpu.memory_space<vmem>>) offsets(%dma_start3A_46 : memref<128xi32, #tpu.memory_space<vmem>>) semaphore(%arg9 : memref<!tpu.dma_semaphore, #tpu.memory_space<semaphore_mem>>)
      %dma_wait3A = arith.constant 0 : i32
      %dma_wait3A_50 = tpu.memref_slice %arg5[%mul3A_36, %dma_wait3A] : memref<24x128xi32, #tpu.memory_space<vmem>> -> memref<1x128xi32, #tpu.memory_space<vmem>>
      %dma_wait3A_51 = tpu.memref_squeeze %dma_wait3A_50 : memref<1x128xi32, #tpu.memory_space<vmem>> -> memref<128xi32, #tpu.memory_space<vmem>>
      %dma_wait3A_52 = arith.constant 0 : i32
      %dma_wait3A_53 = arith.constant 0 : i32
      %dma_wait3A_54 = tpu.memref_slice %arg2[%dma_wait3A_52, %dma_wait3A_53] : memref<10000x128xf32, #tpu.memory_space<hbm>> -> memref<10000x128xf32, #tpu.memory_space<hbm>>
      tpu.wait_indirect_dma semaphore(%arg8 : memref<!tpu.dma_semaphore, #tpu.memory_space<semaphore_mem>>) src(%dma_wait3A_54 : memref<10000x128xf32, #tpu.memory_space<hbm>>) dst(%arg6 : memref<128x128xf32, #tpu.memory_space<vmem>>)
      %mul3A_55 = arith.constant 24 : i32
      %mul3A_56 = arith.muli %add3A, %mul3A_55 : i32
      %add3A_57 = arith.addi %mul3A_56, %mul3A_36 : i32
      %mul3A_58 = arith.constant 128 : i32
      %mul3A_59 = arith.muli %add3A_57, %mul3A_58 : i32
      "tpu.region"() ({
        %run_scoped3A = tpu.sem_alloc : memref<!tpu.dma_semaphore, #tpu.memory_space<semaphore_mem>>
        %dma_start3A_71 = arith.constant 0 : i32
        %dma_start3A_72 = tpu.memref_slice %arg4[%mul3A_59, %dma_start3A_71] : memref<98304x128xf32, #tpu.memory_space<hbm>> -> memref<128x128xf32, #tpu.memory_space<hbm>>
        %dma_start3A_73 = arith.constant 0 : i32
        %dma_start3A_74 = tpu.memref_slice %arg4[%mul3A_59, %dma_start3A_73] : memref<98304x128xf32, #tpu.memory_space<hbm>> -> memref<128x128xf32, #tpu.memory_space<hbm>>
        tpu.enqueue_dma source(%arg6 : memref<128x128xf32, #tpu.memory_space<vmem>>) target(%dma_start3A_74 : memref<128x128xf32, #tpu.memory_space<hbm>>) target_semaphore(%run_scoped3A : memref<!tpu.dma_semaphore, #tpu.memory_space<semaphore_mem>>)
        %dma_wait3A_75 = arith.constant 0 : i32
        %dma_wait3A_76 = tpu.memref_slice %arg4[%mul3A_59, %dma_wait3A_75] : memref<98304x128xf32, #tpu.memory_space<hbm>> -> memref<128x128xf32, #tpu.memory_space<hbm>>
        %dma_wait3A_77 = arith.constant 0 : i32
        %dma_wait3A_78 = tpu.memref_slice %arg4[%mul3A_59, %dma_wait3A_77] : memref<98304x128xf32, #tpu.memory_space<hbm>> -> memref<128x128xf32, #tpu.memory_space<hbm>>
        tpu.wait_dma2 semaphore(%run_scoped3A : memref<!tpu.dma_semaphore, #tpu.memory_space<semaphore_mem>>) src(%arg6 : memref<128x128xf32, #tpu.memory_space<vmem>>) dst(%dma_wait3A_78 : memref<128x128xf32, #tpu.memory_space<hbm>>)
        tpu.yield
      }) : () -> ()
      %dma_wait3A_60 = arith.constant 0 : i32
      %dma_wait3A_61 = tpu.memref_slice %arg5[%add3A_38, %dma_wait3A_60] : memref<24x128xi32, #tpu.memory_space<vmem>> -> memref<1x128xi32, #tpu.memory_space<vmem>>
      %dma_wait3A_62 = tpu.memref_squeeze %dma_wait3A_61 : memref<1x128xi32, #tpu.memory_space<vmem>> -> memref<128xi32, #tpu.memory_space<vmem>>
      %dma_wait3A_63 = arith.constant 0 : i32
      %dma_wait3A_64 = arith.constant 0 : i32
      %dma_wait3A_65 = tpu.memref_slice %arg2[%dma_wait3A_63, %dma_wait3A_64] : memref<10000x128xf32, #tpu.memory_space<hbm>> -> memref<10000x128xf32, #tpu.memory_space<hbm>>
      tpu.wait_indirect_dma semaphore(%arg9 : memref<!tpu.dma_semaphore, #tpu.memory_space<semaphore_mem>>) src(%dma_wait3A_65 : memref<10000x128xf32, #tpu.memory_space<hbm>>) dst(%arg7 : memref<128x128xf32, #tpu.memory_space<vmem>>)
      %mul3A_66 = arith.constant 24 : i32
      %mul3A_67 = arith.muli %add3A, %mul3A_66 : i32
      %add3A_68 = arith.addi %mul3A_67, %add3A_38 : i32
      %mul3A_69 = arith.constant 128 : i32
      %mul3A_70 = arith.muli %add3A_68, %mul3A_69 : i32
      "tpu.region"() ({
        %run_scoped3A = tpu.sem_alloc : memref<!tpu.dma_semaphore, #tpu.memory_space<semaphore_mem>>
        %dma_start3A_71 = arith.constant 0 : i32
        %dma_start3A_72 = tpu.memref_slice %arg4[%mul3A_70, %dma_start3A_71] : memref<98304x128xf32, #tpu.memory_space<hbm>> -> memref<128x128xf32, #tpu.memory_space<hbm>>
        %dma_start3A_73 = arith.constant 0 : i32
        %dma_start3A_74 = tpu.memref_slice %arg4[%mul3A_70, %dma_start3A_73] : memref<98304x128xf32, #tpu.memory_space<hbm>> -> memref<128x128xf32, #tpu.memory_space<hbm>>
        tpu.enqueue_dma source(%arg7 : memref<128x128xf32, #tpu.memory_space<vmem>>) target(%dma_start3A_74 : memref<128x128xf32, #tpu.memory_space<hbm>>) target_semaphore(%run_scoped3A : memref<!tpu.dma_semaphore, #tpu.memory_space<semaphore_mem>>)
        %dma_wait3A_75 = arith.constant 0 : i32
        %dma_wait3A_76 = tpu.memref_slice %arg4[%mul3A_70, %dma_wait3A_75] : memref<98304x128xf32, #tpu.memory_space<hbm>> -> memref<128x128xf32, #tpu.memory_space<hbm>>
        %dma_wait3A_77 = arith.constant 0 : i32
        %dma_wait3A_78 = tpu.memref_slice %arg4[%mul3A_70, %dma_wait3A_77] : memref<98304x128xf32, #tpu.memory_space<hbm>> -> memref<128x128xf32, #tpu.memory_space<hbm>>
        tpu.wait_dma2 semaphore(%run_scoped3A : memref<!tpu.dma_semaphore, #tpu.memory_space<semaphore_mem>>) src(%arg7 : memref<128x128xf32, #tpu.memory_space<vmem>>) dst(%dma_wait3A_78 : memref<128x128xf32, #tpu.memory_space<hbm>>)
        tpu.yield
      }) : () -> ()
    }
    return
  }
}

#map = affine_map<(d0, d1) -> (0, 0)>
#map1 = affine_map<(d0, d1) -> (0, 0, 0)>
module attributes {stable_mosaic.version = 14 : i64} {
  func.func @scatter_msg(%arg0: i32, %arg1: i32, %arg2: memref<1280x128xi32, #tpu.memory_space<hbm>>, %arg3: memref<98304x16xf32, #tpu.memory_space<hbm>>, %arg4: memref<10000x16xf32, #tpu.memory_space<hbm>>, %arg5: memref<2x10000x16xf32, #tpu.memory_space<hbm>>, %arg6: memref<24x128xi32, #tpu.memory_space<vmem>>, %arg7: memref<128x16xf32, #tpu.memory_space<vmem>>, %arg8: memref<128x16xf32, #tpu.memory_space<vmem>>, %arg9: memref<10000x16xf32, #tpu.memory_space<vmem_shared>>, %arg10: memref<!tpu.dma_semaphore, #tpu.memory_space<semaphore_mem>>, %arg11: memref<!tpu.dma_semaphore, #tpu.memory_space<semaphore_mem>>, %arg12: memref<!tpu.dma_semaphore, #tpu.memory_space<semaphore_mem>>, %arg13: memref<!tpu.dma_semaphore, #tpu.memory_space<semaphore_mem>>) attributes {dimension_semantics = [#tpu.dimension_semantics<core_parallel>, #tpu.dimension_semantics<subcore_parallel>], iteration_bounds = array<i64: 2, 16>, scalar_prefetch = 0 : i64, scratch_operands = 8 : i64, tpu.core_type = #tpu.core_type<sc_vector_subcore>, window_params = [{transform_indices = #map}, {transform_indices = #map}, {transform_indices = #map}, {transform_indices = #map1}]} {
    %mul3A = arith.constant 2 : i32
    %mul3A_0 = arith.muli %arg1, %mul3A : i32
    %add3A = arith.addi %mul3A_0, %arg0 : i32
    %mul3A_1 = arith.constant 24 : i32
    %mul3A_2 = arith.muli %add3A, %mul3A_1 : i32
    %add3A_3 = arith.constant 0 : i32
    %add3A_4 = arith.addi %add3A_3, %mul3A_2 : i32
    %eq3A = arith.constant 0 : i32
    %eq3A_5 = arith.cmpi eq, %arg1, %eq3A : i32
    %convert_element_type3A = arith.extui %eq3A_5 : i1 to i32
    %cond3A = arith.constant 0 : i32
    %cond3A_6 = arith.cmpi ne, %convert_element_type3A, %cond3A : i32
    scf.if %cond3A_6 {
      "tpu.region"() ({
        %run_scoped3A = tpu.sem_alloc : memref<!tpu.dma_semaphore, #tpu.memory_space<semaphore_mem>>
        tpu.enqueue_dma source(%arg4 : memref<10000x16xf32, #tpu.memory_space<hbm>>) target(%arg9 : memref<10000x16xf32, #tpu.memory_space<vmem_shared>>) target_semaphore(%run_scoped3A : memref<!tpu.dma_semaphore, #tpu.memory_space<semaphore_mem>>)
        tpu.wait_dma2 semaphore(%run_scoped3A : memref<!tpu.dma_semaphore, #tpu.memory_space<semaphore_mem>>) src(%arg4 : memref<10000x16xf32, #tpu.memory_space<hbm>>) dst(%arg9 : memref<10000x16xf32, #tpu.memory_space<vmem_shared>>)
        tpu.yield
      }) : () -> ()
    } else {
    }
    %barrier3A = arith.constant 0 : index
    tpu.barrier barrier_id(%barrier3A)
    "tpu.region"() ({
      %run_scoped3A = tpu.sem_alloc : memref<!tpu.dma_semaphore, #tpu.memory_space<semaphore_mem>>
      %dma_start3A = arith.constant 0 : i32
      %dma_start3A_46 = tpu.memref_slice %arg2[%add3A_4, %dma_start3A] : memref<1280x128xi32, #tpu.memory_space<hbm>> -> memref<24x128xi32, #tpu.memory_space<hbm>>
      %dma_start3A_47 = arith.constant 0 : i32
      %dma_start3A_48 = tpu.memref_slice %arg2[%add3A_4, %dma_start3A_47] : memref<1280x128xi32, #tpu.memory_space<hbm>> -> memref<24x128xi32, #tpu.memory_space<hbm>>
      tpu.enqueue_dma source(%dma_start3A_48 : memref<24x128xi32, #tpu.memory_space<hbm>>) target(%arg6 : memref<24x128xi32, #tpu.memory_space<vmem>>) target_semaphore(%run_scoped3A : memref<!tpu.dma_semaphore, #tpu.memory_space<semaphore_mem>>)
      %dma_wait3A = arith.constant 0 : i32
      %dma_wait3A_49 = tpu.memref_slice %arg2[%add3A_4, %dma_wait3A] : memref<1280x128xi32, #tpu.memory_space<hbm>> -> memref<24x128xi32, #tpu.memory_space<hbm>>
      %dma_wait3A_50 = arith.constant 0 : i32
      %dma_wait3A_51 = tpu.memref_slice %arg2[%add3A_4, %dma_wait3A_50] : memref<1280x128xi32, #tpu.memory_space<hbm>> -> memref<24x128xi32, #tpu.memory_space<hbm>>
      tpu.wait_dma2 semaphore(%run_scoped3A : memref<!tpu.dma_semaphore, #tpu.memory_space<semaphore_mem>>) src(%dma_wait3A_51 : memref<24x128xi32, #tpu.memory_space<hbm>>) dst(%arg6 : memref<24x128xi32, #tpu.memory_space<vmem>>)
      tpu.yield
    }) : () -> ()
    %sub3A = arith.constant 1250 : i32
    %sub3A_7 = arith.subi %sub3A, %add3A_4 : i32
    %jit3A = arith.constant 0 : i32
    %jit3A_8 = arith.constant 24 : i32
    %max3A = arith.maxsi %jit3A, %sub3A_7 : i32
    %min3A = arith.minsi %jit3A_8, %max3A : i32
    %jit3A_9 = arith.constant 2 : i32
    %div3A = arith.divsi %min3A, %jit3A_9 : i32
    %sign3A = arith.constant 0 : i32
    %sign3A_10 = arith.cmpi sgt, %min3A, %sign3A : i32
    %sign3A_11 = arith.extui %sign3A_10 : i1 to i32
    %sign3A_12 = arith.constant 0 : i32
    %sign3A_13 = arith.cmpi slt, %min3A, %sign3A_12 : i32
    %sign3A_14 = arith.extui %sign3A_13 : i1 to i32
    %sign3A_15 = arith.subi %sign3A_11, %sign3A_14 : i32
    %sign3A_16 = arith.constant 0 : i32
    %sign3A_17 = arith.cmpi sgt, %jit3A_9, %sign3A_16 : i32
    %sign3A_18 = arith.extui %sign3A_17 : i1 to i32
    %sign3A_19 = arith.constant 0 : i32
    %sign3A_20 = arith.cmpi slt, %jit3A_9, %sign3A_19 : i32
    %sign3A_21 = arith.extui %sign3A_20 : i1 to i32
    %sign3A_22 = arith.subi %sign3A_18, %sign3A_21 : i32
    %ne3A = arith.cmpi ne, %sign3A_15, %sign3A_22 : i32
    %rem3A = arith.remsi %min3A, %jit3A_9 : i32
    %ne3A_23 = arith.constant 0 : i32
    %ne3A_24 = arith.cmpi ne, %rem3A, %ne3A_23 : i32
    %and3A = arith.andi %ne3A, %ne3A_24 : i1
    %sub3A_25 = arith.constant 1 : i32
    %sub3A_26 = arith.subi %div3A, %sub3A_25 : i32
    %select_n3A = arith.select %and3A, %sub3A_26, %div3A : i32
    %while3A = arith.constant 0 : i32
    %while3A_27 = arith.constant 0 : i32
    %while3A_28 = arith.subi %select_n3A, %while3A_27 : i32
    %while3A_29 = arith.addi %while3A_27, %while3A_28 : i32
    %while3A_30 = arith.constant 1 : i32
    %while3A_31 = arith.divsi %while3A_28, %while3A_30 : i32
    %while3A_32 = arith.muli %while3A_31, %while3A_30 : i32
    %while3A_33 = arith.addi %while3A_27, %while3A_32 : i32
    %while3A_34 = arith.constant 1 : i32
    scf.for %while3A_46 = %while3A_27 to %while3A_33 step %while3A_34  : i32 {
      %mul3A_47 = arith.constant 2 : i32
      %mul3A_48 = arith.muli %mul3A_47, %while3A_46 : i32
      %add3A_49 = arith.constant 1 : i32
      %add3A_50 = arith.addi %mul3A_48, %add3A_49 : i32
      %mul3A_51 = arith.constant 24 : i32
      %mul3A_52 = arith.muli %add3A, %mul3A_51 : i32
      %add3A_53 = arith.addi %mul3A_52, %mul3A_48 : i32
      %mul3A_54 = arith.constant 128 : i32
      %mul3A_55 = arith.muli %add3A_53, %mul3A_54 : i32
      %mul3A_56 = arith.constant 24 : i32
      %mul3A_57 = arith.muli %add3A, %mul3A_56 : i32
      %add3A_58 = arith.addi %mul3A_57, %add3A_50 : i32
      %mul3A_59 = arith.constant 128 : i32
      %mul3A_60 = arith.muli %add3A_58, %mul3A_59 : i32
      %dma_start3A = arith.constant 0 : i32
      %dma_start3A_61 = tpu.memref_slice %arg3[%mul3A_55, %dma_start3A] : memref<98304x16xf32, #tpu.memory_space<hbm>> -> memref<128x16xf32, #tpu.memory_space<hbm>>
      %dma_start3A_62 = arith.constant 0 : i32
      %dma_start3A_63 = tpu.memref_slice %arg3[%mul3A_55, %dma_start3A_62] : memref<98304x16xf32, #tpu.memory_space<hbm>> -> memref<128x16xf32, #tpu.memory_space<hbm>>
      tpu.enqueue_dma source(%dma_start3A_63 : memref<128x16xf32, #tpu.memory_space<hbm>>) target(%arg7 : memref<128x16xf32, #tpu.memory_space<vmem>>) target_semaphore(%arg10 : memref<!tpu.dma_semaphore, #tpu.memory_space<semaphore_mem>>)
      %dma_start3A_64 = arith.constant 0 : i32
      %dma_start3A_65 = tpu.memref_slice %arg3[%mul3A_60, %dma_start3A_64] : memref<98304x16xf32, #tpu.memory_space<hbm>> -> memref<128x16xf32, #tpu.memory_space<hbm>>
      %dma_start3A_66 = arith.constant 0 : i32
      %dma_start3A_67 = tpu.memref_slice %arg3[%mul3A_60, %dma_start3A_66] : memref<98304x16xf32, #tpu.memory_space<hbm>> -> memref<128x16xf32, #tpu.memory_space<hbm>>
      tpu.enqueue_dma source(%dma_start3A_67 : memref<128x16xf32, #tpu.memory_space<hbm>>) target(%arg8 : memref<128x16xf32, #tpu.memory_space<vmem>>) target_semaphore(%arg11 : memref<!tpu.dma_semaphore, #tpu.memory_space<semaphore_mem>>)
      %dma_wait3A = arith.constant 0 : i32
      %dma_wait3A_68 = tpu.memref_slice %arg3[%mul3A_55, %dma_wait3A] : memref<98304x16xf32, #tpu.memory_space<hbm>> -> memref<128x16xf32, #tpu.memory_space<hbm>>
      %dma_wait3A_69 = arith.constant 0 : i32
      %dma_wait3A_70 = tpu.memref_slice %arg3[%mul3A_55, %dma_wait3A_69] : memref<98304x16xf32, #tpu.memory_space<hbm>> -> memref<128x16xf32, #tpu.memory_space<hbm>>
      tpu.wait_dma2 semaphore(%arg10 : memref<!tpu.dma_semaphore, #tpu.memory_space<semaphore_mem>>) src(%dma_wait3A_70 : memref<128x16xf32, #tpu.memory_space<hbm>>) dst(%arg7 : memref<128x16xf32, #tpu.memory_space<vmem>>)
      %dma_start3A_71 = arith.constant 0 : i32
      %dma_start3A_72 = tpu.memref_slice %arg6[%mul3A_48, %dma_start3A_71] : memref<24x128xi32, #tpu.memory_space<vmem>> -> memref<1x128xi32, #tpu.memory_space<vmem>>
      %dma_start3A_73 = tpu.memref_squeeze %dma_start3A_72 : memref<1x128xi32, #tpu.memory_space<vmem>> -> memref<128xi32, #tpu.memory_space<vmem>>
      %dma_start3A_74 = arith.constant 0 : i32
      %dma_start3A_75 = arith.constant 0 : i32
      %dma_start3A_76 = tpu.memref_slice %arg9[%dma_start3A_74, %dma_start3A_75] : memref<10000x16xf32, #tpu.memory_space<vmem_shared>> -> memref<10000x16xf32, #tpu.memory_space<vmem_shared>>
      tpu.enqueue_indirect_dma source(%arg7 : memref<128x16xf32, #tpu.memory_space<vmem>>) target(%dma_start3A_76 : memref<10000x16xf32, #tpu.memory_space<vmem_shared>>) offsets(%dma_start3A_73 : memref<128xi32, #tpu.memory_space<vmem>>) semaphore(%arg12 : memref<!tpu.dma_semaphore, #tpu.memory_space<semaphore_mem>>) {add = true}
      %dma_wait3A_77 = arith.constant 0 : i32
      %dma_wait3A_78 = tpu.memref_slice %arg3[%mul3A_60, %dma_wait3A_77] : memref<98304x16xf32, #tpu.memory_space<hbm>> -> memref<128x16xf32, #tpu.memory_space<hbm>>
      %dma_wait3A_79 = arith.constant 0 : i32
      %dma_wait3A_80 = tpu.memref_slice %arg3[%mul3A_60, %dma_wait3A_79] : memref<98304x16xf32, #tpu.memory_space<hbm>> -> memref<128x16xf32, #tpu.memory_space<hbm>>
      tpu.wait_dma2 semaphore(%arg11 : memref<!tpu.dma_semaphore, #tpu.memory_space<semaphore_mem>>) src(%dma_wait3A_80 : memref<128x16xf32, #tpu.memory_space<hbm>>) dst(%arg8 : memref<128x16xf32, #tpu.memory_space<vmem>>)
      %dma_start3A_81 = arith.constant 0 : i32
      %dma_start3A_82 = tpu.memref_slice %arg6[%add3A_50, %dma_start3A_81] : memref<24x128xi32, #tpu.memory_space<vmem>> -> memref<1x128xi32, #tpu.memory_space<vmem>>
      %dma_start3A_83 = tpu.memref_squeeze %dma_start3A_82 : memref<1x128xi32, #tpu.memory_space<vmem>> -> memref<128xi32, #tpu.memory_space<vmem>>
      %dma_start3A_84 = arith.constant 0 : i32
      %dma_start3A_85 = arith.constant 0 : i32
      %dma_start3A_86 = tpu.memref_slice %arg9[%dma_start3A_84, %dma_start3A_85] : memref<10000x16xf32, #tpu.memory_space<vmem_shared>> -> memref<10000x16xf32, #tpu.memory_space<vmem_shared>>
      tpu.enqueue_indirect_dma source(%arg8 : memref<128x16xf32, #tpu.memory_space<vmem>>) target(%dma_start3A_86 : memref<10000x16xf32, #tpu.memory_space<vmem_shared>>) offsets(%dma_start3A_83 : memref<128xi32, #tpu.memory_space<vmem>>) semaphore(%arg13 : memref<!tpu.dma_semaphore, #tpu.memory_space<semaphore_mem>>) {add = true}
      %dma_wait3A_87 = arith.constant 0 : i32
      %dma_wait3A_88 = tpu.memref_slice %arg6[%mul3A_48, %dma_wait3A_87] : memref<24x128xi32, #tpu.memory_space<vmem>> -> memref<1x128xi32, #tpu.memory_space<vmem>>
      %dma_wait3A_89 = tpu.memref_squeeze %dma_wait3A_88 : memref<1x128xi32, #tpu.memory_space<vmem>> -> memref<128xi32, #tpu.memory_space<vmem>>
      %dma_wait3A_90 = arith.constant 0 : i32
      %dma_wait3A_91 = arith.constant 0 : i32
      %dma_wait3A_92 = tpu.memref_slice %arg9[%dma_wait3A_90, %dma_wait3A_91] : memref<10000x16xf32, #tpu.memory_space<vmem_shared>> -> memref<10000x16xf32, #tpu.memory_space<vmem_shared>>
      tpu.wait_indirect_dma semaphore(%arg12 : memref<!tpu.dma_semaphore, #tpu.memory_space<semaphore_mem>>) src(%arg7 : memref<128x16xf32, #tpu.memory_space<vmem>>) dst(%dma_wait3A_92 : memref<10000x16xf32, #tpu.memory_space<vmem_shared>>)
      %dma_wait3A_93 = arith.constant 0 : i32
      %dma_wait3A_94 = tpu.memref_slice %arg6[%add3A_50, %dma_wait3A_93] : memref<24x128xi32, #tpu.memory_space<vmem>> -> memref<1x128xi32, #tpu.memory_space<vmem>>
      %dma_wait3A_95 = tpu.memref_squeeze %dma_wait3A_94 : memref<1x128xi32, #tpu.memory_space<vmem>> -> memref<128xi32, #tpu.memory_space<vmem>>
      %dma_wait3A_96 = arith.constant 0 : i32
      %dma_wait3A_97 = arith.constant 0 : i32
      %dma_wait3A_98 = tpu.memref_slice %arg9[%dma_wait3A_96, %dma_wait3A_97] : memref<10000x16xf32, #tpu.memory_space<vmem_shared>> -> memref<10000x16xf32, #tpu.memory_space<vmem_shared>>
      tpu.wait_indirect_dma semaphore(%arg13 : memref<!tpu.dma_semaphore, #tpu.memory_space<semaphore_mem>>) src(%arg8 : memref<128x16xf32, #tpu.memory_space<vmem>>) dst(%dma_wait3A_98 : memref<10000x16xf32, #tpu.memory_space<vmem_shared>>)
    }
    %while3A_35 = arith.constant 1 : i32
    scf.for %while3A_46 = %while3A_33 to %while3A_29 step %while3A_35  : i32 {
      %mul3A_47 = arith.constant 2 : i32
      %mul3A_48 = arith.muli %mul3A_47, %while3A_46 : i32
      %add3A_49 = arith.constant 1 : i32
      %add3A_50 = arith.addi %mul3A_48, %add3A_49 : i32
      %mul3A_51 = arith.constant 24 : i32
      %mul3A_52 = arith.muli %add3A, %mul3A_51 : i32
      %add3A_53 = arith.addi %mul3A_52, %mul3A_48 : i32
      %mul3A_54 = arith.constant 128 : i32
      %mul3A_55 = arith.muli %add3A_53, %mul3A_54 : i32
      %mul3A_56 = arith.constant 24 : i32
      %mul3A_57 = arith.muli %add3A, %mul3A_56 : i32
      %add3A_58 = arith.addi %mul3A_57, %add3A_50 : i32
      %mul3A_59 = arith.constant 128 : i32
      %mul3A_60 = arith.muli %add3A_58, %mul3A_59 : i32
      %dma_start3A = arith.constant 0 : i32
      %dma_start3A_61 = tpu.memref_slice %arg3[%mul3A_55, %dma_start3A] : memref<98304x16xf32, #tpu.memory_space<hbm>> -> memref<128x16xf32, #tpu.memory_space<hbm>>
      %dma_start3A_62 = arith.constant 0 : i32
      %dma_start3A_63 = tpu.memref_slice %arg3[%mul3A_55, %dma_start3A_62] : memref<98304x16xf32, #tpu.memory_space<hbm>> -> memref<128x16xf32, #tpu.memory_space<hbm>>
      tpu.enqueue_dma source(%dma_start3A_63 : memref<128x16xf32, #tpu.memory_space<hbm>>) target(%arg7 : memref<128x16xf32, #tpu.memory_space<vmem>>) target_semaphore(%arg10 : memref<!tpu.dma_semaphore, #tpu.memory_space<semaphore_mem>>)
      %dma_start3A_64 = arith.constant 0 : i32
      %dma_start3A_65 = tpu.memref_slice %arg3[%mul3A_60, %dma_start3A_64] : memref<98304x16xf32, #tpu.memory_space<hbm>> -> memref<128x16xf32, #tpu.memory_space<hbm>>
      %dma_start3A_66 = arith.constant 0 : i32
      %dma_start3A_67 = tpu.memref_slice %arg3[%mul3A_60, %dma_start3A_66] : memref<98304x16xf32, #tpu.memory_space<hbm>> -> memref<128x16xf32, #tpu.memory_space<hbm>>
      tpu.enqueue_dma source(%dma_start3A_67 : memref<128x16xf32, #tpu.memory_space<hbm>>) target(%arg8 : memref<128x16xf32, #tpu.memory_space<vmem>>) target_semaphore(%arg11 : memref<!tpu.dma_semaphore, #tpu.memory_space<semaphore_mem>>)
      %dma_wait3A = arith.constant 0 : i32
      %dma_wait3A_68 = tpu.memref_slice %arg3[%mul3A_55, %dma_wait3A] : memref<98304x16xf32, #tpu.memory_space<hbm>> -> memref<128x16xf32, #tpu.memory_space<hbm>>
      %dma_wait3A_69 = arith.constant 0 : i32
      %dma_wait3A_70 = tpu.memref_slice %arg3[%mul3A_55, %dma_wait3A_69] : memref<98304x16xf32, #tpu.memory_space<hbm>> -> memref<128x16xf32, #tpu.memory_space<hbm>>
      tpu.wait_dma2 semaphore(%arg10 : memref<!tpu.dma_semaphore, #tpu.memory_space<semaphore_mem>>) src(%dma_wait3A_70 : memref<128x16xf32, #tpu.memory_space<hbm>>) dst(%arg7 : memref<128x16xf32, #tpu.memory_space<vmem>>)
      %dma_start3A_71 = arith.constant 0 : i32
      %dma_start3A_72 = tpu.memref_slice %arg6[%mul3A_48, %dma_start3A_71] : memref<24x128xi32, #tpu.memory_space<vmem>> -> memref<1x128xi32, #tpu.memory_space<vmem>>
      %dma_start3A_73 = tpu.memref_squeeze %dma_start3A_72 : memref<1x128xi32, #tpu.memory_space<vmem>> -> memref<128xi32, #tpu.memory_space<vmem>>
      %dma_start3A_74 = arith.constant 0 : i32
      %dma_start3A_75 = arith.constant 0 : i32
      %dma_start3A_76 = tpu.memref_slice %arg9[%dma_start3A_74, %dma_start3A_75] : memref<10000x16xf32, #tpu.memory_space<vmem_shared>> -> memref<10000x16xf32, #tpu.memory_space<vmem_shared>>
      tpu.enqueue_indirect_dma source(%arg7 : memref<128x16xf32, #tpu.memory_space<vmem>>) target(%dma_start3A_76 : memref<10000x16xf32, #tpu.memory_space<vmem_shared>>) offsets(%dma_start3A_73 : memref<128xi32, #tpu.memory_space<vmem>>) semaphore(%arg12 : memref<!tpu.dma_semaphore, #tpu.memory_space<semaphore_mem>>) {add = true}
      %dma_wait3A_77 = arith.constant 0 : i32
      %dma_wait3A_78 = tpu.memref_slice %arg3[%mul3A_60, %dma_wait3A_77] : memref<98304x16xf32, #tpu.memory_space<hbm>> -> memref<128x16xf32, #tpu.memory_space<hbm>>
      %dma_wait3A_79 = arith.constant 0 : i32
      %dma_wait3A_80 = tpu.memref_slice %arg3[%mul3A_60, %dma_wait3A_79] : memref<98304x16xf32, #tpu.memory_space<hbm>> -> memref<128x16xf32, #tpu.memory_space<hbm>>
      tpu.wait_dma2 semaphore(%arg11 : memref<!tpu.dma_semaphore, #tpu.memory_space<semaphore_mem>>) src(%dma_wait3A_80 : memref<128x16xf32, #tpu.memory_space<hbm>>) dst(%arg8 : memref<128x16xf32, #tpu.memory_space<vmem>>)
      %dma_start3A_81 = arith.constant 0 : i32
      %dma_start3A_82 = tpu.memref_slice %arg6[%add3A_50, %dma_start3A_81] : memref<24x128xi32, #tpu.memory_space<vmem>> -> memref<1x128xi32, #tpu.memory_space<vmem>>
      %dma_start3A_83 = tpu.memref_squeeze %dma_start3A_82 : memref<1x128xi32, #tpu.memory_space<vmem>> -> memref<128xi32, #tpu.memory_space<vmem>>
      %dma_start3A_84 = arith.constant 0 : i32
      %dma_start3A_85 = arith.constant 0 : i32
      %dma_start3A_86 = tpu.memref_slice %arg9[%dma_start3A_84, %dma_start3A_85] : memref<10000x16xf32, #tpu.memory_space<vmem_shared>> -> memref<10000x16xf32, #tpu.memory_space<vmem_shared>>
      tpu.enqueue_indirect_dma source(%arg8 : memref<128x16xf32, #tpu.memory_space<vmem>>) target(%dma_start3A_86 : memref<10000x16xf32, #tpu.memory_space<vmem_shared>>) offsets(%dma_start3A_83 : memref<128xi32, #tpu.memory_space<vmem>>) semaphore(%arg13 : memref<!tpu.dma_semaphore, #tpu.memory_space<semaphore_mem>>) {add = true}
      %dma_wait3A_87 = arith.constant 0 : i32
      %dma_wait3A_88 = tpu.memref_slice %arg6[%mul3A_48, %dma_wait3A_87] : memref<24x128xi32, #tpu.memory_space<vmem>> -> memref<1x128xi32, #tpu.memory_space<vmem>>
      %dma_wait3A_89 = tpu.memref_squeeze %dma_wait3A_88 : memref<1x128xi32, #tpu.memory_space<vmem>> -> memref<128xi32, #tpu.memory_space<vmem>>
      %dma_wait3A_90 = arith.constant 0 : i32
      %dma_wait3A_91 = arith.constant 0 : i32
      %dma_wait3A_92 = tpu.memref_slice %arg9[%dma_wait3A_90, %dma_wait3A_91] : memref<10000x16xf32, #tpu.memory_space<vmem_shared>> -> memref<10000x16xf32, #tpu.memory_space<vmem_shared>>
      tpu.wait_indirect_dma semaphore(%arg12 : memref<!tpu.dma_semaphore, #tpu.memory_space<semaphore_mem>>) src(%arg7 : memref<128x16xf32, #tpu.memory_space<vmem>>) dst(%dma_wait3A_92 : memref<10000x16xf32, #tpu.memory_space<vmem_shared>>)
      %dma_wait3A_93 = arith.constant 0 : i32
      %dma_wait3A_94 = tpu.memref_slice %arg6[%add3A_50, %dma_wait3A_93] : memref<24x128xi32, #tpu.memory_space<vmem>> -> memref<1x128xi32, #tpu.memory_space<vmem>>
      %dma_wait3A_95 = tpu.memref_squeeze %dma_wait3A_94 : memref<1x128xi32, #tpu.memory_space<vmem>> -> memref<128xi32, #tpu.memory_space<vmem>>
      %dma_wait3A_96 = arith.constant 0 : i32
      %dma_wait3A_97 = arith.constant 0 : i32
      %dma_wait3A_98 = tpu.memref_slice %arg9[%dma_wait3A_96, %dma_wait3A_97] : memref<10000x16xf32, #tpu.memory_space<vmem_shared>> -> memref<10000x16xf32, #tpu.memory_space<vmem_shared>>
      tpu.wait_indirect_dma semaphore(%arg13 : memref<!tpu.dma_semaphore, #tpu.memory_space<semaphore_mem>>) src(%arg8 : memref<128x16xf32, #tpu.memory_space<vmem>>) dst(%dma_wait3A_98 : memref<10000x16xf32, #tpu.memory_space<vmem_shared>>)
    }
    %barrier3A_36 = arith.constant 0 : index
    tpu.barrier barrier_id(%barrier3A_36)
    %lt3A = arith.constant 15 : i32
    %lt3A_37 = arith.cmpi slt, %arg1, %lt3A : i32
    %convert_element_type3A_38 = arith.extui %lt3A_37 : i1 to i32
    %cond3A_39 = arith.constant 0 : i32
    %cond3A_40 = arith.cmpi ne, %convert_element_type3A_38, %cond3A_39 : i32
    scf.if %cond3A_40 {
      %mul3A_46 = arith.constant 624 : i32
      %mul3A_47 = arith.muli %arg1, %mul3A_46 : i32
      %mul3A_48 = arith.constant 624 : i32
      %mul3A_49 = arith.muli %arg1, %mul3A_48 : i32
      "tpu.region"() ({
        %run_scoped3A = tpu.sem_alloc : memref<!tpu.dma_semaphore, #tpu.memory_space<semaphore_mem>>
        %dma_start3A = arith.constant 0 : i32
        %dma_start3A_50 = tpu.memref_slice %arg5[%arg0, %mul3A_49, %dma_start3A] : memref<2x10000x16xf32, #tpu.memory_space<hbm>> -> memref<1x624x16xf32, #tpu.memory_space<hbm>>
        %dma_start3A_51 = tpu.memref_squeeze %dma_start3A_50 : memref<1x624x16xf32, #tpu.memory_space<hbm>> -> memref<624x16xf32, #tpu.memory_space<hbm>>
        %dma_start3A_52 = arith.constant 0 : i32
        %dma_start3A_53 = tpu.memref_slice %arg9[%mul3A_47, %dma_start3A_52] : memref<10000x16xf32, #tpu.memory_space<vmem_shared>> -> memref<624x16xf32, #tpu.memory_space<vmem_shared>>
        tpu.enqueue_dma source(%dma_start3A_53 : memref<624x16xf32, #tpu.memory_space<vmem_shared>>) target(%dma_start3A_51 : memref<624x16xf32, #tpu.memory_space<hbm>>) target_semaphore(%run_scoped3A : memref<!tpu.dma_semaphore, #tpu.memory_space<semaphore_mem>>)
        %dma_wait3A = arith.constant 0 : i32
        %dma_wait3A_54 = tpu.memref_slice %arg5[%arg0, %mul3A_49, %dma_wait3A] : memref<2x10000x16xf32, #tpu.memory_space<hbm>> -> memref<1x624x16xf32, #tpu.memory_space<hbm>>
        %dma_wait3A_55 = tpu.memref_squeeze %dma_wait3A_54 : memref<1x624x16xf32, #tpu.memory_space<hbm>> -> memref<624x16xf32, #tpu.memory_space<hbm>>
        %dma_wait3A_56 = arith.constant 0 : i32
        %dma_wait3A_57 = tpu.memref_slice %arg9[%mul3A_47, %dma_wait3A_56] : memref<10000x16xf32, #tpu.memory_space<vmem_shared>> -> memref<624x16xf32, #tpu.memory_space<vmem_shared>>
        tpu.wait_dma2 semaphore(%run_scoped3A : memref<!tpu.dma_semaphore, #tpu.memory_space<semaphore_mem>>) src(%dma_wait3A_57 : memref<624x16xf32, #tpu.memory_space<vmem_shared>>) dst(%dma_wait3A_55 : memref<624x16xf32, #tpu.memory_space<hbm>>)
        tpu.yield
      }) : () -> ()
    } else {
    }
    %eq3A_41 = arith.constant 15 : i32
    %eq3A_42 = arith.cmpi eq, %arg1, %eq3A_41 : i32
    %convert_element_type3A_43 = arith.extui %eq3A_42 : i1 to i32
    %cond3A_44 = arith.constant 0 : i32
    %cond3A_45 = arith.cmpi ne, %convert_element_type3A_43, %cond3A_44 : i32
    scf.if %cond3A_45 {
      "tpu.region"() ({
        %run_scoped3A = tpu.sem_alloc : memref<!tpu.dma_semaphore, #tpu.memory_space<semaphore_mem>>
        %dma_start3A = arith.constant 9360 : i32
        %dma_start3A_46 = arith.constant 0 : i32
        %dma_start3A_47 = tpu.memref_slice %arg5[%arg0, %dma_start3A, %dma_start3A_46] : memref<2x10000x16xf32, #tpu.memory_space<hbm>> -> memref<1x640x16xf32, #tpu.memory_space<hbm>>
        %dma_start3A_48 = tpu.memref_squeeze %dma_start3A_47 : memref<1x640x16xf32, #tpu.memory_space<hbm>> -> memref<640x16xf32, #tpu.memory_space<hbm>>
        %dma_start3A_49 = arith.constant 9360 : i32
        %dma_start3A_50 = arith.constant 0 : i32
        %dma_start3A_51 = tpu.memref_slice %arg9[%dma_start3A_49, %dma_start3A_50] : memref<10000x16xf32, #tpu.memory_space<vmem_shared>> -> memref<640x16xf32, #tpu.memory_space<vmem_shared>>
        tpu.enqueue_dma source(%dma_start3A_51 : memref<640x16xf32, #tpu.memory_space<vmem_shared>>) target(%dma_start3A_48 : memref<640x16xf32, #tpu.memory_space<hbm>>) target_semaphore(%run_scoped3A : memref<!tpu.dma_semaphore, #tpu.memory_space<semaphore_mem>>)
        %dma_wait3A = arith.constant 9360 : i32
        %dma_wait3A_52 = arith.constant 0 : i32
        %dma_wait3A_53 = tpu.memref_slice %arg5[%arg0, %dma_wait3A, %dma_wait3A_52] : memref<2x10000x16xf32, #tpu.memory_space<hbm>> -> memref<1x640x16xf32, #tpu.memory_space<hbm>>
        %dma_wait3A_54 = tpu.memref_squeeze %dma_wait3A_53 : memref<1x640x16xf32, #tpu.memory_space<hbm>> -> memref<640x16xf32, #tpu.memory_space<hbm>>
        %dma_wait3A_55 = arith.constant 9360 : i32
        %dma_wait3A_56 = arith.constant 0 : i32
        %dma_wait3A_57 = tpu.memref_slice %arg9[%dma_wait3A_55, %dma_wait3A_56] : memref<10000x16xf32, #tpu.memory_space<vmem_shared>> -> memref<640x16xf32, #tpu.memory_space<vmem_shared>>
        tpu.wait_dma2 semaphore(%run_scoped3A : memref<!tpu.dma_semaphore, #tpu.memory_space<semaphore_mem>>) src(%dma_wait3A_57 : memref<640x16xf32, #tpu.memory_space<vmem_shared>>) dst(%dma_wait3A_54 : memref<640x16xf32, #tpu.memory_space<hbm>>)
        tpu.yield
      }) : () -> ()
    } else {
    }
    return
  }
}

#map = affine_map<(d0, d1) -> (0, 0)>
module attributes {stable_mosaic.version = 14 : i64} {
  func.func @gather_x(%arg0: i32, %arg1: i32, %arg2: memref<10000x128xf32, #tpu.memory_space<hbm>>, %arg3: memref<1280x128xi32, #tpu.memory_space<hbm>>, %arg4: memref<65536x128xf32, #tpu.memory_space<hbm>>, %arg5: memref<16x128xi32, #tpu.memory_space<vmem>>, %arg6: memref<128x128xf32, #tpu.memory_space<vmem>>, %arg7: memref<128x128xf32, #tpu.memory_space<vmem>>, %arg8: memref<!tpu.dma_semaphore, #tpu.memory_space<semaphore_mem>>, %arg9: memref<!tpu.dma_semaphore, #tpu.memory_space<semaphore_mem>>) attributes {dimension_semantics = [#tpu.dimension_semantics<core_parallel>, #tpu.dimension_semantics<subcore_parallel>], iteration_bounds = array<i64: 2, 16>, scalar_prefetch = 0 : i64, scratch_operands = 5 : i64, tpu.core_type = #tpu.core_type<sc_vector_subcore>, window_params = [{transform_indices = #map}, {transform_indices = #map}, {transform_indices = #map}]} {
    %mul3A = arith.constant 2 : i32
    %mul3A_0 = arith.muli %arg1, %mul3A : i32
    %add3A = arith.addi %mul3A_0, %arg0 : i32
    %mul3A_1 = arith.constant 16 : i32
    %mul3A_2 = arith.muli %add3A, %mul3A_1 : i32
    %add3A_3 = arith.constant 768 : i32
    %add3A_4 = arith.addi %add3A_3, %mul3A_2 : i32
    "tpu.region"() ({
      %run_scoped3A = tpu.sem_alloc : memref<!tpu.dma_semaphore, #tpu.memory_space<semaphore_mem>>
      %dma_start3A = arith.constant 0 : i32
      %dma_start3A_34 = tpu.memref_slice %arg3[%add3A_4, %dma_start3A] : memref<1280x128xi32, #tpu.memory_space<hbm>> -> memref<16x128xi32, #tpu.memory_space<hbm>>
      %dma_start3A_35 = arith.constant 0 : i32
      %dma_start3A_36 = tpu.memref_slice %arg3[%add3A_4, %dma_start3A_35] : memref<1280x128xi32, #tpu.memory_space<hbm>> -> memref<16x128xi32, #tpu.memory_space<hbm>>
      tpu.enqueue_dma source(%dma_start3A_36 : memref<16x128xi32, #tpu.memory_space<hbm>>) target(%arg5 : memref<16x128xi32, #tpu.memory_space<vmem>>) target_semaphore(%run_scoped3A : memref<!tpu.dma_semaphore, #tpu.memory_space<semaphore_mem>>)
      %dma_wait3A = arith.constant 0 : i32
      %dma_wait3A_37 = tpu.memref_slice %arg3[%add3A_4, %dma_wait3A] : memref<1280x128xi32, #tpu.memory_space<hbm>> -> memref<16x128xi32, #tpu.memory_space<hbm>>
      %dma_wait3A_38 = arith.constant 0 : i32
      %dma_wait3A_39 = tpu.memref_slice %arg3[%add3A_4, %dma_wait3A_38] : memref<1280x128xi32, #tpu.memory_space<hbm>> -> memref<16x128xi32, #tpu.memory_space<hbm>>
      tpu.wait_dma2 semaphore(%run_scoped3A : memref<!tpu.dma_semaphore, #tpu.memory_space<semaphore_mem>>) src(%dma_wait3A_39 : memref<16x128xi32, #tpu.memory_space<hbm>>) dst(%arg5 : memref<16x128xi32, #tpu.memory_space<vmem>>)
      tpu.yield
    }) : () -> ()
    %sub3A = arith.constant 1250 : i32
    %sub3A_5 = arith.subi %sub3A, %add3A_4 : i32
    %jit3A = arith.constant 0 : i32
    %jit3A_6 = arith.constant 16 : i32
    %max3A = arith.maxsi %jit3A, %sub3A_5 : i32
    %min3A = arith.minsi %jit3A_6, %max3A : i32
    %jit3A_7 = arith.constant 2 : i32
    %div3A = arith.divsi %min3A, %jit3A_7 : i32
    %sign3A = arith.constant 0 : i32
    %sign3A_8 = arith.cmpi sgt, %min3A, %sign3A : i32
    %sign3A_9 = arith.extui %sign3A_8 : i1 to i32
    %sign3A_10 = arith.constant 0 : i32
    %sign3A_11 = arith.cmpi slt, %min3A, %sign3A_10 : i32
    %sign3A_12 = arith.extui %sign3A_11 : i1 to i32
    %sign3A_13 = arith.subi %sign3A_9, %sign3A_12 : i32
    %sign3A_14 = arith.constant 0 : i32
    %sign3A_15 = arith.cmpi sgt, %jit3A_7, %sign3A_14 : i32
    %sign3A_16 = arith.extui %sign3A_15 : i1 to i32
    %sign3A_17 = arith.constant 0 : i32
    %sign3A_18 = arith.cmpi slt, %jit3A_7, %sign3A_17 : i32
    %sign3A_19 = arith.extui %sign3A_18 : i1 to i32
    %sign3A_20 = arith.subi %sign3A_16, %sign3A_19 : i32
    %ne3A = arith.cmpi ne, %sign3A_13, %sign3A_20 : i32
    %rem3A = arith.remsi %min3A, %jit3A_7 : i32
    %ne3A_21 = arith.constant 0 : i32
    %ne3A_22 = arith.cmpi ne, %rem3A, %ne3A_21 : i32
    %and3A = arith.andi %ne3A, %ne3A_22 : i1
    %sub3A_23 = arith.constant 1 : i32
    %sub3A_24 = arith.subi %div3A, %sub3A_23 : i32
    %select_n3A = arith.select %and3A, %sub3A_24, %div3A : i32
    %while3A = arith.constant 0 : i32
    %while3A_25 = arith.constant 0 : i32
    %while3A_26 = arith.subi %select_n3A, %while3A_25 : i32
    %while3A_27 = arith.addi %while3A_25, %while3A_26 : i32
    %while3A_28 = arith.constant 1 : i32
    %while3A_29 = arith.divsi %while3A_26, %while3A_28 : i32
    %while3A_30 = arith.muli %while3A_29, %while3A_28 : i32
    %while3A_31 = arith.addi %while3A_25, %while3A_30 : i32
    %while3A_32 = arith.constant 1 : i32
    scf.for %while3A_34 = %while3A_25 to %while3A_31 step %while3A_32  : i32 {
      %mul3A_35 = arith.constant 2 : i32
      %mul3A_36 = arith.muli %mul3A_35, %while3A_34 : i32
      %add3A_37 = arith.constant 1 : i32
      %add3A_38 = arith.addi %mul3A_36, %add3A_37 : i32
      %dma_start3A = arith.constant 0 : i32
      %dma_start3A_39 = tpu.memref_slice %arg5[%mul3A_36, %dma_start3A] : memref<16x128xi32, #tpu.memory_space<vmem>> -> memref<1x128xi32, #tpu.memory_space<vmem>>
      %dma_start3A_40 = tpu.memref_squeeze %dma_start3A_39 : memref<1x128xi32, #tpu.memory_space<vmem>> -> memref<128xi32, #tpu.memory_space<vmem>>
      %dma_start3A_41 = arith.constant 0 : i32
      %dma_start3A_42 = arith.constant 0 : i32
      %dma_start3A_43 = tpu.memref_slice %arg2[%dma_start3A_41, %dma_start3A_42] : memref<10000x128xf32, #tpu.memory_space<hbm>> -> memref<10000x128xf32, #tpu.memory_space<hbm>>
      tpu.enqueue_indirect_dma source(%dma_start3A_43 : memref<10000x128xf32, #tpu.memory_space<hbm>>) target(%arg6 : memref<128x128xf32, #tpu.memory_space<vmem>>) offsets(%dma_start3A_40 : memref<128xi32, #tpu.memory_space<vmem>>) semaphore(%arg8 : memref<!tpu.dma_semaphore, #tpu.memory_space<semaphore_mem>>)
      %dma_start3A_44 = arith.constant 0 : i32
      %dma_start3A_45 = tpu.memref_slice %arg5[%add3A_38, %dma_start3A_44] : memref<16x128xi32, #tpu.memory_space<vmem>> -> memref<1x128xi32, #tpu.memory_space<vmem>>
      %dma_start3A_46 = tpu.memref_squeeze %dma_start3A_45 : memref<1x128xi32, #tpu.memory_space<vmem>> -> memref<128xi32, #tpu.memory_space<vmem>>
      %dma_start3A_47 = arith.constant 0 : i32
      %dma_start3A_48 = arith.constant 0 : i32
      %dma_start3A_49 = tpu.memref_slice %arg2[%dma_start3A_47, %dma_start3A_48] : memref<10000x128xf32, #tpu.memory_space<hbm>> -> memref<10000x128xf32, #tpu.memory_space<hbm>>
      tpu.enqueue_indirect_dma source(%dma_start3A_49 : memref<10000x128xf32, #tpu.memory_space<hbm>>) target(%arg7 : memref<128x128xf32, #tpu.memory_space<vmem>>) offsets(%dma_start3A_46 : memref<128xi32, #tpu.memory_space<vmem>>) semaphore(%arg9 : memref<!tpu.dma_semaphore, #tpu.memory_space<semaphore_mem>>)
      %dma_wait3A = arith.constant 0 : i32
      %dma_wait3A_50 = tpu.memref_slice %arg5[%mul3A_36, %dma_wait3A] : memref<16x128xi32, #tpu.memory_space<vmem>> -> memref<1x128xi32, #tpu.memory_space<vmem>>
      %dma_wait3A_51 = tpu.memref_squeeze %dma_wait3A_50 : memref<1x128xi32, #tpu.memory_space<vmem>> -> memref<128xi32, #tpu.memory_space<vmem>>
      %dma_wait3A_52 = arith.constant 0 : i32
      %dma_wait3A_53 = arith.constant 0 : i32
      %dma_wait3A_54 = tpu.memref_slice %arg2[%dma_wait3A_52, %dma_wait3A_53] : memref<10000x128xf32, #tpu.memory_space<hbm>> -> memref<10000x128xf32, #tpu.memory_space<hbm>>
      tpu.wait_indirect_dma semaphore(%arg8 : memref<!tpu.dma_semaphore, #tpu.memory_space<semaphore_mem>>) src(%dma_wait3A_54 : memref<10000x128xf32, #tpu.memory_space<hbm>>) dst(%arg6 : memref<128x128xf32, #tpu.memory_space<vmem>>)
      %mul3A_55 = arith.constant 16 : i32
      %mul3A_56 = arith.muli %add3A, %mul3A_55 : i32
      %add3A_57 = arith.addi %mul3A_56, %mul3A_36 : i32
      %mul3A_58 = arith.constant 128 : i32
      %mul3A_59 = arith.muli %add3A_57, %mul3A_58 : i32
      "tpu.region"() ({
        %run_scoped3A = tpu.sem_alloc : memref<!tpu.dma_semaphore, #tpu.memory_space<semaphore_mem>>
        %dma_start3A_71 = arith.constant 0 : i32
        %dma_start3A_72 = tpu.memref_slice %arg4[%mul3A_59, %dma_start3A_71] : memref<65536x128xf32, #tpu.memory_space<hbm>> -> memref<128x128xf32, #tpu.memory_space<hbm>>
        %dma_start3A_73 = arith.constant 0 : i32
        %dma_start3A_74 = tpu.memref_slice %arg4[%mul3A_59, %dma_start3A_73] : memref<65536x128xf32, #tpu.memory_space<hbm>> -> memref<128x128xf32, #tpu.memory_space<hbm>>
        tpu.enqueue_dma source(%arg6 : memref<128x128xf32, #tpu.memory_space<vmem>>) target(%dma_start3A_74 : memref<128x128xf32, #tpu.memory_space<hbm>>) target_semaphore(%run_scoped3A : memref<!tpu.dma_semaphore, #tpu.memory_space<semaphore_mem>>)
        %dma_wait3A_75 = arith.constant 0 : i32
        %dma_wait3A_76 = tpu.memref_slice %arg4[%mul3A_59, %dma_wait3A_75] : memref<65536x128xf32, #tpu.memory_space<hbm>> -> memref<128x128xf32, #tpu.memory_space<hbm>>
        %dma_wait3A_77 = arith.constant 0 : i32
        %dma_wait3A_78 = tpu.memref_slice %arg4[%mul3A_59, %dma_wait3A_77] : memref<65536x128xf32, #tpu.memory_space<hbm>> -> memref<128x128xf32, #tpu.memory_space<hbm>>
        tpu.wait_dma2 semaphore(%run_scoped3A : memref<!tpu.dma_semaphore, #tpu.memory_space<semaphore_mem>>) src(%arg6 : memref<128x128xf32, #tpu.memory_space<vmem>>) dst(%dma_wait3A_78 : memref<128x128xf32, #tpu.memory_space<hbm>>)
        tpu.yield
      }) : () -> ()
      %dma_wait3A_60 = arith.constant 0 : i32
      %dma_wait3A_61 = tpu.memref_slice %arg5[%add3A_38, %dma_wait3A_60] : memref<16x128xi32, #tpu.memory_space<vmem>> -> memref<1x128xi32, #tpu.memory_space<vmem>>
      %dma_wait3A_62 = tpu.memref_squeeze %dma_wait3A_61 : memref<1x128xi32, #tpu.memory_space<vmem>> -> memref<128xi32, #tpu.memory_space<vmem>>
      %dma_wait3A_63 = arith.constant 0 : i32
      %dma_wait3A_64 = arith.constant 0 : i32
      %dma_wait3A_65 = tpu.memref_slice %arg2[%dma_wait3A_63, %dma_wait3A_64] : memref<10000x128xf32, #tpu.memory_space<hbm>> -> memref<10000x128xf32, #tpu.memory_space<hbm>>
      tpu.wait_indirect_dma semaphore(%arg9 : memref<!tpu.dma_semaphore, #tpu.memory_space<semaphore_mem>>) src(%dma_wait3A_65 : memref<10000x128xf32, #tpu.memory_space<hbm>>) dst(%arg7 : memref<128x128xf32, #tpu.memory_space<vmem>>)
      %mul3A_66 = arith.constant 16 : i32
      %mul3A_67 = arith.muli %add3A, %mul3A_66 : i32
      %add3A_68 = arith.addi %mul3A_67, %add3A_38 : i32
      %mul3A_69 = arith.constant 128 : i32
      %mul3A_70 = arith.muli %add3A_68, %mul3A_69 : i32
      "tpu.region"() ({
        %run_scoped3A = tpu.sem_alloc : memref<!tpu.dma_semaphore, #tpu.memory_space<semaphore_mem>>
        %dma_start3A_71 = arith.constant 0 : i32
        %dma_start3A_72 = tpu.memref_slice %arg4[%mul3A_70, %dma_start3A_71] : memref<65536x128xf32, #tpu.memory_space<hbm>> -> memref<128x128xf32, #tpu.memory_space<hbm>>
        %dma_start3A_73 = arith.constant 0 : i32
        %dma_start3A_74 = tpu.memref_slice %arg4[%mul3A_70, %dma_start3A_73] : memref<65536x128xf32, #tpu.memory_space<hbm>> -> memref<128x128xf32, #tpu.memory_space<hbm>>
        tpu.enqueue_dma source(%arg7 : memref<128x128xf32, #tpu.memory_space<vmem>>) target(%dma_start3A_74 : memref<128x128xf32, #tpu.memory_space<hbm>>) target_semaphore(%run_scoped3A : memref<!tpu.dma_semaphore, #tpu.memory_space<semaphore_mem>>)
        %dma_wait3A_75 = arith.constant 0 : i32
        %dma_wait3A_76 = tpu.memref_slice %arg4[%mul3A_70, %dma_wait3A_75] : memref<65536x128xf32, #tpu.memory_space<hbm>> -> memref<128x128xf32, #tpu.memory_space<hbm>>
        %dma_wait3A_77 = arith.constant 0 : i32
        %dma_wait3A_78 = tpu.memref_slice %arg4[%mul3A_70, %dma_wait3A_77] : memref<65536x128xf32, #tpu.memory_space<hbm>> -> memref<128x128xf32, #tpu.memory_space<hbm>>
        tpu.wait_dma2 semaphore(%run_scoped3A : memref<!tpu.dma_semaphore, #tpu.memory_space<semaphore_mem>>) src(%arg7 : memref<128x128xf32, #tpu.memory_space<vmem>>) dst(%dma_wait3A_78 : memref<128x128xf32, #tpu.memory_space<hbm>>)
        tpu.yield
      }) : () -> ()
    }
    %while3A_33 = arith.constant 1 : i32
    scf.for %while3A_34 = %while3A_31 to %while3A_27 step %while3A_33  : i32 {
      %mul3A_35 = arith.constant 2 : i32
      %mul3A_36 = arith.muli %mul3A_35, %while3A_34 : i32
      %add3A_37 = arith.constant 1 : i32
      %add3A_38 = arith.addi %mul3A_36, %add3A_37 : i32
      %dma_start3A = arith.constant 0 : i32
      %dma_start3A_39 = tpu.memref_slice %arg5[%mul3A_36, %dma_start3A] : memref<16x128xi32, #tpu.memory_space<vmem>> -> memref<1x128xi32, #tpu.memory_space<vmem>>
      %dma_start3A_40 = tpu.memref_squeeze %dma_start3A_39 : memref<1x128xi32, #tpu.memory_space<vmem>> -> memref<128xi32, #tpu.memory_space<vmem>>
      %dma_start3A_41 = arith.constant 0 : i32
      %dma_start3A_42 = arith.constant 0 : i32
      %dma_start3A_43 = tpu.memref_slice %arg2[%dma_start3A_41, %dma_start3A_42] : memref<10000x128xf32, #tpu.memory_space<hbm>> -> memref<10000x128xf32, #tpu.memory_space<hbm>>
      tpu.enqueue_indirect_dma source(%dma_start3A_43 : memref<10000x128xf32, #tpu.memory_space<hbm>>) target(%arg6 : memref<128x128xf32, #tpu.memory_space<vmem>>) offsets(%dma_start3A_40 : memref<128xi32, #tpu.memory_space<vmem>>) semaphore(%arg8 : memref<!tpu.dma_semaphore, #tpu.memory_space<semaphore_mem>>)
      %dma_start3A_44 = arith.constant 0 : i32
      %dma_start3A_45 = tpu.memref_slice %arg5[%add3A_38, %dma_start3A_44] : memref<16x128xi32, #tpu.memory_space<vmem>> -> memref<1x128xi32, #tpu.memory_space<vmem>>
      %dma_start3A_46 = tpu.memref_squeeze %dma_start3A_45 : memref<1x128xi32, #tpu.memory_space<vmem>> -> memref<128xi32, #tpu.memory_space<vmem>>
      %dma_start3A_47 = arith.constant 0 : i32
      %dma_start3A_48 = arith.constant 0 : i32
      %dma_start3A_49 = tpu.memref_slice %arg2[%dma_start3A_47, %dma_start3A_48] : memref<10000x128xf32, #tpu.memory_space<hbm>> -> memref<10000x128xf32, #tpu.memory_space<hbm>>
      tpu.enqueue_indirect_dma source(%dma_start3A_49 : memref<10000x128xf32, #tpu.memory_space<hbm>>) target(%arg7 : memref<128x128xf32, #tpu.memory_space<vmem>>) offsets(%dma_start3A_46 : memref<128xi32, #tpu.memory_space<vmem>>) semaphore(%arg9 : memref<!tpu.dma_semaphore, #tpu.memory_space<semaphore_mem>>)
      %dma_wait3A = arith.constant 0 : i32
      %dma_wait3A_50 = tpu.memref_slice %arg5[%mul3A_36, %dma_wait3A] : memref<16x128xi32, #tpu.memory_space<vmem>> -> memref<1x128xi32, #tpu.memory_space<vmem>>
      %dma_wait3A_51 = tpu.memref_squeeze %dma_wait3A_50 : memref<1x128xi32, #tpu.memory_space<vmem>> -> memref<128xi32, #tpu.memory_space<vmem>>
      %dma_wait3A_52 = arith.constant 0 : i32
      %dma_wait3A_53 = arith.constant 0 : i32
      %dma_wait3A_54 = tpu.memref_slice %arg2[%dma_wait3A_52, %dma_wait3A_53] : memref<10000x128xf32, #tpu.memory_space<hbm>> -> memref<10000x128xf32, #tpu.memory_space<hbm>>
      tpu.wait_indirect_dma semaphore(%arg8 : memref<!tpu.dma_semaphore, #tpu.memory_space<semaphore_mem>>) src(%dma_wait3A_54 : memref<10000x128xf32, #tpu.memory_space<hbm>>) dst(%arg6 : memref<128x128xf32, #tpu.memory_space<vmem>>)
      %mul3A_55 = arith.constant 16 : i32
      %mul3A_56 = arith.muli %add3A, %mul3A_55 : i32
      %add3A_57 = arith.addi %mul3A_56, %mul3A_36 : i32
      %mul3A_58 = arith.constant 128 : i32
      %mul3A_59 = arith.muli %add3A_57, %mul3A_58 : i32
      "tpu.region"() ({
        %run_scoped3A = tpu.sem_alloc : memref<!tpu.dma_semaphore, #tpu.memory_space<semaphore_mem>>
        %dma_start3A_71 = arith.constant 0 : i32
        %dma_start3A_72 = tpu.memref_slice %arg4[%mul3A_59, %dma_start3A_71] : memref<65536x128xf32, #tpu.memory_space<hbm>> -> memref<128x128xf32, #tpu.memory_space<hbm>>
        %dma_start3A_73 = arith.constant 0 : i32
        %dma_start3A_74 = tpu.memref_slice %arg4[%mul3A_59, %dma_start3A_73] : memref<65536x128xf32, #tpu.memory_space<hbm>> -> memref<128x128xf32, #tpu.memory_space<hbm>>
        tpu.enqueue_dma source(%arg6 : memref<128x128xf32, #tpu.memory_space<vmem>>) target(%dma_start3A_74 : memref<128x128xf32, #tpu.memory_space<hbm>>) target_semaphore(%run_scoped3A : memref<!tpu.dma_semaphore, #tpu.memory_space<semaphore_mem>>)
        %dma_wait3A_75 = arith.constant 0 : i32
        %dma_wait3A_76 = tpu.memref_slice %arg4[%mul3A_59, %dma_wait3A_75] : memref<65536x128xf32, #tpu.memory_space<hbm>> -> memref<128x128xf32, #tpu.memory_space<hbm>>
        %dma_wait3A_77 = arith.constant 0 : i32
        %dma_wait3A_78 = tpu.memref_slice %arg4[%mul3A_59, %dma_wait3A_77] : memref<65536x128xf32, #tpu.memory_space<hbm>> -> memref<128x128xf32, #tpu.memory_space<hbm>>
        tpu.wait_dma2 semaphore(%run_scoped3A : memref<!tpu.dma_semaphore, #tpu.memory_space<semaphore_mem>>) src(%arg6 : memref<128x128xf32, #tpu.memory_space<vmem>>) dst(%dma_wait3A_78 : memref<128x128xf32, #tpu.memory_space<hbm>>)
        tpu.yield
      }) : () -> ()
      %dma_wait3A_60 = arith.constant 0 : i32
      %dma_wait3A_61 = tpu.memref_slice %arg5[%add3A_38, %dma_wait3A_60] : memref<16x128xi32, #tpu.memory_space<vmem>> -> memref<1x128xi32, #tpu.memory_space<vmem>>
      %dma_wait3A_62 = tpu.memref_squeeze %dma_wait3A_61 : memref<1x128xi32, #tpu.memory_space<vmem>> -> memref<128xi32, #tpu.memory_space<vmem>>
      %dma_wait3A_63 = arith.constant 0 : i32
      %dma_wait3A_64 = arith.constant 0 : i32
      %dma_wait3A_65 = tpu.memref_slice %arg2[%dma_wait3A_63, %dma_wait3A_64] : memref<10000x128xf32, #tpu.memory_space<hbm>> -> memref<10000x128xf32, #tpu.memory_space<hbm>>
      tpu.wait_indirect_dma semaphore(%arg9 : memref<!tpu.dma_semaphore, #tpu.memory_space<semaphore_mem>>) src(%dma_wait3A_65 : memref<10000x128xf32, #tpu.memory_space<hbm>>) dst(%arg7 : memref<128x128xf32, #tpu.memory_space<vmem>>)
      %mul3A_66 = arith.constant 16 : i32
      %mul3A_67 = arith.muli %add3A, %mul3A_66 : i32
      %add3A_68 = arith.addi %mul3A_67, %add3A_38 : i32
      %mul3A_69 = arith.constant 128 : i32
      %mul3A_70 = arith.muli %add3A_68, %mul3A_69 : i32
      "tpu.region"() ({
        %run_scoped3A = tpu.sem_alloc : memref<!tpu.dma_semaphore, #tpu.memory_space<semaphore_mem>>
        %dma_start3A_71 = arith.constant 0 : i32
        %dma_start3A_72 = tpu.memref_slice %arg4[%mul3A_70, %dma_start3A_71] : memref<65536x128xf32, #tpu.memory_space<hbm>> -> memref<128x128xf32, #tpu.memory_space<hbm>>
        %dma_start3A_73 = arith.constant 0 : i32
        %dma_start3A_74 = tpu.memref_slice %arg4[%mul3A_70, %dma_start3A_73] : memref<65536x128xf32, #tpu.memory_space<hbm>> -> memref<128x128xf32, #tpu.memory_space<hbm>>
        tpu.enqueue_dma source(%arg7 : memref<128x128xf32, #tpu.memory_space<vmem>>) target(%dma_start3A_74 : memref<128x128xf32, #tpu.memory_space<hbm>>) target_semaphore(%run_scoped3A : memref<!tpu.dma_semaphore, #tpu.memory_space<semaphore_mem>>)
        %dma_wait3A_75 = arith.constant 0 : i32
        %dma_wait3A_76 = tpu.memref_slice %arg4[%mul3A_70, %dma_wait3A_75] : memref<65536x128xf32, #tpu.memory_space<hbm>> -> memref<128x128xf32, #tpu.memory_space<hbm>>
        %dma_wait3A_77 = arith.constant 0 : i32
        %dma_wait3A_78 = tpu.memref_slice %arg4[%mul3A_70, %dma_wait3A_77] : memref<65536x128xf32, #tpu.memory_space<hbm>> -> memref<128x128xf32, #tpu.memory_space<hbm>>
        tpu.wait_dma2 semaphore(%run_scoped3A : memref<!tpu.dma_semaphore, #tpu.memory_space<semaphore_mem>>) src(%arg7 : memref<128x128xf32, #tpu.memory_space<vmem>>) dst(%dma_wait3A_78 : memref<128x128xf32, #tpu.memory_space<hbm>>)
        tpu.yield
      }) : () -> ()
    }
    return
  }
}

#map = affine_map<(d0, d1) -> (0, 0)>
module attributes {stable_mosaic.version = 14 : i64} {
  func.func @gather_h(%arg0: i32, %arg1: i32, %arg2: memref<10000x16xf32, #tpu.memory_space<hbm>>, %arg3: memref<1280x128xi32, #tpu.memory_space<hbm>>, %arg4: memref<1280x128xi32, #tpu.memory_space<hbm>>, %arg5: memref<160000x16xf32, #tpu.memory_space<hbm>>, %arg6: memref<160000x16xf32, #tpu.memory_space<hbm>>, %arg7: memref<40x128xi32, #tpu.memory_space<vmem>>, %arg8: memref<40x128xi32, #tpu.memory_space<vmem>>, %arg9: memref<128x16xf32, #tpu.memory_space<vmem>>, %arg10: memref<128x16xf32, #tpu.memory_space<vmem>>, %arg11: memref<128x16xf32, #tpu.memory_space<vmem>>, %arg12: memref<128x16xf32, #tpu.memory_space<vmem>>, %arg13: memref<10000x16xf32, #tpu.memory_space<vmem_shared>>, %arg14: memref<!tpu.dma_semaphore, #tpu.memory_space<semaphore_mem>>, %arg15: memref<!tpu.dma_semaphore, #tpu.memory_space<semaphore_mem>>, %arg16: memref<!tpu.dma_semaphore, #tpu.memory_space<semaphore_mem>>, %arg17: memref<!tpu.dma_semaphore, #tpu.memory_space<semaphore_mem>>) attributes {dimension_semantics = [#tpu.dimension_semantics<core_parallel>, #tpu.dimension_semantics<subcore_parallel>], iteration_bounds = array<i64: 2, 16>, scalar_prefetch = 0 : i64, scratch_operands = 11 : i64, tpu.core_type = #tpu.core_type<sc_vector_subcore>, window_params = [{transform_indices = #map}, {transform_indices = #map}, {transform_indices = #map}, {transform_indices = #map}, {transform_indices = #map}]} {
    %mul3A = arith.constant 2 : i32
    %mul3A_0 = arith.muli %arg1, %mul3A : i32
    %add3A = arith.addi %mul3A_0, %arg0 : i32
    %mul3A_1 = arith.constant 40 : i32
    %mul3A_2 = arith.muli %add3A, %mul3A_1 : i32
    %eq3A = arith.constant 0 : i32
    %eq3A_3 = arith.cmpi eq, %arg1, %eq3A : i32
    %convert_element_type3A = arith.extui %eq3A_3 : i1 to i32
    %cond3A = arith.constant 0 : i32
    %cond3A_4 = arith.cmpi ne, %convert_element_type3A, %cond3A : i32
    scf.if %cond3A_4 {
      "tpu.region"() ({
        %run_scoped3A = tpu.sem_alloc : memref<!tpu.dma_semaphore, #tpu.memory_space<semaphore_mem>>
        tpu.enqueue_dma source(%arg2 : memref<10000x16xf32, #tpu.memory_space<hbm>>) target(%arg13 : memref<10000x16xf32, #tpu.memory_space<vmem_shared>>) target_semaphore(%run_scoped3A : memref<!tpu.dma_semaphore, #tpu.memory_space<semaphore_mem>>)
        tpu.wait_dma2 semaphore(%run_scoped3A : memref<!tpu.dma_semaphore, #tpu.memory_space<semaphore_mem>>) src(%arg2 : memref<10000x16xf32, #tpu.memory_space<hbm>>) dst(%arg13 : memref<10000x16xf32, #tpu.memory_space<vmem_shared>>)
        tpu.yield
      }) : () -> ()
    } else {
    }
    "tpu.region"() ({
      %run_scoped3A = tpu.sem_alloc : memref<!tpu.dma_semaphore, #tpu.memory_space<semaphore_mem>>
      %dma_start3A = arith.constant 0 : i32
      %dma_start3A_35 = tpu.memref_slice %arg3[%mul3A_2, %dma_start3A] : memref<1280x128xi32, #tpu.memory_space<hbm>> -> memref<40x128xi32, #tpu.memory_space<hbm>>
      %dma_start3A_36 = arith.constant 0 : i32
      %dma_start3A_37 = tpu.memref_slice %arg3[%mul3A_2, %dma_start3A_36] : memref<1280x128xi32, #tpu.memory_space<hbm>> -> memref<40x128xi32, #tpu.memory_space<hbm>>
      tpu.enqueue_dma source(%dma_start3A_37 : memref<40x128xi32, #tpu.memory_space<hbm>>) target(%arg7 : memref<40x128xi32, #tpu.memory_space<vmem>>) target_semaphore(%run_scoped3A : memref<!tpu.dma_semaphore, #tpu.memory_space<semaphore_mem>>)
      %dma_wait3A = arith.constant 0 : i32
      %dma_wait3A_38 = tpu.memref_slice %arg3[%mul3A_2, %dma_wait3A] : memref<1280x128xi32, #tpu.memory_space<hbm>> -> memref<40x128xi32, #tpu.memory_space<hbm>>
      %dma_wait3A_39 = arith.constant 0 : i32
      %dma_wait3A_40 = tpu.memref_slice %arg3[%mul3A_2, %dma_wait3A_39] : memref<1280x128xi32, #tpu.memory_space<hbm>> -> memref<40x128xi32, #tpu.memory_space<hbm>>
      tpu.wait_dma2 semaphore(%run_scoped3A : memref<!tpu.dma_semaphore, #tpu.memory_space<semaphore_mem>>) src(%dma_wait3A_40 : memref<40x128xi32, #tpu.memory_space<hbm>>) dst(%arg7 : memref<40x128xi32, #tpu.memory_space<vmem>>)
      tpu.yield
    }) : () -> ()
    "tpu.region"() ({
      %run_scoped3A = tpu.sem_alloc : memref<!tpu.dma_semaphore, #tpu.memory_space<semaphore_mem>>
      %dma_start3A = arith.constant 0 : i32
      %dma_start3A_35 = tpu.memref_slice %arg4[%mul3A_2, %dma_start3A] : memref<1280x128xi32, #tpu.memory_space<hbm>> -> memref<40x128xi32, #tpu.memory_space<hbm>>
      %dma_start3A_36 = arith.constant 0 : i32
      %dma_start3A_37 = tpu.memref_slice %arg4[%mul3A_2, %dma_start3A_36] : memref<1280x128xi32, #tpu.memory_space<hbm>> -> memref<40x128xi32, #tpu.memory_space<hbm>>
      tpu.enqueue_dma source(%dma_start3A_37 : memref<40x128xi32, #tpu.memory_space<hbm>>) target(%arg8 : memref<40x128xi32, #tpu.memory_space<vmem>>) target_semaphore(%run_scoped3A : memref<!tpu.dma_semaphore, #tpu.memory_space<semaphore_mem>>)
      %dma_wait3A = arith.constant 0 : i32
      %dma_wait3A_38 = tpu.memref_slice %arg4[%mul3A_2, %dma_wait3A] : memref<1280x128xi32, #tpu.memory_space<hbm>> -> memref<40x128xi32, #tpu.memory_space<hbm>>
      %dma_wait3A_39 = arith.constant 0 : i32
      %dma_wait3A_40 = tpu.memref_slice %arg4[%mul3A_2, %dma_wait3A_39] : memref<1280x128xi32, #tpu.memory_space<hbm>> -> memref<40x128xi32, #tpu.memory_space<hbm>>
      tpu.wait_dma2 semaphore(%run_scoped3A : memref<!tpu.dma_semaphore, #tpu.memory_space<semaphore_mem>>) src(%dma_wait3A_40 : memref<40x128xi32, #tpu.memory_space<hbm>>) dst(%arg8 : memref<40x128xi32, #tpu.memory_space<vmem>>)
      tpu.yield
    }) : () -> ()
    %barrier3A = arith.constant 0 : index
    tpu.barrier barrier_id(%barrier3A)
    %eq3A_5 = arith.constant 31 : i32
    %eq3A_6 = arith.cmpi eq, %add3A, %eq3A_5 : i32
    %jit3A = arith.constant 10 : i32
    %jit3A_7 = arith.constant 40 : i32
    %select_n3A = arith.select %eq3A_6, %jit3A, %jit3A_7 : i32
    %jit3A_8 = arith.constant 2 : i32
    %div3A = arith.divsi %select_n3A, %jit3A_8 : i32
    %sign3A = arith.constant 0 : i32
    %sign3A_9 = arith.cmpi sgt, %select_n3A, %sign3A : i32
    %sign3A_10 = arith.extui %sign3A_9 : i1 to i32
    %sign3A_11 = arith.constant 0 : i32
    %sign3A_12 = arith.cmpi slt, %select_n3A, %sign3A_11 : i32
    %sign3A_13 = arith.extui %sign3A_12 : i1 to i32
    %sign3A_14 = arith.subi %sign3A_10, %sign3A_13 : i32
    %sign3A_15 = arith.constant 0 : i32
    %sign3A_16 = arith.cmpi sgt, %jit3A_8, %sign3A_15 : i32
    %sign3A_17 = arith.extui %sign3A_16 : i1 to i32
    %sign3A_18 = arith.constant 0 : i32
    %sign3A_19 = arith.cmpi slt, %jit3A_8, %sign3A_18 : i32
    %sign3A_20 = arith.extui %sign3A_19 : i1 to i32
    %sign3A_21 = arith.subi %sign3A_17, %sign3A_20 : i32
    %ne3A = arith.cmpi ne, %sign3A_14, %sign3A_21 : i32
    %rem3A = arith.remsi %select_n3A, %jit3A_8 : i32
    %ne3A_22 = arith.constant 0 : i32
    %ne3A_23 = arith.cmpi ne, %rem3A, %ne3A_22 : i32
    %and3A = arith.andi %ne3A, %ne3A_23 : i1
    %sub3A = arith.constant 1 : i32
    %sub3A_24 = arith.subi %div3A, %sub3A : i32
    %select_n3A_25 = arith.select %and3A, %sub3A_24, %div3A : i32
    %while3A = arith.constant 0 : i32
    %while3A_26 = arith.constant 0 : i32
    %while3A_27 = arith.subi %select_n3A_25, %while3A_26 : i32
    %while3A_28 = arith.addi %while3A_26, %while3A_27 : i32
    %while3A_29 = arith.constant 1 : i32
    %while3A_30 = arith.divsi %while3A_27, %while3A_29 : i32
    %while3A_31 = arith.muli %while3A_30, %while3A_29 : i32
    %while3A_32 = arith.addi %while3A_26, %while3A_31 : i32
    %while3A_33 = arith.constant 1 : i32
    scf.for %while3A_35 = %while3A_26 to %while3A_32 step %while3A_33  : i32 {
      %mul3A_36 = arith.constant 2 : i32
      %mul3A_37 = arith.muli %mul3A_36, %while3A_35 : i32
      %add3A_38 = arith.constant 1 : i32
      %add3A_39 = arith.addi %mul3A_37, %add3A_38 : i32
      %add3A_40 = arith.addi %mul3A_2, %mul3A_37 : i32
      %mul3A_41 = arith.constant 128 : i32
      %mul3A_42 = arith.muli %add3A_40, %mul3A_41 : i32
      %add3A_43 = arith.addi %mul3A_2, %add3A_39 : i32
      %mul3A_44 = arith.constant 128 : i32
      %mul3A_45 = arith.muli %add3A_43, %mul3A_44 : i32
      %dma_start3A = arith.constant 0 : i32
      %dma_start3A_46 = tpu.memref_slice %arg7[%mul3A_37, %dma_start3A] : memref<40x128xi32, #tpu.memory_space<vmem>> -> memref<1x128xi32, #tpu.memory_space<vmem>>
      %dma_start3A_47 = tpu.memref_squeeze %dma_start3A_46 : memref<1x128xi32, #tpu.memory_space<vmem>> -> memref<128xi32, #tpu.memory_space<vmem>>
      %dma_start3A_48 = arith.constant 0 : i32
      %dma_start3A_49 = arith.constant 0 : i32
      %dma_start3A_50 = tpu.memref_slice %arg13[%dma_start3A_48, %dma_start3A_49] : memref<10000x16xf32, #tpu.memory_space<vmem_shared>> -> memref<10000x16xf32, #tpu.memory_space<vmem_shared>>
      tpu.enqueue_indirect_dma source(%dma_start3A_50 : memref<10000x16xf32, #tpu.memory_space<vmem_shared>>) target(%arg9 : memref<128x16xf32, #tpu.memory_space<vmem>>) offsets(%dma_start3A_47 : memref<128xi32, #tpu.memory_space<vmem>>) semaphore(%arg14 : memref<!tpu.dma_semaphore, #tpu.memory_space<semaphore_mem>>)
      %dma_start3A_51 = arith.constant 0 : i32
      %dma_start3A_52 = tpu.memref_slice %arg8[%mul3A_37, %dma_start3A_51] : memref<40x128xi32, #tpu.memory_space<vmem>> -> memref<1x128xi32, #tpu.memory_space<vmem>>
      %dma_start3A_53 = tpu.memref_squeeze %dma_start3A_52 : memref<1x128xi32, #tpu.memory_space<vmem>> -> memref<128xi32, #tpu.memory_space<vmem>>
      %dma_start3A_54 = arith.constant 0 : i32
      %dma_start3A_55 = arith.constant 0 : i32
      %dma_start3A_56 = tpu.memref_slice %arg13[%dma_start3A_54, %dma_start3A_55] : memref<10000x16xf32, #tpu.memory_space<vmem_shared>> -> memref<10000x16xf32, #tpu.memory_space<vmem_shared>>
      tpu.enqueue_indirect_dma source(%dma_start3A_56 : memref<10000x16xf32, #tpu.memory_space<vmem_shared>>) target(%arg10 : memref<128x16xf32, #tpu.memory_space<vmem>>) offsets(%dma_start3A_53 : memref<128xi32, #tpu.memory_space<vmem>>) semaphore(%arg15 : memref<!tpu.dma_semaphore, #tpu.memory_space<semaphore_mem>>)
      %dma_start3A_57 = arith.constant 0 : i32
      %dma_start3A_58 = tpu.memref_slice %arg7[%add3A_39, %dma_start3A_57] : memref<40x128xi32, #tpu.memory_space<vmem>> -> memref<1x128xi32, #tpu.memory_space<vmem>>
      %dma_start3A_59 = tpu.memref_squeeze %dma_start3A_58 : memref<1x128xi32, #tpu.memory_space<vmem>> -> memref<128xi32, #tpu.memory_space<vmem>>
      %dma_start3A_60 = arith.constant 0 : i32
      %dma_start3A_61 = arith.constant 0 : i32
      %dma_start3A_62 = tpu.memref_slice %arg13[%dma_start3A_60, %dma_start3A_61] : memref<10000x16xf32, #tpu.memory_space<vmem_shared>> -> memref<10000x16xf32, #tpu.memory_space<vmem_shared>>
      tpu.enqueue_indirect_dma source(%dma_start3A_62 : memref<10000x16xf32, #tpu.memory_space<vmem_shared>>) target(%arg11 : memref<128x16xf32, #tpu.memory_space<vmem>>) offsets(%dma_start3A_59 : memref<128xi32, #tpu.memory_space<vmem>>) semaphore(%arg16 : memref<!tpu.dma_semaphore, #tpu.memory_space<semaphore_mem>>)
      %dma_start3A_63 = arith.constant 0 : i32
      %dma_start3A_64 = tpu.memref_slice %arg8[%add3A_39, %dma_start3A_63] : memref<40x128xi32, #tpu.memory_space<vmem>> -> memref<1x128xi32, #tpu.memory_space<vmem>>
      %dma_start3A_65 = tpu.memref_squeeze %dma_start3A_64 : memref<1x128xi32, #tpu.memory_space<vmem>> -> memref<128xi32, #tpu.memory_space<vmem>>
      %dma_start3A_66 = arith.constant 0 : i32
      %dma_start3A_67 = arith.constant 0 : i32
      %dma_start3A_68 = tpu.memref_slice %arg13[%dma_start3A_66, %dma_start3A_67] : memref<10000x16xf32, #tpu.memory_space<vmem_shared>> -> memref<10000x16xf32, #tpu.memory_space<vmem_shared>>
      tpu.enqueue_indirect_dma source(%dma_start3A_68 : memref<10000x16xf32, #tpu.memory_space<vmem_shared>>) target(%arg12 : memref<128x16xf32, #tpu.memory_space<vmem>>) offsets(%dma_start3A_65 : memref<128xi32, #tpu.memory_space<vmem>>) semaphore(%arg17 : memref<!tpu.dma_semaphore, #tpu.memory_space<semaphore_mem>>)
      %dma_wait3A = arith.constant 0 : i32
      %dma_wait3A_69 = tpu.memref_slice %arg7[%mul3A_37, %dma_wait3A] : memref<40x128xi32, #tpu.memory_space<vmem>> -> memref<1x128xi32, #tpu.memory_space<vmem>>
      %dma_wait3A_70 = tpu.memref_squeeze %dma_wait3A_69 : memref<1x128xi32, #tpu.memory_space<vmem>> -> memref<128xi32, #tpu.memory_space<vmem>>
      %dma_wait3A_71 = arith.constant 0 : i32
      %dma_wait3A_72 = arith.constant 0 : i32
      %dma_wait3A_73 = tpu.memref_slice %arg13[%dma_wait3A_71, %dma_wait3A_72] : memref<10000x16xf32, #tpu.memory_space<vmem_shared>> -> memref<10000x16xf32, #tpu.memory_space<vmem_shared>>
      tpu.wait_indirect_dma semaphore(%arg14 : memref<!tpu.dma_semaphore, #tpu.memory_space<semaphore_mem>>) src(%dma_wait3A_73 : memref<10000x16xf32, #tpu.memory_space<vmem_shared>>) dst(%arg9 : memref<128x16xf32, #tpu.memory_space<vmem>>)
      "tpu.region"() ({
        %run_scoped3A = tpu.sem_alloc : memref<!tpu.dma_semaphore, #tpu.memory_space<semaphore_mem>>
        %dma_start3A_92 = arith.constant 0 : i32
        %dma_start3A_93 = tpu.memref_slice %arg5[%mul3A_42, %dma_start3A_92] : memref<160000x16xf32, #tpu.memory_space<hbm>> -> memref<128x16xf32, #tpu.memory_space<hbm>>
        %dma_start3A_94 = arith.constant 0 : i32
        %dma_start3A_95 = tpu.memref_slice %arg5[%mul3A_42, %dma_start3A_94] : memref<160000x16xf32, #tpu.memory_space<hbm>> -> memref<128x16xf32, #tpu.memory_space<hbm>>
        tpu.enqueue_dma source(%arg9 : memref<128x16xf32, #tpu.memory_space<vmem>>) target(%dma_start3A_95 : memref<128x16xf32, #tpu.memory_space<hbm>>) target_semaphore(%run_scoped3A : memref<!tpu.dma_semaphore, #tpu.memory_space<semaphore_mem>>)
        %dma_wait3A_96 = arith.constant 0 : i32
        %dma_wait3A_97 = tpu.memref_slice %arg5[%mul3A_42, %dma_wait3A_96] : memref<160000x16xf32, #tpu.memory_space<hbm>> -> memref<128x16xf32, #tpu.memory_space<hbm>>
        %dma_wait3A_98 = arith.constant 0 : i32
        %dma_wait3A_99 = tpu.memref_slice %arg5[%mul3A_42, %dma_wait3A_98] : memref<160000x16xf32, #tpu.memory_space<hbm>> -> memref<128x16xf32, #tpu.memory_space<hbm>>
        tpu.wait_dma2 semaphore(%run_scoped3A : memref<!tpu.dma_semaphore, #tpu.memory_space<semaphore_mem>>) src(%arg9 : memref<128x16xf32, #tpu.memory_space<vmem>>) dst(%dma_wait3A_99 : memref<128x16xf32, #tpu.memory_space<hbm>>)
        tpu.yield
      }) : () -> ()
      %dma_wait3A_74 = arith.constant 0 : i32
      %dma_wait3A_75 = tpu.memref_slice %arg8[%mul3A_37, %dma_wait3A_74] : memref<40x128xi32, #tpu.memory_space<vmem>> -> memref<1x128xi32, #tpu.memory_space<vmem>>
      %dma_wait3A_76 = tpu.memref_squeeze %dma_wait3A_75 : memref<1x128xi32, #tpu.memory_space<vmem>> -> memref<128xi32, #tpu.memory_space<vmem>>
      %dma_wait3A_77 = arith.constant 0 : i32
      %dma_wait3A_78 = arith.constant 0 : i32
      %dma_wait3A_79 = tpu.memref_slice %arg13[%dma_wait3A_77, %dma_wait3A_78] : memref<10000x16xf32, #tpu.memory_space<vmem_shared>> -> memref<10000x16xf32, #tpu.memory_space<vmem_shared>>
      tpu.wait_indirect_dma semaphore(%arg15 : memref<!tpu.dma_semaphore, #tpu.memory_space<semaphore_mem>>) src(%dma_wait3A_79 : memref<10000x16xf32, #tpu.memory_space<vmem_shared>>) dst(%arg10 : memref<128x16xf32, #tpu.memory_space<vmem>>)
      "tpu.region"() ({
        %run_scoped3A = tpu.sem_alloc : memref<!tpu.dma_semaphore, #tpu.memory_space<semaphore_mem>>
        %dma_start3A_92 = arith.constant 0 : i32
        %dma_start3A_93 = tpu.memref_slice %arg6[%mul3A_42, %dma_start3A_92] : memref<160000x16xf32, #tpu.memory_space<hbm>> -> memref<128x16xf32, #tpu.memory_space<hbm>>
        %dma_start3A_94 = arith.constant 0 : i32
        %dma_start3A_95 = tpu.memref_slice %arg6[%mul3A_42, %dma_start3A_94] : memref<160000x16xf32, #tpu.memory_space<hbm>> -> memref<128x16xf32, #tpu.memory_space<hbm>>
        tpu.enqueue_dma source(%arg10 : memref<128x16xf32, #tpu.memory_space<vmem>>) target(%dma_start3A_95 : memref<128x16xf32, #tpu.memory_space<hbm>>) target_semaphore(%run_scoped3A : memref<!tpu.dma_semaphore, #tpu.memory_space<semaphore_mem>>)
        %dma_wait3A_96 = arith.constant 0 : i32
        %dma_wait3A_97 = tpu.memref_slice %arg6[%mul3A_42, %dma_wait3A_96] : memref<160000x16xf32, #tpu.memory_space<hbm>> -> memref<128x16xf32, #tpu.memory_space<hbm>>
        %dma_wait3A_98 = arith.constant 0 : i32
        %dma_wait3A_99 = tpu.memref_slice %arg6[%mul3A_42, %dma_wait3A_98] : memref<160000x16xf32, #tpu.memory_space<hbm>> -> memref<128x16xf32, #tpu.memory_space<hbm>>
        tpu.wait_dma2 semaphore(%run_scoped3A : memref<!tpu.dma_semaphore, #tpu.memory_space<semaphore_mem>>) src(%arg10 : memref<128x16xf32, #tpu.memory_space<vmem>>) dst(%dma_wait3A_99 : memref<128x16xf32, #tpu.memory_space<hbm>>)
        tpu.yield
      }) : () -> ()
      %dma_wait3A_80 = arith.constant 0 : i32
      %dma_wait3A_81 = tpu.memref_slice %arg7[%add3A_39, %dma_wait3A_80] : memref<40x128xi32, #tpu.memory_space<vmem>> -> memref<1x128xi32, #tpu.memory_space<vmem>>
      %dma_wait3A_82 = tpu.memref_squeeze %dma_wait3A_81 : memref<1x128xi32, #tpu.memory_space<vmem>> -> memref<128xi32, #tpu.memory_space<vmem>>
      %dma_wait3A_83 = arith.constant 0 : i32
      %dma_wait3A_84 = arith.constant 0 : i32
      %dma_wait3A_85 = tpu.memref_slice %arg13[%dma_wait3A_83, %dma_wait3A_84] : memref<10000x16xf32, #tpu.memory_space<vmem_shared>> -> memref<10000x16xf32, #tpu.memory_space<vmem_shared>>
      tpu.wait_indirect_dma semaphore(%arg16 : memref<!tpu.dma_semaphore, #tpu.memory_space<semaphore_mem>>) src(%dma_wait3A_85 : memref<10000x16xf32, #tpu.memory_space<vmem_shared>>) dst(%arg11 : memref<128x16xf32, #tpu.memory_space<vmem>>)
      "tpu.region"() ({
        %run_scoped3A = tpu.sem_alloc : memref<!tpu.dma_semaphore, #tpu.memory_space<semaphore_mem>>
        %dma_start3A_92 = arith.constant 0 : i32
        %dma_start3A_93 = tpu.memref_slice %arg5[%mul3A_45, %dma_start3A_92] : memref<160000x16xf32, #tpu.memory_space<hbm>> -> memref<128x16xf32, #tpu.memory_space<hbm>>
        %dma_start3A_94 = arith.constant 0 : i32
        %dma_start3A_95 = tpu.memref_slice %arg5[%mul3A_45, %dma_start3A_94] : memref<160000x16xf32, #tpu.memory_space<hbm>> -> memref<128x16xf32, #tpu.memory_space<hbm>>
        tpu.enqueue_dma source(%arg11 : memref<128x16xf32, #tpu.memory_space<vmem>>) target(%dma_start3A_95 : memref<128x16xf32, #tpu.memory_space<hbm>>) target_semaphore(%run_scoped3A : memref<!tpu.dma_semaphore, #tpu.memory_space<semaphore_mem>>)
        %dma_wait3A_96 = arith.constant 0 : i32
        %dma_wait3A_97 = tpu.memref_slice %arg5[%mul3A_45, %dma_wait3A_96] : memref<160000x16xf32, #tpu.memory_space<hbm>> -> memref<128x16xf32, #tpu.memory_space<hbm>>
        %dma_wait3A_98 = arith.constant 0 : i32
        %dma_wait3A_99 = tpu.memref_slice %arg5[%mul3A_45, %dma_wait3A_98] : memref<160000x16xf32, #tpu.memory_space<hbm>> -> memref<128x16xf32, #tpu.memory_space<hbm>>
        tpu.wait_dma2 semaphore(%run_scoped3A : memref<!tpu.dma_semaphore, #tpu.memory_space<semaphore_mem>>) src(%arg11 : memref<128x16xf32, #tpu.memory_space<vmem>>) dst(%dma_wait3A_99 : memref<128x16xf32, #tpu.memory_space<hbm>>)
        tpu.yield
      }) : () -> ()
      %dma_wait3A_86 = arith.constant 0 : i32
      %dma_wait3A_87 = tpu.memref_slice %arg8[%add3A_39, %dma_wait3A_86] : memref<40x128xi32, #tpu.memory_space<vmem>> -> memref<1x128xi32, #tpu.memory_space<vmem>>
      %dma_wait3A_88 = tpu.memref_squeeze %dma_wait3A_87 : memref<1x128xi32, #tpu.memory_space<vmem>> -> memref<128xi32, #tpu.memory_space<vmem>>
      %dma_wait3A_89 = arith.constant 0 : i32
      %dma_wait3A_90 = arith.constant 0 : i32
      %dma_wait3A_91 = tpu.memref_slice %arg13[%dma_wait3A_89, %dma_wait3A_90] : memref<10000x16xf32, #tpu.memory_space<vmem_shared>> -> memref<10000x16xf32, #tpu.memory_space<vmem_shared>>
      tpu.wait_indirect_dma semaphore(%arg17 : memref<!tpu.dma_semaphore, #tpu.memory_space<semaphore_mem>>) src(%dma_wait3A_91 : memref<10000x16xf32, #tpu.memory_space<vmem_shared>>) dst(%arg12 : memref<128x16xf32, #tpu.memory_space<vmem>>)
      "tpu.region"() ({
        %run_scoped3A = tpu.sem_alloc : memref<!tpu.dma_semaphore, #tpu.memory_space<semaphore_mem>>
        %dma_start3A_92 = arith.constant 0 : i32
        %dma_start3A_93 = tpu.memref_slice %arg6[%mul3A_45, %dma_start3A_92] : memref<160000x16xf32, #tpu.memory_space<hbm>> -> memref<128x16xf32, #tpu.memory_space<hbm>>
        %dma_start3A_94 = arith.constant 0 : i32
        %dma_start3A_95 = tpu.memref_slice %arg6[%mul3A_45, %dma_start3A_94] : memref<160000x16xf32, #tpu.memory_space<hbm>> -> memref<128x16xf32, #tpu.memory_space<hbm>>
        tpu.enqueue_dma source(%arg12 : memref<128x16xf32, #tpu.memory_space<vmem>>) target(%dma_start3A_95 : memref<128x16xf32, #tpu.memory_space<hbm>>) target_semaphore(%run_scoped3A : memref<!tpu.dma_semaphore, #tpu.memory_space<semaphore_mem>>)
        %dma_wait3A_96 = arith.constant 0 : i32
        %dma_wait3A_97 = tpu.memref_slice %arg6[%mul3A_45, %dma_wait3A_96] : memref<160000x16xf32, #tpu.memory_space<hbm>> -> memref<128x16xf32, #tpu.memory_space<hbm>>
        %dma_wait3A_98 = arith.constant 0 : i32
        %dma_wait3A_99 = tpu.memref_slice %arg6[%mul3A_45, %dma_wait3A_98] : memref<160000x16xf32, #tpu.memory_space<hbm>> -> memref<128x16xf32, #tpu.memory_space<hbm>>
        tpu.wait_dma2 semaphore(%run_scoped3A : memref<!tpu.dma_semaphore, #tpu.memory_space<semaphore_mem>>) src(%arg12 : memref<128x16xf32, #tpu.memory_space<vmem>>) dst(%dma_wait3A_99 : memref<128x16xf32, #tpu.memory_space<hbm>>)
        tpu.yield
      }) : () -> ()
    }
    %while3A_34 = arith.constant 1 : i32
    scf.for %while3A_35 = %while3A_32 to %while3A_28 step %while3A_34  : i32 {
      %mul3A_36 = arith.constant 2 : i32
      %mul3A_37 = arith.muli %mul3A_36, %while3A_35 : i32
      %add3A_38 = arith.constant 1 : i32
      %add3A_39 = arith.addi %mul3A_37, %add3A_38 : i32
      %add3A_40 = arith.addi %mul3A_2, %mul3A_37 : i32
      %mul3A_41 = arith.constant 128 : i32
      %mul3A_42 = arith.muli %add3A_40, %mul3A_41 : i32
      %add3A_43 = arith.addi %mul3A_2, %add3A_39 : i32
      %mul3A_44 = arith.constant 128 : i32
      %mul3A_45 = arith.muli %add3A_43, %mul3A_44 : i32
      %dma_start3A = arith.constant 0 : i32
      %dma_start3A_46 = tpu.memref_slice %arg7[%mul3A_37, %dma_start3A] : memref<40x128xi32, #tpu.memory_space<vmem>> -> memref<1x128xi32, #tpu.memory_space<vmem>>
      %dma_start3A_47 = tpu.memref_squeeze %dma_start3A_46 : memref<1x128xi32, #tpu.memory_space<vmem>> -> memref<128xi32, #tpu.memory_space<vmem>>
      %dma_start3A_48 = arith.constant 0 : i32
      %dma_start3A_49 = arith.constant 0 : i32
      %dma_start3A_50 = tpu.memref_slice %arg13[%dma_start3A_48, %dma_start3A_49] : memref<10000x16xf32, #tpu.memory_space<vmem_shared>> -> memref<10000x16xf32, #tpu.memory_space<vmem_shared>>
      tpu.enqueue_indirect_dma source(%dma_start3A_50 : memref<10000x16xf32, #tpu.memory_space<vmem_shared>>) target(%arg9 : memref<128x16xf32, #tpu.memory_space<vmem>>) offsets(%dma_start3A_47 : memref<128xi32, #tpu.memory_space<vmem>>) semaphore(%arg14 : memref<!tpu.dma_semaphore, #tpu.memory_space<semaphore_mem>>)
      %dma_start3A_51 = arith.constant 0 : i32
      %dma_start3A_52 = tpu.memref_slice %arg8[%mul3A_37, %dma_start3A_51] : memref<40x128xi32, #tpu.memory_space<vmem>> -> memref<1x128xi32, #tpu.memory_space<vmem>>
      %dma_start3A_53 = tpu.memref_squeeze %dma_start3A_52 : memref<1x128xi32, #tpu.memory_space<vmem>> -> memref<128xi32, #tpu.memory_space<vmem>>
      %dma_start3A_54 = arith.constant 0 : i32
      %dma_start3A_55 = arith.constant 0 : i32
      %dma_start3A_56 = tpu.memref_slice %arg13[%dma_start3A_54, %dma_start3A_55] : memref<10000x16xf32, #tpu.memory_space<vmem_shared>> -> memref<10000x16xf32, #tpu.memory_space<vmem_shared>>
      tpu.enqueue_indirect_dma source(%dma_start3A_56 : memref<10000x16xf32, #tpu.memory_space<vmem_shared>>) target(%arg10 : memref<128x16xf32, #tpu.memory_space<vmem>>) offsets(%dma_start3A_53 : memref<128xi32, #tpu.memory_space<vmem>>) semaphore(%arg15 : memref<!tpu.dma_semaphore, #tpu.memory_space<semaphore_mem>>)
      %dma_start3A_57 = arith.constant 0 : i32
      %dma_start3A_58 = tpu.memref_slice %arg7[%add3A_39, %dma_start3A_57] : memref<40x128xi32, #tpu.memory_space<vmem>> -> memref<1x128xi32, #tpu.memory_space<vmem>>
      %dma_start3A_59 = tpu.memref_squeeze %dma_start3A_58 : memref<1x128xi32, #tpu.memory_space<vmem>> -> memref<128xi32, #tpu.memory_space<vmem>>
      %dma_start3A_60 = arith.constant 0 : i32
      %dma_start3A_61 = arith.constant 0 : i32
      %dma_start3A_62 = tpu.memref_slice %arg13[%dma_start3A_60, %dma_start3A_61] : memref<10000x16xf32, #tpu.memory_space<vmem_shared>> -> memref<10000x16xf32, #tpu.memory_space<vmem_shared>>
      tpu.enqueue_indirect_dma source(%dma_start3A_62 : memref<10000x16xf32, #tpu.memory_space<vmem_shared>>) target(%arg11 : memref<128x16xf32, #tpu.memory_space<vmem>>) offsets(%dma_start3A_59 : memref<128xi32, #tpu.memory_space<vmem>>) semaphore(%arg16 : memref<!tpu.dma_semaphore, #tpu.memory_space<semaphore_mem>>)
      %dma_start3A_63 = arith.constant 0 : i32
      %dma_start3A_64 = tpu.memref_slice %arg8[%add3A_39, %dma_start3A_63] : memref<40x128xi32, #tpu.memory_space<vmem>> -> memref<1x128xi32, #tpu.memory_space<vmem>>
      %dma_start3A_65 = tpu.memref_squeeze %dma_start3A_64 : memref<1x128xi32, #tpu.memory_space<vmem>> -> memref<128xi32, #tpu.memory_space<vmem>>
      %dma_start3A_66 = arith.constant 0 : i32
      %dma_start3A_67 = arith.constant 0 : i32
      %dma_start3A_68 = tpu.memref_slice %arg13[%dma_start3A_66, %dma_start3A_67] : memref<10000x16xf32, #tpu.memory_space<vmem_shared>> -> memref<10000x16xf32, #tpu.memory_space<vmem_shared>>
      tpu.enqueue_indirect_dma source(%dma_start3A_68 : memref<10000x16xf32, #tpu.memory_space<vmem_shared>>) target(%arg12 : memref<128x16xf32, #tpu.memory_space<vmem>>) offsets(%dma_start3A_65 : memref<128xi32, #tpu.memory_space<vmem>>) semaphore(%arg17 : memref<!tpu.dma_semaphore, #tpu.memory_space<semaphore_mem>>)
      %dma_wait3A = arith.constant 0 : i32
      %dma_wait3A_69 = tpu.memref_slice %arg7[%mul3A_37, %dma_wait3A] : memref<40x128xi32, #tpu.memory_space<vmem>> -> memref<1x128xi32, #tpu.memory_space<vmem>>
      %dma_wait3A_70 = tpu.memref_squeeze %dma_wait3A_69 : memref<1x128xi32, #tpu.memory_space<vmem>> -> memref<128xi32, #tpu.memory_space<vmem>>
      %dma_wait3A_71 = arith.constant 0 : i32
      %dma_wait3A_72 = arith.constant 0 : i32
      %dma_wait3A_73 = tpu.memref_slice %arg13[%dma_wait3A_71, %dma_wait3A_72] : memref<10000x16xf32, #tpu.memory_space<vmem_shared>> -> memref<10000x16xf32, #tpu.memory_space<vmem_shared>>
      tpu.wait_indirect_dma semaphore(%arg14 : memref<!tpu.dma_semaphore, #tpu.memory_space<semaphore_mem>>) src(%dma_wait3A_73 : memref<10000x16xf32, #tpu.memory_space<vmem_shared>>) dst(%arg9 : memref<128x16xf32, #tpu.memory_space<vmem>>)
      "tpu.region"() ({
        %run_scoped3A = tpu.sem_alloc : memref<!tpu.dma_semaphore, #tpu.memory_space<semaphore_mem>>
        %dma_start3A_92 = arith.constant 0 : i32
        %dma_start3A_93 = tpu.memref_slice %arg5[%mul3A_42, %dma_start3A_92] : memref<160000x16xf32, #tpu.memory_space<hbm>> -> memref<128x16xf32, #tpu.memory_space<hbm>>
        %dma_start3A_94 = arith.constant 0 : i32
        %dma_start3A_95 = tpu.memref_slice %arg5[%mul3A_42, %dma_start3A_94] : memref<160000x16xf32, #tpu.memory_space<hbm>> -> memref<128x16xf32, #tpu.memory_space<hbm>>
        tpu.enqueue_dma source(%arg9 : memref<128x16xf32, #tpu.memory_space<vmem>>) target(%dma_start3A_95 : memref<128x16xf32, #tpu.memory_space<hbm>>) target_semaphore(%run_scoped3A : memref<!tpu.dma_semaphore, #tpu.memory_space<semaphore_mem>>)
        %dma_wait3A_96 = arith.constant 0 : i32
        %dma_wait3A_97 = tpu.memref_slice %arg5[%mul3A_42, %dma_wait3A_96] : memref<160000x16xf32, #tpu.memory_space<hbm>> -> memref<128x16xf32, #tpu.memory_space<hbm>>
        %dma_wait3A_98 = arith.constant 0 : i32
        %dma_wait3A_99 = tpu.memref_slice %arg5[%mul3A_42, %dma_wait3A_98] : memref<160000x16xf32, #tpu.memory_space<hbm>> -> memref<128x16xf32, #tpu.memory_space<hbm>>
        tpu.wait_dma2 semaphore(%run_scoped3A : memref<!tpu.dma_semaphore, #tpu.memory_space<semaphore_mem>>) src(%arg9 : memref<128x16xf32, #tpu.memory_space<vmem>>) dst(%dma_wait3A_99 : memref<128x16xf32, #tpu.memory_space<hbm>>)
        tpu.yield
      }) : () -> ()
      %dma_wait3A_74 = arith.constant 0 : i32
      %dma_wait3A_75 = tpu.memref_slice %arg8[%mul3A_37, %dma_wait3A_74] : memref<40x128xi32, #tpu.memory_space<vmem>> -> memref<1x128xi32, #tpu.memory_space<vmem>>
      %dma_wait3A_76 = tpu.memref_squeeze %dma_wait3A_75 : memref<1x128xi32, #tpu.memory_space<vmem>> -> memref<128xi32, #tpu.memory_space<vmem>>
      %dma_wait3A_77 = arith.constant 0 : i32
      %dma_wait3A_78 = arith.constant 0 : i32
      %dma_wait3A_79 = tpu.memref_slice %arg13[%dma_wait3A_77, %dma_wait3A_78] : memref<10000x16xf32, #tpu.memory_space<vmem_shared>> -> memref<10000x16xf32, #tpu.memory_space<vmem_shared>>
      tpu.wait_indirect_dma semaphore(%arg15 : memref<!tpu.dma_semaphore, #tpu.memory_space<semaphore_mem>>) src(%dma_wait3A_79 : memref<10000x16xf32, #tpu.memory_space<vmem_shared>>) dst(%arg10 : memref<128x16xf32, #tpu.memory_space<vmem>>)
      "tpu.region"() ({
        %run_scoped3A = tpu.sem_alloc : memref<!tpu.dma_semaphore, #tpu.memory_space<semaphore_mem>>
        %dma_start3A_92 = arith.constant 0 : i32
        %dma_start3A_93 = tpu.memref_slice %arg6[%mul3A_42, %dma_start3A_92] : memref<160000x16xf32, #tpu.memory_space<hbm>> -> memref<128x16xf32, #tpu.memory_space<hbm>>
        %dma_start3A_94 = arith.constant 0 : i32
        %dma_start3A_95 = tpu.memref_slice %arg6[%mul3A_42, %dma_start3A_94] : memref<160000x16xf32, #tpu.memory_space<hbm>> -> memref<128x16xf32, #tpu.memory_space<hbm>>
        tpu.enqueue_dma source(%arg10 : memref<128x16xf32, #tpu.memory_space<vmem>>) target(%dma_start3A_95 : memref<128x16xf32, #tpu.memory_space<hbm>>) target_semaphore(%run_scoped3A : memref<!tpu.dma_semaphore, #tpu.memory_space<semaphore_mem>>)
        %dma_wait3A_96 = arith.constant 0 : i32
        %dma_wait3A_97 = tpu.memref_slice %arg6[%mul3A_42, %dma_wait3A_96] : memref<160000x16xf32, #tpu.memory_space<hbm>> -> memref<128x16xf32, #tpu.memory_space<hbm>>
        %dma_wait3A_98 = arith.constant 0 : i32
        %dma_wait3A_99 = tpu.memref_slice %arg6[%mul3A_42, %dma_wait3A_98] : memref<160000x16xf32, #tpu.memory_space<hbm>> -> memref<128x16xf32, #tpu.memory_space<hbm>>
        tpu.wait_dma2 semaphore(%run_scoped3A : memref<!tpu.dma_semaphore, #tpu.memory_space<semaphore_mem>>) src(%arg10 : memref<128x16xf32, #tpu.memory_space<vmem>>) dst(%dma_wait3A_99 : memref<128x16xf32, #tpu.memory_space<hbm>>)
        tpu.yield
      }) : () -> ()
      %dma_wait3A_80 = arith.constant 0 : i32
      %dma_wait3A_81 = tpu.memref_slice %arg7[%add3A_39, %dma_wait3A_80] : memref<40x128xi32, #tpu.memory_space<vmem>> -> memref<1x128xi32, #tpu.memory_space<vmem>>
      %dma_wait3A_82 = tpu.memref_squeeze %dma_wait3A_81 : memref<1x128xi32, #tpu.memory_space<vmem>> -> memref<128xi32, #tpu.memory_space<vmem>>
      %dma_wait3A_83 = arith.constant 0 : i32
      %dma_wait3A_84 = arith.constant 0 : i32
      %dma_wait3A_85 = tpu.memref_slice %arg13[%dma_wait3A_83, %dma_wait3A_84] : memref<10000x16xf32, #tpu.memory_space<vmem_shared>> -> memref<10000x16xf32, #tpu.memory_space<vmem_shared>>
      tpu.wait_indirect_dma semaphore(%arg16 : memref<!tpu.dma_semaphore, #tpu.memory_space<semaphore_mem>>) src(%dma_wait3A_85 : memref<10000x16xf32, #tpu.memory_space<vmem_shared>>) dst(%arg11 : memref<128x16xf32, #tpu.memory_space<vmem>>)
      "tpu.region"() ({
        %run_scoped3A = tpu.sem_alloc : memref<!tpu.dma_semaphore, #tpu.memory_space<semaphore_mem>>
        %dma_start3A_92 = arith.constant 0 : i32
        %dma_start3A_93 = tpu.memref_slice %arg5[%mul3A_45, %dma_start3A_92] : memref<160000x16xf32, #tpu.memory_space<hbm>> -> memref<128x16xf32, #tpu.memory_space<hbm>>
        %dma_start3A_94 = arith.constant 0 : i32
        %dma_start3A_95 = tpu.memref_slice %arg5[%mul3A_45, %dma_start3A_94] : memref<160000x16xf32, #tpu.memory_space<hbm>> -> memref<128x16xf32, #tpu.memory_space<hbm>>
        tpu.enqueue_dma source(%arg11 : memref<128x16xf32, #tpu.memory_space<vmem>>) target(%dma_start3A_95 : memref<128x16xf32, #tpu.memory_space<hbm>>) target_semaphore(%run_scoped3A : memref<!tpu.dma_semaphore, #tpu.memory_space<semaphore_mem>>)
        %dma_wait3A_96 = arith.constant 0 : i32
        %dma_wait3A_97 = tpu.memref_slice %arg5[%mul3A_45, %dma_wait3A_96] : memref<160000x16xf32, #tpu.memory_space<hbm>> -> memref<128x16xf32, #tpu.memory_space<hbm>>
        %dma_wait3A_98 = arith.constant 0 : i32
        %dma_wait3A_99 = tpu.memref_slice %arg5[%mul3A_45, %dma_wait3A_98] : memref<160000x16xf32, #tpu.memory_space<hbm>> -> memref<128x16xf32, #tpu.memory_space<hbm>>
        tpu.wait_dma2 semaphore(%run_scoped3A : memref<!tpu.dma_semaphore, #tpu.memory_space<semaphore_mem>>) src(%arg11 : memref<128x16xf32, #tpu.memory_space<vmem>>) dst(%dma_wait3A_99 : memref<128x16xf32, #tpu.memory_space<hbm>>)
        tpu.yield
      }) : () -> ()
      %dma_wait3A_86 = arith.constant 0 : i32
      %dma_wait3A_87 = tpu.memref_slice %arg8[%add3A_39, %dma_wait3A_86] : memref<40x128xi32, #tpu.memory_space<vmem>> -> memref<1x128xi32, #tpu.memory_space<vmem>>
      %dma_wait3A_88 = tpu.memref_squeeze %dma_wait3A_87 : memref<1x128xi32, #tpu.memory_space<vmem>> -> memref<128xi32, #tpu.memory_space<vmem>>
      %dma_wait3A_89 = arith.constant 0 : i32
      %dma_wait3A_90 = arith.constant 0 : i32
      %dma_wait3A_91 = tpu.memref_slice %arg13[%dma_wait3A_89, %dma_wait3A_90] : memref<10000x16xf32, #tpu.memory_space<vmem_shared>> -> memref<10000x16xf32, #tpu.memory_space<vmem_shared>>
      tpu.wait_indirect_dma semaphore(%arg17 : memref<!tpu.dma_semaphore, #tpu.memory_space<semaphore_mem>>) src(%dma_wait3A_91 : memref<10000x16xf32, #tpu.memory_space<vmem_shared>>) dst(%arg12 : memref<128x16xf32, #tpu.memory_space<vmem>>)
      "tpu.region"() ({
        %run_scoped3A = tpu.sem_alloc : memref<!tpu.dma_semaphore, #tpu.memory_space<semaphore_mem>>
        %dma_start3A_92 = arith.constant 0 : i32
        %dma_start3A_93 = tpu.memref_slice %arg6[%mul3A_45, %dma_start3A_92] : memref<160000x16xf32, #tpu.memory_space<hbm>> -> memref<128x16xf32, #tpu.memory_space<hbm>>
        %dma_start3A_94 = arith.constant 0 : i32
        %dma_start3A_95 = tpu.memref_slice %arg6[%mul3A_45, %dma_start3A_94] : memref<160000x16xf32, #tpu.memory_space<hbm>> -> memref<128x16xf32, #tpu.memory_space<hbm>>
        tpu.enqueue_dma source(%arg12 : memref<128x16xf32, #tpu.memory_space<vmem>>) target(%dma_start3A_95 : memref<128x16xf32, #tpu.memory_space<hbm>>) target_semaphore(%run_scoped3A : memref<!tpu.dma_semaphore, #tpu.memory_space<semaphore_mem>>)
        %dma_wait3A_96 = arith.constant 0 : i32
        %dma_wait3A_97 = tpu.memref_slice %arg6[%mul3A_45, %dma_wait3A_96] : memref<160000x16xf32, #tpu.memory_space<hbm>> -> memref<128x16xf32, #tpu.memory_space<hbm>>
        %dma_wait3A_98 = arith.constant 0 : i32
        %dma_wait3A_99 = tpu.memref_slice %arg6[%mul3A_45, %dma_wait3A_98] : memref<160000x16xf32, #tpu.memory_space<hbm>> -> memref<128x16xf32, #tpu.memory_space<hbm>>
        tpu.wait_dma2 semaphore(%run_scoped3A : memref<!tpu.dma_semaphore, #tpu.memory_space<semaphore_mem>>) src(%arg12 : memref<128x16xf32, #tpu.memory_space<vmem>>) dst(%dma_wait3A_99 : memref<128x16xf32, #tpu.memory_space<hbm>>)
        tpu.yield
      }) : () -> ()
    }
    return
  }
}

module attributes {stable_mosaic.version = 14 : i64} {
  func.func @_msg_body(%arg0: i32, %arg1: memref<1536x16xf32, #tpu.memory_space<vmem>>, %arg2: memref<1536x128xf32, #tpu.memory_space<vmem>>, %arg3: memref<16x1024xf32, #tpu.memory_space<vmem>>, %arg4: memref<1x1024xf32, #tpu.memory_space<vmem>>, %arg5: memref<1024x1024xf32, #tpu.memory_space<hbm>>, %arg6: memref<1x1024xf32, #tpu.memory_space<vmem>>, %arg7: memref<1024x16xf32, #tpu.memory_space<vmem>>, %arg8: memref<1536x16xf32, #tpu.memory_space<vmem>>, %arg9: memref<1024x1024xf32, #tpu.memory_space<vmem>>, %arg10: memref<!tpu.dma_semaphore, #tpu.memory_space<semaphore_mem>>) attributes {dimension_semantics = [#tpu.dimension_semantics<arbitrary>], iteration_bounds = array<i64: 64>, scalar_prefetch = 0 : i64, scratch_operands = 2 : i64, tpu.core_type = #tpu.core_type<tc>, window_params = [{transform_indices = @transform_0, window_bounds = array<i64: 1536, 16>}, {transform_indices = @transform_1, window_bounds = array<i64: 1536, 128>}, {pipeline_mode = #tpu.pipeline_mode<synchronous>, transform_indices = @transform_2, window_bounds = array<i64: 16, 1024>}, {pipeline_mode = #tpu.pipeline_mode<synchronous>, transform_indices = @transform_3, window_bounds = array<i64: 1, 1024>}, {}, {pipeline_mode = #tpu.pipeline_mode<synchronous>, transform_indices = @transform_5, window_bounds = array<i64: 1, 1024>}, {pipeline_mode = #tpu.pipeline_mode<synchronous>, transform_indices = @transform_6, window_bounds = array<i64: 1024, 16>}, {transform_indices = @transform_7, window_bounds = array<i64: 1536, 16>}]} {
    %eq3A = arith.constant 0 : i32
    %eq3A_0 = arith.cmpi eq, %arg0, %eq3A : i32
    %convert_element_type3A = arith.extui %eq3A_0 : i1 to i32
    %cond3A = arith.constant 0 : i32
    %cond3A_1 = arith.cmpi ne, %convert_element_type3A, %cond3A : i32
    scf.if %cond3A_1 {
      tpu.enqueue_dma source(%arg5 : memref<1024x1024xf32, #tpu.memory_space<hbm>>) target(%arg9 : memref<1024x1024xf32, #tpu.memory_space<vmem>>) target_semaphore(%arg10 : memref<!tpu.dma_semaphore, #tpu.memory_space<semaphore_mem>>)
      tpu.wait_dma2 semaphore(%arg10 : memref<!tpu.dma_semaphore, #tpu.memory_space<semaphore_mem>>) src(%arg5 : memref<1024x1024xf32, #tpu.memory_space<hbm>>) dst(%arg9 : memref<1024x1024xf32, #tpu.memory_space<vmem>>)
    } else {
    }
    %get3A = arith.constant 0 : index
    %get3A_2 = arith.constant 0 : index
    %get3A_3 = vector.load %arg1[%get3A, %get3A_2] : memref<1536x16xf32, #tpu.memory_space<vmem>>, vector<1536x16xf32>
    %get3A_4 = arith.constant 0 : index
    %get3A_5 = arith.constant 0 : index
    %get3A_6 = vector.load %arg3[%get3A_4, %get3A_5] : memref<16x1024xf32, #tpu.memory_space<vmem>>, vector<16x1024xf32>
    %dot_general3A = arith.constant dense<0.000000e+00> : vector<1536x1024xf32>
    %dot_general3A_7 = tpu.matmul %get3A_3, %get3A_6, %dot_general3A {dimension_numbers = #tpu.dot_dimension_numbers<[1], [0], [0], [1], [0, 0, 1, 1], [], []>, transpose_lhs_hint = false} : vector<1536x16xf32>, vector<16x1024xf32>, vector<1536x1024xf32> -> vector<1536x1024xf32>
    %get3A_8 = arith.constant 0 : index
    %get3A_9 = arith.constant 0 : index
    %get3A_10 = vector.load %arg4[%get3A_8, %get3A_9] : memref<1x1024xf32, #tpu.memory_space<vmem>>, vector<1x1024xf32>
    %add3A = vector.broadcast %get3A_10 : vector<1x1024xf32> to vector<1536x1024xf32>
    %add3A_11 = arith.addf %dot_general3A_7, %add3A : vector<1536x1024xf32>
    %max3A = arith.constant 0.000000e+00 : f32
    %max3A_12 = vector.broadcast %max3A : f32 to vector<1536x1024xf32>
    %max3A_13 = arith.maximumf %add3A_11, %max3A_12 : vector<1536x1024xf32>
    %get3A_14 = arith.constant 0 : index
    %get3A_15 = arith.constant 0 : index
    %get3A_16 = vector.load %arg9[%get3A_14, %get3A_15] : memref<1024x1024xf32, #tpu.memory_space<vmem>>, vector<1024x1024xf32>
    %dot_general3A_17 = arith.constant dense<0.000000e+00> : vector<1536x1024xf32>
    %dot_general3A_18 = tpu.matmul %max3A_13, %get3A_16, %dot_general3A_17 {dimension_numbers = #tpu.dot_dimension_numbers<[1], [0], [0], [1], [0, 0, 1, 1], [], []>, transpose_lhs_hint = false} : vector<1536x1024xf32>, vector<1024x1024xf32>, vector<1536x1024xf32> -> vector<1536x1024xf32>
    %get3A_19 = arith.constant 0 : index
    %get3A_20 = arith.constant 0 : index
    %get3A_21 = vector.load %arg6[%get3A_19, %get3A_20] : memref<1x1024xf32, #tpu.memory_space<vmem>>, vector<1x1024xf32>
    %add3A_22 = vector.broadcast %get3A_21 : vector<1x1024xf32> to vector<1536x1024xf32>
    %add3A_23 = arith.addf %dot_general3A_18, %add3A_22 : vector<1536x1024xf32>
    %get3A_24 = arith.constant 0 : index
    %get3A_25 = arith.constant 0 : index
    %get3A_26 = vector.load %arg2[%get3A_24, %get3A_25] : memref<1536x128xf32, #tpu.memory_space<vmem>>, vector<1536x128xf32>
    %concatenate3A = tpu.concatenate %get3A_26, %get3A_26, %get3A_26, %get3A_26, %get3A_26, %get3A_26, %get3A_26, %get3A_26 in 1 : vector<1536x128xf32>, vector<1536x128xf32>, vector<1536x128xf32>, vector<1536x128xf32>, vector<1536x128xf32>, vector<1536x128xf32>, vector<1536x128xf32>, vector<1536x128xf32> -> vector<1536x1024xf32>
    %mul3A = arith.mulf %add3A_23, %concatenate3A : vector<1536x1024xf32>
    %get3A_27 = arith.constant 0 : index
    %get3A_28 = arith.constant 0 : index
    %get3A_29 = vector.load %arg7[%get3A_27, %get3A_28] : memref<1024x16xf32, #tpu.memory_space<vmem>>, vector<1024x16xf32>
    %dot_general3A_30 = arith.constant dense<0.000000e+00> : vector<1536x16xf32>
    %dot_general3A_31 = tpu.matmul %mul3A, %get3A_29, %dot_general3A_30 {dimension_numbers = #tpu.dot_dimension_numbers<[1], [0], [0], [1], [0, 0, 1, 1], [], []>, transpose_lhs_hint = false} : vector<1536x1024xf32>, vector<1024x16xf32>, vector<1536x16xf32> -> vector<1536x16xf32>
    %swap3A = arith.constant 0 : index
    %swap3A_32 = arith.constant 0 : index
    %swap3A_33 = vector.load %arg8[%swap3A, %swap3A_32] : memref<1536x16xf32, #tpu.memory_space<vmem>>, vector<1536x16xf32>
    tpu.vector_store %arg8[%swap3A, %swap3A_32], %dot_general3A_31 {strides = array<i32>} : memref<1536x16xf32, #tpu.memory_space<vmem>>, vector<1536x16xf32>,
    return
  }
  func.func @transform_0(%arg0: i32) -> (i32, i32) {
    %c0_i32 = arith.constant 0 : i32
    %c0_i32_0 = arith.constant 0 : i32
    return %arg0, %c0_i32 : i32, i32
  }
  func.func @transform_1(%arg0: i32) -> (i32, i32) {
    %c0_i32 = arith.constant 0 : i32
    %c0_i32_0 = arith.constant 0 : i32
    return %arg0, %c0_i32 : i32, i32
  }
  func.func @transform_2(%arg0: i32) -> (i32, i32) {
    %c0_i32 = arith.constant 0 : i32
    %c0_i32_0 = arith.constant 0 : i32
    %c0_i32_1 = arith.constant 0 : i32
    return %c0_i32, %c0_i32_0 : i32, i32
  }
  func.func @transform_3(%arg0: i32) -> (i32, i32) {
    %c0_i32 = arith.constant 0 : i32
    %c0_i32_0 = arith.constant 0 : i32
    %c0_i32_1 = arith.constant 0 : i32
    return %c0_i32, %c0_i32_0 : i32, i32
  }
  func.func @transform_5(%arg0: i32) -> (i32, i32) {
    %c0_i32 = arith.constant 0 : i32
    %c0_i32_0 = arith.constant 0 : i32
    %c0_i32_1 = arith.constant 0 : i32
    return %c0_i32, %c0_i32_0 : i32, i32
  }
  func.func @transform_6(%arg0: i32) -> (i32, i32) {
    %c0_i32 = arith.constant 0 : i32
    %c0_i32_0 = arith.constant 0 : i32
    %c0_i32_1 = arith.constant 0 : i32
    return %c0_i32, %c0_i32_0 : i32, i32
  }
  func.func @transform_7(%arg0: i32) -> (i32, i32) {
    %c0_i32 = arith.constant 0 : i32
    %c0_i32_0 = arith.constant 0 : i32
    return %arg0, %c0_i32 : i32, i32
  }
}

module attributes {stable_mosaic.version = 14 : i64} {
  func.func @_msg_body(%arg0: i32, %arg1: memref<2048x16xf32, #tpu.memory_space<vmem>>, %arg2: memref<2048x128xf32, #tpu.memory_space<vmem>>, %arg3: memref<16x1024xf32, #tpu.memory_space<vmem>>, %arg4: memref<1x1024xf32, #tpu.memory_space<vmem>>, %arg5: memref<1024x1024xf32, #tpu.memory_space<hbm>>, %arg6: memref<1x1024xf32, #tpu.memory_space<vmem>>, %arg7: memref<1024x16xf32, #tpu.memory_space<vmem>>, %arg8: memref<2048x16xf32, #tpu.memory_space<vmem>>, %arg9: memref<1024x1024xf32, #tpu.memory_space<vmem>>, %arg10: memref<!tpu.dma_semaphore, #tpu.memory_space<semaphore_mem>>) attributes {dimension_semantics = [#tpu.dimension_semantics<arbitrary>], iteration_bounds = array<i64: 32>, scalar_prefetch = 0 : i64, scratch_operands = 2 : i64, tpu.core_type = #tpu.core_type<tc>, window_params = [{transform_indices = @transform_0, window_bounds = array<i64: 2048, 16>}, {transform_indices = @transform_1, window_bounds = array<i64: 2048, 128>}, {pipeline_mode = #tpu.pipeline_mode<synchronous>, transform_indices = @transform_2, window_bounds = array<i64: 16, 1024>}, {pipeline_mode = #tpu.pipeline_mode<synchronous>, transform_indices = @transform_3, window_bounds = array<i64: 1, 1024>}, {}, {pipeline_mode = #tpu.pipeline_mode<synchronous>, transform_indices = @transform_5, window_bounds = array<i64: 1, 1024>}, {pipeline_mode = #tpu.pipeline_mode<synchronous>, transform_indices = @transform_6, window_bounds = array<i64: 1024, 16>}, {transform_indices = @transform_7, window_bounds = array<i64: 2048, 16>}]} {
    %eq3A = arith.constant 0 : i32
    %eq3A_0 = arith.cmpi eq, %arg0, %eq3A : i32
    %convert_element_type3A = arith.extui %eq3A_0 : i1 to i32
    %cond3A = arith.constant 0 : i32
    %cond3A_1 = arith.cmpi ne, %convert_element_type3A, %cond3A : i32
    scf.if %cond3A_1 {
      tpu.enqueue_dma source(%arg5 : memref<1024x1024xf32, #tpu.memory_space<hbm>>) target(%arg9 : memref<1024x1024xf32, #tpu.memory_space<vmem>>) target_semaphore(%arg10 : memref<!tpu.dma_semaphore, #tpu.memory_space<semaphore_mem>>)
      tpu.wait_dma2 semaphore(%arg10 : memref<!tpu.dma_semaphore, #tpu.memory_space<semaphore_mem>>) src(%arg5 : memref<1024x1024xf32, #tpu.memory_space<hbm>>) dst(%arg9 : memref<1024x1024xf32, #tpu.memory_space<vmem>>)
    } else {
    }
    %get3A = arith.constant 0 : index
    %get3A_2 = arith.constant 0 : index
    %get3A_3 = vector.load %arg1[%get3A, %get3A_2] : memref<2048x16xf32, #tpu.memory_space<vmem>>, vector<2048x16xf32>
    %get3A_4 = arith.constant 0 : index
    %get3A_5 = arith.constant 0 : index
    %get3A_6 = vector.load %arg3[%get3A_4, %get3A_5] : memref<16x1024xf32, #tpu.memory_space<vmem>>, vector<16x1024xf32>
    %dot_general3A = arith.constant dense<0.000000e+00> : vector<2048x1024xf32>
    %dot_general3A_7 = tpu.matmul %get3A_3, %get3A_6, %dot_general3A {dimension_numbers = #tpu.dot_dimension_numbers<[1], [0], [0], [1], [0, 0, 1, 1], [], []>, transpose_lhs_hint = false} : vector<2048x16xf32>, vector<16x1024xf32>, vector<2048x1024xf32> -> vector<2048x1024xf32>
    %get3A_8 = arith.constant 0 : index
    %get3A_9 = arith.constant 0 : index
    %get3A_10 = vector.load %arg4[%get3A_8, %get3A_9] : memref<1x1024xf32, #tpu.memory_space<vmem>>, vector<1x1024xf32>
    %add3A = vector.broadcast %get3A_10 : vector<1x1024xf32> to vector<2048x1024xf32>
    %add3A_11 = arith.addf %dot_general3A_7, %add3A : vector<2048x1024xf32>
    %max3A = arith.constant 0.000000e+00 : f32
    %max3A_12 = vector.broadcast %max3A : f32 to vector<2048x1024xf32>
    %max3A_13 = arith.maximumf %add3A_11, %max3A_12 : vector<2048x1024xf32>
    %get3A_14 = arith.constant 0 : index
    %get3A_15 = arith.constant 0 : index
    %get3A_16 = vector.load %arg9[%get3A_14, %get3A_15] : memref<1024x1024xf32, #tpu.memory_space<vmem>>, vector<1024x1024xf32>
    %dot_general3A_17 = arith.constant dense<0.000000e+00> : vector<2048x1024xf32>
    %dot_general3A_18 = tpu.matmul %max3A_13, %get3A_16, %dot_general3A_17 {dimension_numbers = #tpu.dot_dimension_numbers<[1], [0], [0], [1], [0, 0, 1, 1], [], []>, transpose_lhs_hint = false} : vector<2048x1024xf32>, vector<1024x1024xf32>, vector<2048x1024xf32> -> vector<2048x1024xf32>
    %get3A_19 = arith.constant 0 : index
    %get3A_20 = arith.constant 0 : index
    %get3A_21 = vector.load %arg6[%get3A_19, %get3A_20] : memref<1x1024xf32, #tpu.memory_space<vmem>>, vector<1x1024xf32>
    %add3A_22 = vector.broadcast %get3A_21 : vector<1x1024xf32> to vector<2048x1024xf32>
    %add3A_23 = arith.addf %dot_general3A_18, %add3A_22 : vector<2048x1024xf32>
    %get3A_24 = arith.constant 0 : index
    %get3A_25 = arith.constant 0 : index
    %get3A_26 = vector.load %arg2[%get3A_24, %get3A_25] : memref<2048x128xf32, #tpu.memory_space<vmem>>, vector<2048x128xf32>
    %concatenate3A = tpu.concatenate %get3A_26, %get3A_26, %get3A_26, %get3A_26, %get3A_26, %get3A_26, %get3A_26, %get3A_26 in 1 : vector<2048x128xf32>, vector<2048x128xf32>, vector<2048x128xf32>, vector<2048x128xf32>, vector<2048x128xf32>, vector<2048x128xf32>, vector<2048x128xf32>, vector<2048x128xf32> -> vector<2048x1024xf32>
    %mul3A = arith.mulf %add3A_23, %concatenate3A : vector<2048x1024xf32>
    %get3A_27 = arith.constant 0 : index
    %get3A_28 = arith.constant 0 : index
    %get3A_29 = vector.load %arg7[%get3A_27, %get3A_28] : memref<1024x16xf32, #tpu.memory_space<vmem>>, vector<1024x16xf32>
    %dot_general3A_30 = arith.constant dense<0.000000e+00> : vector<2048x16xf32>
    %dot_general3A_31 = tpu.matmul %mul3A, %get3A_29, %dot_general3A_30 {dimension_numbers = #tpu.dot_dimension_numbers<[1], [0], [0], [1], [0, 0, 1, 1], [], []>, transpose_lhs_hint = false} : vector<2048x1024xf32>, vector<1024x16xf32>, vector<2048x16xf32> -> vector<2048x16xf32>
    %swap3A = arith.constant 0 : index
    %swap3A_32 = arith.constant 0 : index
    %swap3A_33 = vector.load %arg8[%swap3A, %swap3A_32] : memref<2048x16xf32, #tpu.memory_space<vmem>>, vector<2048x16xf32>
    tpu.vector_store %arg8[%swap3A, %swap3A_32], %dot_general3A_31 {strides = array<i32>} : memref<2048x16xf32, #tpu.memory_space<vmem>>, vector<2048x16xf32>,
    return
  }
  func.func @transform_0(%arg0: i32) -> (i32, i32) {
    %c0_i32 = arith.constant 0 : i32
    %c0_i32_0 = arith.constant 0 : i32
    return %arg0, %c0_i32 : i32, i32
  }
  func.func @transform_1(%arg0: i32) -> (i32, i32) {
    %c0_i32 = arith.constant 0 : i32
    %c0_i32_0 = arith.constant 0 : i32
    return %arg0, %c0_i32 : i32, i32
  }
  func.func @transform_2(%arg0: i32) -> (i32, i32) {
    %c0_i32 = arith.constant 0 : i32
    %c0_i32_0 = arith.constant 0 : i32
    %c0_i32_1 = arith.constant 0 : i32
    return %c0_i32, %c0_i32_0 : i32, i32
  }
  func.func @transform_3(%arg0: i32) -> (i32, i32) {
    %c0_i32 = arith.constant 0 : i32
    %c0_i32_0 = arith.constant 0 : i32
    %c0_i32_1 = arith.constant 0 : i32
    return %c0_i32, %c0_i32_0 : i32, i32
  }
  func.func @transform_5(%arg0: i32) -> (i32, i32) {
    %c0_i32 = arith.constant 0 : i32
    %c0_i32_0 = arith.constant 0 : i32
    %c0_i32_1 = arith.constant 0 : i32
    return %c0_i32, %c0_i32_0 : i32, i32
  }
  func.func @transform_6(%arg0: i32) -> (i32, i32) {
    %c0_i32 = arith.constant 0 : i32
    %c0_i32_0 = arith.constant 0 : i32
    %c0_i32_1 = arith.constant 0 : i32
    return %c0_i32, %c0_i32_0 : i32, i32
  }
  func.func @transform_7(%arg0: i32) -> (i32, i32) {
    %c0_i32 = arith.constant 0 : i32
    %c0_i32_0 = arith.constant 0 : i32
    return %arg0, %c0_i32 : i32, i32
  }
}

module attributes {stable_mosaic.version = 14 : i64} {
  func.func @_combine_body(%arg0: memref<2x10000x16xf32, #tpu.memory_space<vmem>>, %arg1: memref<2x10000x16xf32, #tpu.memory_space<vmem>>, %arg2: memref<1x16xf32, #tpu.memory_space<vmem>>, %arg3: memref<10000x16xf32, #tpu.memory_space<vmem>>) attributes {dimension_semantics = [], scalar_prefetch = 0 : i64, scratch_operands = 0 : i64, tpu.core_type = #tpu.core_type<tc>} {
    %get3A = arith.constant 0 : index
    %get3A_0 = arith.constant 0 : index
    %get3A_1 = arith.constant 0 : index
    %get3A_2 = vector.load %arg0[%get3A, %get3A_0, %get3A_1] : memref<2x10000x16xf32, #tpu.memory_space<vmem>>, vector<1x10000x16xf32>
    %get3A_3 = vector.shape_cast %get3A_2 : vector<1x10000x16xf32> to vector<10000x16xf32>
    %get3A_4 = arith.constant 1 : index
    %get3A_5 = arith.constant 0 : index
    %get3A_6 = arith.constant 0 : index
    %get3A_7 = vector.load %arg0[%get3A_4, %get3A_5, %get3A_6] : memref<2x10000x16xf32, #tpu.memory_space<vmem>>, vector<1x10000x16xf32>
    %get3A_8 = vector.shape_cast %get3A_7 : vector<1x10000x16xf32> to vector<10000x16xf32>
    %add3A = arith.addf %get3A_3, %get3A_8 : vector<10000x16xf32>
    %get3A_9 = arith.constant 0 : index
    %get3A_10 = arith.constant 0 : index
    %get3A_11 = arith.constant 0 : index
    %get3A_12 = vector.load %arg1[%get3A_9, %get3A_10, %get3A_11] : memref<2x10000x16xf32, #tpu.memory_space<vmem>>, vector<1x10000x16xf32>
    %get3A_13 = vector.shape_cast %get3A_12 : vector<1x10000x16xf32> to vector<10000x16xf32>
    %add3A_14 = arith.addf %add3A, %get3A_13 : vector<10000x16xf32>
    %get3A_15 = arith.constant 1 : index
    %get3A_16 = arith.constant 0 : index
    %get3A_17 = arith.constant 0 : index
    %get3A_18 = vector.load %arg1[%get3A_15, %get3A_16, %get3A_17] : memref<2x10000x16xf32, #tpu.memory_space<vmem>>, vector<1x10000x16xf32>
    %get3A_19 = vector.shape_cast %get3A_18 : vector<1x10000x16xf32> to vector<10000x16xf32>
    %add3A_20 = arith.addf %add3A_14, %get3A_19 : vector<10000x16xf32>
    %get3A_21 = arith.constant 0 : index
    %get3A_22 = arith.constant 0 : index
    %get3A_23 = vector.load %arg2[%get3A_21, %get3A_22] : memref<1x16xf32, #tpu.memory_space<vmem>>, vector<1x16xf32>
    %add3A_24 = vector.broadcast %get3A_23 : vector<1x16xf32> to vector<10000x16xf32>
    %add3A_25 = arith.addf %add3A_20, %add3A_24 : vector<10000x16xf32>
    %max3A = arith.constant 0.000000e+00 : f32
    %max3A_26 = vector.broadcast %max3A : f32 to vector<10000x16xf32>
    %max3A_27 = arith.maximumf %add3A_25, %max3A_26 : vector<10000x16xf32>
    %swap3A = arith.constant 0 : index
    %swap3A_28 = arith.constant 0 : index
    %swap3A_29 = vector.load %arg3[%swap3A, %swap3A_28] : memref<10000x16xf32, #tpu.memory_space<vmem>>, vector<10000x16xf32>
    tpu.vector_store %arg3[%swap3A, %swap3A_28], %max3A_27 {strides = array<i32>} : memref<10000x16xf32, #tpu.memory_space<vmem>>, vector<10000x16xf32>,
    return
  }
}

module attributes {stable_mosaic.version = 14 : i64} {
  func.func @_cls_body(%arg0: i32, %arg1: memref<2000x128xf32, #tpu.memory_space<vmem>>, %arg2: memref<2000x128xf32, #tpu.memory_space<vmem>>, %arg3: memref<2000x128xf32, #tpu.memory_space<vmem>>, %arg4: memref<128x64xf32, #tpu.memory_space<vmem>>, %arg5: memref<128x64xf32, #tpu.memory_space<vmem>>, %arg6: memref<128x64xf32, #tpu.memory_space<vmem>>, %arg7: memref<1x64xf32, #tpu.memory_space<vmem>>, %arg8: memref<64x128xf32, #tpu.memory_space<vmem>>, %arg9: memref<1x128xf32, #tpu.memory_space<vmem>>, %arg10: memref<2000x128xf32, #tpu.memory_space<vmem>>) attributes {dimension_semantics = [#tpu.dimension_semantics<arbitrary>], iteration_bounds = array<i64: 10>, scalar_prefetch = 0 : i64, scratch_operands = 0 : i64, tpu.core_type = #tpu.core_type<tc>, window_params = [{transform_indices = @transform_0, window_bounds = array<i64: 2000, 128>}, {transform_indices = @transform_1, window_bounds = array<i64: 2000, 128>}, {transform_indices = @transform_2, window_bounds = array<i64: 2000, 128>}, {pipeline_mode = #tpu.pipeline_mode<synchronous>, transform_indices = @transform_3, window_bounds = array<i64: 128, 64>}, {pipeline_mode = #tpu.pipeline_mode<synchronous>, transform_indices = @transform_4, window_bounds = array<i64: 128, 64>}, {pipeline_mode = #tpu.pipeline_mode<synchronous>, transform_indices = @transform_5, window_bounds = array<i64: 128, 64>}, {pipeline_mode = #tpu.pipeline_mode<synchronous>, transform_indices = @transform_6, window_bounds = array<i64: 1, 64>}, {pipeline_mode = #tpu.pipeline_mode<synchronous>, transform_indices = @transform_7, window_bounds = array<i64: 64, 128>}, {pipeline_mode = #tpu.pipeline_mode<synchronous>, transform_indices = @transform_8, window_bounds = array<i64: 1, 128>}, {transform_indices = @transform_9, window_bounds = array<i64: 2000, 128>}]} {
    %get3A = arith.constant 0 : index
    %get3A_0 = arith.constant 0 : index
    %get3A_1 = vector.load %arg1[%get3A, %get3A_0] : memref<2000x128xf32, #tpu.memory_space<vmem>>, vector<2000x128xf32>
    %get3A_2 = arith.constant 0 : index
    %get3A_3 = arith.constant 0 : index
    %get3A_4 = vector.load %arg4[%get3A_2, %get3A_3] : memref<128x64xf32, #tpu.memory_space<vmem>>, vector<128x64xf32>
    %dot_general3A = arith.constant dense<0.000000e+00> : vector<2000x64xf32>
    %dot_general3A_5 = tpu.matmul %get3A_1, %get3A_4, %dot_general3A {dimension_numbers = #tpu.dot_dimension_numbers<[1], [0], [0], [1], [0, 0, 1, 1], [], []>, transpose_lhs_hint = false} : vector<2000x128xf32>, vector<128x64xf32>, vector<2000x64xf32> -> vector<2000x64xf32>
    %get3A_6 = arith.constant 0 : index
    %get3A_7 = arith.constant 0 : index
    %get3A_8 = vector.load %arg2[%get3A_6, %get3A_7] : memref<2000x128xf32, #tpu.memory_space<vmem>>, vector<2000x128xf32>
    %get3A_9 = arith.constant 0 : index
    %get3A_10 = arith.constant 0 : index
    %get3A_11 = vector.load %arg5[%get3A_9, %get3A_10] : memref<128x64xf32, #tpu.memory_space<vmem>>, vector<128x64xf32>
    %dot_general3A_12 = arith.constant dense<0.000000e+00> : vector<2000x64xf32>
    %dot_general3A_13 = tpu.matmul %get3A_8, %get3A_11, %dot_general3A_12 {dimension_numbers = #tpu.dot_dimension_numbers<[1], [0], [0], [1], [0, 0, 1, 1], [], []>, transpose_lhs_hint = false} : vector<2000x128xf32>, vector<128x64xf32>, vector<2000x64xf32> -> vector<2000x64xf32>
    %add3A = arith.addf %dot_general3A_5, %dot_general3A_13 : vector<2000x64xf32>
    %get3A_14 = arith.constant 0 : index
    %get3A_15 = arith.constant 0 : index
    %get3A_16 = vector.load %arg3[%get3A_14, %get3A_15] : memref<2000x128xf32, #tpu.memory_space<vmem>>, vector<2000x128xf32>
    %get3A_17 = arith.constant 0 : index
    %get3A_18 = arith.constant 0 : index
    %get3A_19 = vector.load %arg6[%get3A_17, %get3A_18] : memref<128x64xf32, #tpu.memory_space<vmem>>, vector<128x64xf32>
    %dot_general3A_20 = arith.constant dense<0.000000e+00> : vector<2000x64xf32>
    %dot_general3A_21 = tpu.matmul %get3A_16, %get3A_19, %dot_general3A_20 {dimension_numbers = #tpu.dot_dimension_numbers<[1], [0], [0], [1], [0, 0, 1, 1], [], []>, transpose_lhs_hint = false} : vector<2000x128xf32>, vector<128x64xf32>, vector<2000x64xf32> -> vector<2000x64xf32>
    %add3A_22 = arith.addf %add3A, %dot_general3A_21 : vector<2000x64xf32>
    %get3A_23 = arith.constant 0 : index
    %get3A_24 = arith.constant 0 : index
    %get3A_25 = vector.load %arg7[%get3A_23, %get3A_24] : memref<1x64xf32, #tpu.memory_space<vmem>>, vector<1x64xf32>
    %add3A_26 = vector.broadcast %get3A_25 : vector<1x64xf32> to vector<2000x64xf32>
    %add3A_27 = arith.addf %add3A_22, %add3A_26 : vector<2000x64xf32>
    %max3A = arith.constant 0.000000e+00 : f32
    %max3A_28 = vector.broadcast %max3A : f32 to vector<2000x64xf32>
    %max3A_29 = arith.maximumf %add3A_27, %max3A_28 : vector<2000x64xf32>
    %get3A_30 = arith.constant 0 : index
    %get3A_31 = arith.constant 0 : index
    %get3A_32 = vector.load %arg8[%get3A_30, %get3A_31] : memref<64x128xf32, #tpu.memory_space<vmem>>, vector<64x128xf32>
    %dot_general3A_33 = arith.constant dense<0.000000e+00> : vector<2000x128xf32>
    %dot_general3A_34 = tpu.matmul %max3A_29, %get3A_32, %dot_general3A_33 {dimension_numbers = #tpu.dot_dimension_numbers<[1], [0], [0], [1], [0, 0, 1, 1], [], []>, transpose_lhs_hint = false} : vector<2000x64xf32>, vector<64x128xf32>, vector<2000x128xf32> -> vector<2000x128xf32>
    %get3A_35 = arith.constant 0 : index
    %get3A_36 = arith.constant 0 : index
    %get3A_37 = vector.load %arg9[%get3A_35, %get3A_36] : memref<1x128xf32, #tpu.memory_space<vmem>>, vector<1x128xf32>
    %add3A_38 = vector.broadcast %get3A_37 : vector<1x128xf32> to vector<2000x128xf32>
    %add3A_39 = arith.addf %dot_general3A_34, %add3A_38 : vector<2000x128xf32>
    %swap3A = arith.constant 0 : index
    %swap3A_40 = arith.constant 0 : index
    %swap3A_41 = vector.load %arg10[%swap3A, %swap3A_40] : memref<2000x128xf32, #tpu.memory_space<vmem>>, vector<2000x128xf32>
    tpu.vector_store %arg10[%swap3A, %swap3A_40], %add3A_39 {strides = array<i32>} : memref<2000x128xf32, #tpu.memory_space<vmem>>, vector<2000x128xf32>,
    return
  }
  func.func @transform_0(%arg0: i32) -> (i32, i32) {
    %c0_i32 = arith.constant 0 : i32
    %c0_i32_0 = arith.constant 0 : i32
    return %arg0, %c0_i32 : i32, i32
  }
  func.func @transform_1(%arg0: i32) -> (i32, i32) {
    %c0_i32 = arith.constant 0 : i32
    %c0_i32_0 = arith.constant 0 : i32
    return %arg0, %c0_i32 : i32, i32
  }
  func.func @transform_2(%arg0: i32) -> (i32, i32) {
    %c0_i32 = arith.constant 0 : i32
    %c0_i32_0 = arith.constant 0 : i32
    return %arg0, %c0_i32 : i32, i32
  }
  func.func @transform_3(%arg0: i32) -> (i32, i32) {
    %c0_i32 = arith.constant 0 : i32
    %c0_i32_0 = arith.constant 0 : i32
    %c0_i32_1 = arith.constant 0 : i32
    return %c0_i32, %c0_i32_0 : i32, i32
  }
  func.func @transform_4(%arg0: i32) -> (i32, i32) {
    %c0_i32 = arith.constant 0 : i32
    %c0_i32_0 = arith.constant 0 : i32
    %c0_i32_1 = arith.constant 0 : i32
    return %c0_i32, %c0_i32_0 : i32, i32
  }
  func.func @transform_5(%arg0: i32) -> (i32, i32) {
    %c0_i32 = arith.constant 0 : i32
    %c0_i32_0 = arith.constant 0 : i32
    %c0_i32_1 = arith.constant 0 : i32
    return %c0_i32, %c0_i32_0 : i32, i32
  }
  func.func @transform_6(%arg0: i32) -> (i32, i32) {
    %c0_i32 = arith.constant 0 : i32
    %c0_i32_0 = arith.constant 0 : i32
    %c0_i32_1 = arith.constant 0 : i32
    return %c0_i32, %c0_i32_0 : i32, i32
  }
  func.func @transform_7(%arg0: i32) -> (i32, i32) {
    %c0_i32 = arith.constant 0 : i32
    %c0_i32_0 = arith.constant 0 : i32
    %c0_i32_1 = arith.constant 0 : i32
    return %c0_i32, %c0_i32_0 : i32, i32
  }
  func.func @transform_8(%arg0: i32) -> (i32, i32) {
    %c0_i32 = arith.constant 0 : i32
    %c0_i32_0 = arith.constant 0 : i32
    %c0_i32_1 = arith.constant 0 : i32
    return %c0_i32, %c0_i32_0 : i32, i32
  }
  func.func @transform_9(%arg0: i32) -> (i32, i32) {
    %c0_i32 = arith.constant 0 : i32
    %c0_i32_0 = arith.constant 0 : i32
    return %arg0, %c0_i32 : i32, i32
  }
}

</mosaic_0001>

<sc_bundles>
// kernel: kernel.11.cloned.1.call-start
scs
__scs_entry_jumppad:
0x0: {  	(pc) =	sbr.rel $0x88, $3  }
0x1: {  	(tag) =	ssettag $0x0;
	lr =	simm.s32 $0x1  }
0x2: {  	[smem:$0x3F95] =	sst lr;
	_ =	strace $0xD0000000  }
0x3: {  	_ = 	snop  }
0x4: {  	_ = 	snop  }
0x5: {  	_ = 	snop  }
0x6: {  	_ = 	snop  }
0x7: {  	_ = 	snop  }
__scs_overlays_trampoline_lowered:
0x8: {  	[smem:$0x3FA4] =	sst s0  }
0x9: {  	[smem:$0x3FA5] =	sst s1  }
0xa: {  	[smem:$0x3FA6] =	sst s2  }
0xb: {  	[smem:$0x3FA7] =	sst s3  }
0xc: {  	[smem:$0x3FA8] =	sst s4  }
0xd: {  	[smem:$0x3FA9] =	sst s5  }
0xe: {  	[smem:$0x3FAA] =	sst s6  }
0xf: {  	[smem:$0x3FAB] =	sst s7  }
0x10: {  	[smem:$0x3FAC] =	sst s8  }
0x11: {  	[smem:$0x3FAD] =	sst s9;
	s0 =	simm.s32 @!p0 $0x0  }
0x12: {  	s1 =	sld [smem:$0x3F93];
	s0 =	simm.s32 @p0 $0x1  }
0x13: {  	[smem:$0x3FAE] =	sst s0;
	s0 =	simm.s32 @!p1 $0x0  }
0x14: {  	s2 =	sld [smem:$0x3F92];
	s0 =	simm.s32 @p1 $0x1  }
0x15: {  	[smem:$0x3FAF] =	sst s0;
	s0 =	simm.s32 @!p2 $0x0  }
0x16: {  	s3 =	sld [smem:$0x3FDB];
	s0 =	simm.s32 @p2 $0x1  }
0x17: {  	s4 =	simm.s32 $0x1BF5;
	[smem:$0x3FB1] =	sst s0  }
0x18: {  	s0 =	sld [smem:$0x3F94];
	_ =	swait.ge [sflag:s4], $0x0  }
0x19: {  	s7 =	sld [smem:$0x3F95]  }
0x1a: {  	s8 =	sadd.s32 $0xFFFFE003, lr  }
0x1b: {  	s9 =	sadd.s32 $0xFFFFFEF7, lr;
	s5 =	simm.s32 $0xFFFFFFFF;
	p2 =	slt.u32 s8, $0xFFFFF086  }
0x1c: {  	p1 =	slt.u32 s9, $0xF7A;
	s5 =	simm.s32 @!p2 $0x0  }
0x1d: {  	s5 =	simm.s32 @p1 $0x1;
	p0 =	seq.s32 s7, s2  }
0x1e: {  	s7 =	smul.u32 @!p0 $0xF7A, s2;
	p2 =	seq.s32 @!p0 s5, $0x0  }
0x1f: {  	s9 =	smul.u32 $0xF7A, s1;
	s8 =	simm.s32 @!p0 $0x1BF5;
	p2 =	por !p2, p0  }
0x20: {  	[sflag:s8] =	ssyncset.s32 @!p0 $0xFFFFF086;
	s6 =	sadd.s32 @!p0 s3, s7;
	s7 =	simm.s32 @!p0 $0x108  }
0x21: {  	s3 =	sadd.s32 s3, s9;
	s6 =	sadd.s32 @!p0 $0x88, s6;
	s7 =	simm.s32 @p2 $0x1082  }
0x22: {  	[simem:s7], [sflag:s8] =	dma.local @!p0 [hbm:s6], $0xF7A  }
0x23: {  	s9 =	sor.u32 $0xD0000000, s2;
	s6 =	simm.s32 $0x108;
	_ =	swait.ge @!p0 [sflag:s8], $0x0  }
0x24: {  	s3 =	sadd.s32 $0x88, s3;
	s6 =	simm.s32 @!p1 $0x1082;
	[sflag:s4] =	ssyncset.s32 $0xFFFFF086  }
0x25: {  	[simem:s6], [sflag:s4] =	dma.local [hbm:s3], $0xF7A  }
0x26: {  	[smem:$0x3F95] =	sst s1;
	(tag) =	ssettag s2;
	_ =	strace s9  }
0x27: {  	s1 =	sld [smem:$0x3FA5]  }
0x28: {  	s2 =	sld [smem:$0x3FA6]  }
0x29: {  	s4 =	sld [smem:$0x3FA8]  }
0x2a: {  	p0 =	seq.s32 s5, $0x0;
	s5 =	sld [smem:$0x3FA9]  }
0x2b: {  	s6 =	sld [smem:$0x3FAA]  }
0x2c: {  	s7 =	sld [smem:$0x3FAB]  }
0x2d: {  	s3 =	simm.s32 $0x108;
	s8 =	sld [smem:$0x3FAC]  }
0x2e: {  	s3 =	simm.s32 @!p0 $0x1082;
	s9 =	sld [smem:$0x3FAD]  }
0x2f: {  	lr =	sadd.s32 s0, s3;
	s0 =	sld [smem:$0x3FA4]  }
0x30: {  	s3 =	sld [smem:$0x3FA7]  }
0x31: {  	[smem:$0x3FB0] =	sst s10  }
0x32: {  	s10 =	sld [smem:$0x3FAE];
	_ =	sdelay $0x3  }
0x33: {  	p0 =	seq.s32 s10, $0x1;
	s10 =	sld [smem:$0x3FB0];
	_ =	sdelay $0x3  }
0x34: {  	[smem:$0x3FB0] =	sst s10  }
0x35: {  	s10 =	sld [smem:$0x3FAF];
	_ =	sdelay $0x3  }
0x36: {  	p1 =	seq.s32 s10, $0x1;
	s10 =	sld [smem:$0x3FB0];
	_ =	sdelay $0x3  }
0x37: {  	[smem:$0x3FB0] =	sst s10  }
0x38: {  	s10 =	sld [smem:$0x3FB1]  }
0x39: {  	_ = 	snop;
	(pc) =	sbr.ind lr, $3  }
0x3a: {  	_ = 	snop  }
0x3b: {  	_ = 	snop  }
0x3c: {  	p2 =	seq.s32 s10, $0x1;
	s10 =	sld [smem:$0x3FB0]  }
0x3d: {  	_ =	shalt  }
0x3e: {  	_ =	shalt  }
0x3f: {  	_ =	shalt  }
0x40: {  	_ =	shalt  }
0x41: {  	_ =	shalt  }
0x42: {  	_ =	shalt  }
0x43: {  	_ =	shalt  }
0x44: {  	_ =	shalt  }
0x45: {  	_ =	shalt  }
0x46: {  	_ =	shalt  }
0x47: {  	_ =	shalt  }
0x48: {  	_ =	shalt  }
0x49: {  	_ =	shalt  }
0x4a: {  	_ =	shalt  }
0x4b: {  	_ =	shalt  }
0x4c: {  	_ =	shalt  }
0x4d: {  	_ =	shalt  }
0x4e: {  	_ =	shalt  }
0x4f: {  	_ =	shalt  }
0x50: {  	_ =	shalt  }
0x51: {  	_ =	shalt  }
0x52: {  	_ =	shalt  }
0x53: {  	_ =	shalt  }
0x54: {  	_ =	shalt  }
0x55: {  	_ =	shalt  }
0x56: {  	_ =	shalt  }
0x57: {  	_ =	shalt  }
0x58: {  	_ =	shalt  }
0x59: {  	_ =	shalt  }
0x5a: {  	_ =	shalt  }
0x5b: {  	_ =	shalt  }
0x5c: {  	_ =	shalt  }
0x5d: {  	_ =	shalt  }
0x5e: {  	_ =	shalt  }
0x5f: {  	_ =	shalt  }
0x60: {  	_ =	shalt  }
0x61: {  	_ =	shalt  }
0x62: {  	_ =	shalt  }
0x63: {  	_ =	shalt  }
0x64: {  	_ =	shalt  }
0x65: {  	_ =	shalt  }
0x66: {  	_ =	shalt  }
0x67: {  	_ =	shalt  }
0x68: {  	_ =	shalt  }
0x69: {  	_ =	shalt  }
0x6a: {  	_ =	shalt  }
0x6b: {  	_ =	shalt  }
0x6c: {  	_ =	shalt  }
0x6d: {  	_ =	shalt  }
0x6e: {  	_ =	shalt  }
0x6f: {  	_ =	shalt  }
0x70: {  	_ =	shalt  }
0x71: {  	_ =	shalt  }
0x72: {  	_ =	shalt  }
0x73: {  	_ =	shalt  }
0x74: {  	_ =	shalt  }
0x75: {  	_ =	shalt  }
0x76: {  	_ =	shalt  }
0x77: {  	_ =	shalt  }
0x78: {  	_ =	shalt  }
0x79: {  	_ =	shalt  }
0x7a: {  	_ =	shalt  }
0x7b: {  	_ =	shalt  }
0x7c: {  	_ =	shalt  }
0x7d: {  	_ =	shalt  }
0x7e: {  	_ =	shalt  }
0x7f: {  	_ =	shalt  }
0x80: {  	_ =	shalt  }
0x81: {  	_ =	shalt  }
0x82: {  	_ =	shalt  }
0x83: {  	_ =	shalt  }
0x84: {  	_ =	shalt  }
0x85: {  	_ =	shalt  }
0x86: {  	_ =	shalt  }
0x87: {  	_ =	shalt  }
.Lfunc_end0:
.L_simem_size_0:
called_computation_lowered:
.L_overlay_start_0:
0x88: {  	s2 =	sld [smem:$0x3FD9]  }
0x89: {  	s3 =	sld [smem:$0x3FFE];
	_ =	sdelay $0x1  }
0x8a: {  	s1 =	srdreg.scid  }
0x8b: {  	s0 =	sand.u32 $0x1, s1  }
0x8c: {  	s17 =	sshll.u32 s0, $0xA;
	s2 =	sadd.s32 s3, s2  }
0x8d: {  	s2 =	sadd.s32 s2, s17  }
0x8e: {  	[smem:$0x3FBC] =	sst s2  }
0x8f: {  	_ = 	snop  }
0x90: {  	s2 =	sld [smem:$0x3FC9]  }
0x91: {  	s18 =	sld [smem:$0x3FD0];
	(tm) =	ssettm $0x1  }
0x92: {  	s4 =	sld [smem:$0x3FFB];
	_ =	sdelay $0x3  }
0x93: {  	_ =	strace s4  }
0x94: {  	s4 =	sld [smem:$0x3FFC];
	_ =	sdelay $0x3  }
0x95: {  	_ =	strace s4  }
0x96: {  	s4 =	sld [smem:$0x3FFD];
	_ =	sdelay $0x3  }
0x97: {  	_ =	strace s4  }
0x98: {  	_ =	strace $0x8FFFFFFF  }
0x99: {  	s19 =	sld [smem:$0x3FDB];
	_ =	sdelay $0x1  }
0x9a: {  	s5 =	simm.s32 $_scs_section_size  }
0x9b: {  	s6 =	simm.s32 $_size__tile_overlayer_lowered;
	s7 =	simm.s32 $_tile_overlayer_lowered  }
0x9c: {  	s22 =	simm.s32 $0x1BFF;
	s21 =	sshll.u32 s7, $0x1;
	s4 =	sadd.s32 s5, s19  }
0x9d: {  	s8 =	simm.s32 $0x0;
	s20 =	sshll.u32 s6, $0x1;
	s6 =	sadd.s32 s21, s4  }
0x9e: {  	[timem:s8], [sflag:s22] =	dma.local [hbm:s6], s20  }
0x9f: {  	_ =	swait.ge [sflag:s22], s20  }
0xa0: {  	s5 =	ssub.s32 $0x0, s20;
	[sflag:s22] =	ssyncset.done $0x0  }
0xa1: {  	[sflag:s22] =	ssyncadd.s32 s5;
	_ =	sdelay $0x1  }
0xa2: {  	s23 =	simm.s32 $0x1B8B  }
0xa3: {  	_ =	swait.ge [sflag:s23], $0x1  }
0xa4: {  	[sflag:s23] =	ssyncset.done $0x0  }
0xa5: {  	s25 =	simm.s32 $0x1B8E;
	s24 =	sld [smem:$0x3FFE];
	[sflag:s23] =	ssyncadd.s32 $0xFFFFFFFF  }
0xa6: {  	s26 =	simm.s32 $execute0_lowered;
	[smem:$0x3FD2] =	sst s25  }
0xa7: {  	s6 =	sshll.u32 s26, $0x1;
	_ =	strace $0x80000046;
	[dreg:$0x1] =	wrdreg $0xFFFFFFFF  }
0xa8: {  	s28 =	simm.s32 $_size_execute0_lowered;
	s4 =	sadd.s32 s4, s6;
	[dreg:$0x0] =	wrdreg $0x0  }
0xa9: {  	s6 =	sshll.u32 s28, $0x1;
	[dreg:$0x2] =	wrdreg s4  }
0xaa: {  	[dreg:$0x3] =	wrdreg s6  }
0xab: {  	[dreg:$0x4] =	wrdreg $0xC0  }
0xac: {  	_ =	task [dreg:s8], $0x5FFFF  }
0xad: {  	[dreg:$0x1] =	wrdreg $0xFFFFFFFF  }
0xae: {  	[dreg:$0x0] =	wrdreg $0x60  }
0xaf: {  	[dreg:$0x2] =	wrdreg s2  }
0xb0: {  	[dreg:$0x3] =	wrdreg s18  }
0xb1: {  	[dreg:$0x4] =	wrdreg s24  }
0xb2: {  	[dreg:$0x5] =	wrdreg $0xA  }
0xb3: {  	_ =	task.clear_ibuf [dreg:s8], $0x6FFFF;
	_ =	strace $0x90000046  }
0xb4: {  	s29 =	simm.s32 $0xA;
	_ =	strace $0x80000048  }
0xb5: {  	_ =	swait.ge [sflag:s29], $0x1  }
0xb6: {  	[sflag:s29] =	ssyncadd.s32 $0xFFFFFFFF  }
0xb7: {  	_ =	strace $0x90000048  }
0xb8: {  	_ =	sfence  }
0xb9: {  	s30 =	sld [smem:$0x0];
	_ =	sdelay $0x2  }
0xba: {  	s31 =	sshll.u32 s1, $0xD;
	s1 =	sshrl.u32 s1, $0x2  }
0xbb: {  	s3 =	sand.u32 $0x4000, s31;
	s1 =	sadd.s32 s1, s30  }
0xbc: {  	s0 =	sor.u32 s3, s0;
	s1 =	sshll.u32 s1, $0x11  }
0xbd: {  	s0 =	sor.u32 s1, s0  }
0xbe: {  	s0 =	sadd.s32 $0x8F2B, s0  }
0xbf: {  	[sflag:s0] =	ssyncadd.remote.s32 $0x1  }
0xc0: {  	_ =	sfence.sel $0xFFFF  }
0xc1: {  	[dreg:$0x0] =	wrdreg $0xFFFFFFFF;
	(pc) =	sbr.abs _section_cstart, $3  }
0xc2: {  	[dreg:$0x1] =	wrdreg $0xFFFFFFFF  }
0xc3: {  	_ =	task.clear_ibuf [dreg:s8], $0x2FFFF;
	_ =	strace $0x9FFFFFFF  }
0xc4: {  	(tm) =	ssettm $0x7FFFFFFF  }
0xc5: {  	_ =	shalt  }
tec
execute0_lowered:
.L_overlay_start_1:
0x0: {  	(tag) =	ssettag $0x1  }
0x1: {  	s1 =	rddreg [dreg:$0x0]  }
0x2: {  	s4 =	rddreg [dreg:$0x1]  }
0x3: {  	s5 =	rddreg [dreg:$0x2]  }
0x4: {  	s0 =	rddreg [dreg:$0x3];
	s3 =	simm.s32 $0x0;
	s6 =	srdreg.scid  }
0x5: {  	s2 =	stileid.u32;
	s12 =	simm.s32 $0x1;
	s13 =	simm.s32 $0x2  }
0x6: {  	s14 =	simm.s32 $0x0;
	[smem:$0x7FF] =	sst s3;
	s8 =	smul.u32 $0x30, s2  }
0x7: {  	s6 =	sand.u32 $0x1, s6;
	s7 =	sshll.u32 s2, $0x1;
	s26 =	smul.u32 $0x18000, s2  }
0x8: {  	s11 =	sadd.s32 $0xD400, s5;
	_ =	strace $0x80000047;
	s10 =	smul.u32 $0x18, s6  }
0x9: {  	s9 =	ssub.s32 $0x2, s6;
	s7 =	sor.u32 s6, s7;
	s29 =	smul.u32 $0xC000, s6  }
0xa: {  	s25 =	sshrl.u32 s9, $0x1;
	s7 =	smul.u32 $0x180, s7;
	s31 =	sadd.s32 s26, s11  }
0xb: {  	s5 =	ssub.s32 s9, s25;
	s8 =	sadd.s32 s10, s8;
	s9 =	simm.s32 $0x80  }
0xc: {  	s10 =	simm.s32 $0xC00;
	s4 =	sadd.s32 s4, s7;
	s28 =	sshll.u32 s8, $0xB  }
0xd: {  	s5 =	smax.u32 s5, $0x1;
	s7 =	sadd.s32 s29, s31;
	s30 =	sadd.s32 s28, s11  }
0xe: {  	s8 =	simm.s32 $0x3;
	s11 =	simm.s32 $0x4C00;
	s6 =	sadd.s32 $0x800, s30  }
.LBB2_1:
0xf: {  	[tilespmem:s3], [sflag:$0x3] =	stream.linear.gather [hbm4b:s4+s3], $0xC00, $0x38;
	[tilespmem:$0x8C00] =	vst v63  }
0x10: {  	_ =	swait.ge [sflag:s8], $0xC00  }
0x11: {  	[sflag:s8] =	ssyncset.done $0x0  }
0x12: {  	[sflag:s8] =	ssyncadd.s32 $0xFFFFF400  }
0x13: {  	[tilespmem:s10], [sflag:$0x1] =	stream.indirect.gather [hbm4b:s1+s9], $0x80, s3, s9, $0xb8;
	[tilespmem:$0x8C00] =	vst v63  }
0x14: {  	s15 =	simm.s32 $0x80  }
0x15: {  	[tilespmem:s11], [sflag:$0x2] =	stream.indirect.gather [hbm4b:s1+s9], $0x80, s15, s9, $0xb8;
	[tilespmem:$0x8C00] =	vst v63  }
0x16: {  	_ =	swait.ge [sflag:s12], $0x4000  }
0x17: {  	[sflag:s12] =	ssyncset.done $0x0  }
0x18: {  	s30 =	sadd.s32 $0x0, s7;
	[sflag:s12] =	ssyncadd.s32 $0xFFFFC000  }
0x19: {  	[hbm4b:s30+s3] =	stream.linear.scatter [tilespmem:s10], [sflag:$0x3], $0x4000, $0x38;
	[tilespmem:$0x8C00] =	vst v63  }
0x1a: {  	_ =	swait.ge [sflag:s8], $0x4000  }
0x1b: {  	[sflag:s8] =	ssyncset.done $0x0  }
0x1c: {  	[sflag:s8] =	ssyncadd.s32 $0xFFFFC000  }
0x1d: {  	_ =	swait.ge [sflag:s13], $0x4000  }
0x1e: {  	[sflag:s13] =	ssyncset.done $0x0  }
0x1f: {  	s31 =	sadd.s32 $0x0, s6;
	[sflag:s13] =	ssyncadd.s32 $0xFFFFC000  }
0x20: {  	[hbm4b:s31+s3] =	stream.linear.scatter [tilespmem:s11], [sflag:$0x3], $0x4000, $0x38;
	[tilespmem:$0x8C00] =	vst v63  }
0x21: {  	_ =	swait.ge [sflag:s8], $0x4000  }
0x22: {  	s16 =	simm.s32 $0x0;
	s15 =	simm.s32 $0x1000;
	[sflag:s8] =	ssyncset.done $0x0  }
.LBB2_2:
0x23: {  	p0 =	sne.s32 s15, $0xB000;
	[sflag:s8] =	ssyncadd.s32 $0xFFFFC000;
	s16 =	sadd.s32 $0x100, s16  }
0x24: {  	[tilespmem:s10], [sflag:$0x1] =	stream.indirect.gather [hbm4b:s1+s9], $0x80, s16, s9, $0xb8;
	[tilespmem:$0x8C00] =	vst v63  }
0x25: {  	s18 =	smov.u32 s15;
	s15 =	sadd.s32 $0x1000, s15;
	s17 =	sadd.s32 $0x80, s16  }
0x26: {  	[tilespmem:s11], [sflag:$0x2] =	stream.indirect.gather [hbm4b:s1+s9], $0x80, s17, s9, $0xb8;
	[tilespmem:$0x8C00] =	vst v63  }
0x27: {  	_ =	swait.ge [sflag:s12], $0x4000  }
0x28: {  	[sflag:s12] =	ssyncset.done $0x0  }
0x29: {  	s17 =	sadd.s32 s18, s7;
	[sflag:s12] =	ssyncadd.s32 $0xFFFFC000  }
0x2a: {  	[hbm4b:s17+s3] =	stream.linear.scatter [tilespmem:s10], [sflag:$0x3], $0x4000, $0x38;
	[tilespmem:$0x8C00] =	vst v63  }
0x2b: {  	_ =	swait.ge [sflag:s8], $0x4000  }
0x2c: {  	[sflag:s8] =	ssyncset.done $0x0  }
0x2d: {  	[sflag:s8] =	ssyncadd.s32 $0xFFFFC000  }
0x2e: {  	_ =	swait.ge [sflag:s13], $0x4000  }
.Ltmp0:
0x2f: {  	[sflag:s13] =	ssyncset.done $0x0;
	(pc) =	sbr.rel @p0 .LBB2_2-.Ltmp0, $4  }
0x30: {  	s17 =	sadd.s32 s18, s6;
	[sflag:s13] =	ssyncadd.s32 $0xFFFFC000  }
0x31: {  	[hbm4b:s17+s3] =	stream.linear.scatter [tilespmem:s11], [sflag:$0x3], $0x4000, $0x38;
	[tilespmem:$0x8C00] =	vst v63  }
0x32: {  	_ =	swait.ge [sflag:s8], $0x4000  }
0x33: {  	[sflag:s8] =	ssyncset.done $0x0  }
0x34: {  	s14 =	sadd.s32 $0x1, s14  }
0x35: {  	p0 =	sne.s32 s14, s5  }
.Ltmp1:
0x36: {  	_ = 	snop;
	(pc) =	sbr.rel @p0 .LBB2_1-.Ltmp1, $2  }
0x37: {  	_ =	sdelay $0x2  }
0x38: {  	[sflag:s8] =	ssyncadd.s32 $0xFFFFC000  }
0x39: {  	_ =	sfence.sel $0x180000  }
0x3a: {  	[bflag:$0x0] =	sbarrier.arrive $0xFFFF  }
0x3b: {  	p0 =	sne.s32 s2, $0x0;
	_ =	strace $0x90000047  }
0x3c: {  	s0 =	sadd.s32 @!p0 $0x100000, s0;
	[bflag:$0x2] =	sbarrier.arrive $0xFFFF  }
0x3d: {  	[sflag:s0] =	ssyncadd.tile.s32 @!p0 $0x1;
	_ =	shalt  }
.Lfunc_end2:
_tile_overlayer_lowered:
.L_overlay_start_2:
0x3e: {  	(tag) =	ssettag $0x2  }
0x3f: {  	s0 =	rddreg [dreg:$0x0];
	s2 =	stileid.u32  }
0x40: {  	s1 =	rddreg [dreg:$0x1];
	p0 =	sne.s32 s2, $0x0  }
0x41: {  	s3 =	rddreg [dreg:$0x2];
	[bflag:$0x3] =	sbarrier.arrive $0xFFFF;
	s2 =	simm.s32 @!p0 $0x1C03  }
0x42: {  	[timem:s3], [sflag:s2] =	dma.local @!p0 [hbm:s0], s1  }
0x43: {  	s0 =	simm.s32 @!p0 $0x3  }
0x44: {  	_ =	swait.ge @!p0 [sflag:s0], s1  }
0x45: {  	s1 =	ssub.s32 @!p0 $0x0, s1;
	[sflag:s0] =	ssyncset.done @!p0 $0x0  }
0x46: {  	[sflag:s0] =	ssyncadd.s32 @!p0 s1  }
0x47: {  	[bflag:$0x3] =	sbarrier.arrive $0xFFFF  }
0x48: {  	_ =	shalt  }

// kernel: kernel.14.cloned.1.call-start
scs
__scs_entry_jumppad:
0x0: {  	(pc) =	sbr.rel $0x88, $3  }
0x1: {  	(tag) =	ssettag $0x0;
	lr =	simm.s32 $0x1  }
0x2: {  	[smem:$0x3F95] =	sst lr;
	_ =	strace $0xD0000000  }
0x3: {  	_ = 	snop  }
0x4: {  	_ = 	snop  }
0x5: {  	_ = 	snop  }
0x6: {  	_ = 	snop  }
0x7: {  	_ = 	snop  }
__scs_overlays_trampoline_lowered:
0x8: {  	[smem:$0x3FA4] =	sst s0  }
0x9: {  	[smem:$0x3FA5] =	sst s1  }
0xa: {  	[smem:$0x3FA6] =	sst s2  }
0xb: {  	[smem:$0x3FA7] =	sst s3  }
0xc: {  	[smem:$0x3FA8] =	sst s4  }
0xd: {  	[smem:$0x3FA9] =	sst s5  }
0xe: {  	[smem:$0x3FAA] =	sst s6  }
0xf: {  	[smem:$0x3FAB] =	sst s7  }
0x10: {  	[smem:$0x3FAC] =	sst s8  }
0x11: {  	[smem:$0x3FAD] =	sst s9;
	s0 =	simm.s32 @!p0 $0x0  }
0x12: {  	s1 =	sld [smem:$0x3F93];
	s0 =	simm.s32 @p0 $0x1  }
0x13: {  	[smem:$0x3FAE] =	sst s0;
	s0 =	simm.s32 @!p1 $0x0  }
0x14: {  	s2 =	sld [smem:$0x3F92];
	s0 =	simm.s32 @p1 $0x1  }
0x15: {  	[smem:$0x3FAF] =	sst s0;
	s0 =	simm.s32 @!p2 $0x0  }
0x16: {  	s3 =	sld [smem:$0x3FDB];
	s0 =	simm.s32 @p2 $0x1  }
0x17: {  	s4 =	simm.s32 $0x1BF5;
	[smem:$0x3FB1] =	sst s0  }
0x18: {  	s0 =	sld [smem:$0x3F94];
	_ =	swait.ge [sflag:s4], $0x0  }
0x19: {  	s7 =	sld [smem:$0x3F95]  }
0x1a: {  	s8 =	sadd.s32 $0xFFFFE003, lr  }
0x1b: {  	s9 =	sadd.s32 $0xFFFFFEF7, lr;
	s5 =	simm.s32 $0xFFFFFFFF;
	p2 =	slt.u32 s8, $0xFFFFF086  }
0x1c: {  	p1 =	slt.u32 s9, $0xF7A;
	s5 =	simm.s32 @!p2 $0x0  }
0x1d: {  	s5 =	simm.s32 @p1 $0x1;
	p0 =	seq.s32 s7, s2  }
0x1e: {  	s7 =	smul.u32 @!p0 $0xF7A, s2;
	p2 =	seq.s32 @!p0 s5, $0x0  }
0x1f: {  	s9 =	smul.u32 $0xF7A, s1;
	s8 =	simm.s32 @!p0 $0x1BF5;
	p2 =	por !p2, p0  }
0x20: {  	[sflag:s8] =	ssyncset.s32 @!p0 $0xFFFFF086;
	s6 =	sadd.s32 @!p0 s3, s7;
	s7 =	simm.s32 @!p0 $0x108  }
0x21: {  	s3 =	sadd.s32 s3, s9;
	s6 =	sadd.s32 @!p0 $0x88, s6;
	s7 =	simm.s32 @p2 $0x1082  }
0x22: {  	[simem:s7], [sflag:s8] =	dma.local @!p0 [hbm:s6], $0xF7A  }
0x23: {  	s9 =	sor.u32 $0xD0000000, s2;
	s6 =	simm.s32 $0x108;
	_ =	swait.ge @!p0 [sflag:s8], $0x0  }
0x24: {  	s3 =	sadd.s32 $0x88, s3;
	s6 =	simm.s32 @!p1 $0x1082;
	[sflag:s4] =	ssyncset.s32 $0xFFFFF086  }
0x25: {  	[simem:s6], [sflag:s4] =	dma.local [hbm:s3], $0xF7A  }
0x26: {  	[smem:$0x3F95] =	sst s1;
	(tag) =	ssettag s2;
	_ =	strace s9  }
0x27: {  	s1 =	sld [smem:$0x3FA5]  }
0x28: {  	s2 =	sld [smem:$0x3FA6]  }
0x29: {  	s4 =	sld [smem:$0x3FA8]  }
0x2a: {  	p0 =	seq.s32 s5, $0x0;
	s5 =	sld [smem:$0x3FA9]  }
0x2b: {  	s6 =	sld [smem:$0x3FAA]  }
0x2c: {  	s7 =	sld [smem:$0x3FAB]  }
0x2d: {  	s3 =	simm.s32 $0x108;
	s8 =	sld [smem:$0x3FAC]  }
0x2e: {  	s3 =	simm.s32 @!p0 $0x1082;
	s9 =	sld [smem:$0x3FAD]  }
0x2f: {  	lr =	sadd.s32 s0, s3;
	s0 =	sld [smem:$0x3FA4]  }
0x30: {  	s3 =	sld [smem:$0x3FA7]  }
0x31: {  	[smem:$0x3FB0] =	sst s10  }
0x32: {  	s10 =	sld [smem:$0x3FAE];
	_ =	sdelay $0x3  }
0x33: {  	p0 =	seq.s32 s10, $0x1;
	s10 =	sld [smem:$0x3FB0];
	_ =	sdelay $0x3  }
0x34: {  	[smem:$0x3FB0] =	sst s10  }
0x35: {  	s10 =	sld [smem:$0x3FAF];
	_ =	sdelay $0x3  }
0x36: {  	p1 =	seq.s32 s10, $0x1;
	s10 =	sld [smem:$0x3FB0];
	_ =	sdelay $0x3  }
0x37: {  	[smem:$0x3FB0] =	sst s10  }
0x38: {  	s10 =	sld [smem:$0x3FB1]  }
0x39: {  	_ = 	snop;
	(pc) =	sbr.ind lr, $3  }
0x3a: {  	_ = 	snop  }
0x3b: {  	_ = 	snop  }
0x3c: {  	p2 =	seq.s32 s10, $0x1;
	s10 =	sld [smem:$0x3FB0]  }
0x3d: {  	_ =	shalt  }
0x3e: {  	_ =	shalt  }
0x3f: {  	_ =	shalt  }
0x40: {  	_ =	shalt  }
0x41: {  	_ =	shalt  }
0x42: {  	_ =	shalt  }
0x43: {  	_ =	shalt  }
0x44: {  	_ =	shalt  }
0x45: {  	_ =	shalt  }
0x46: {  	_ =	shalt  }
0x47: {  	_ =	shalt  }
0x48: {  	_ =	shalt  }
0x49: {  	_ =	shalt  }
0x4a: {  	_ =	shalt  }
0x4b: {  	_ =	shalt  }
0x4c: {  	_ =	shalt  }
0x4d: {  	_ =	shalt  }
0x4e: {  	_ =	shalt  }
0x4f: {  	_ =	shalt  }
0x50: {  	_ =	shalt  }
0x51: {  	_ =	shalt  }
0x52: {  	_ =	shalt  }
0x53: {  	_ =	shalt  }
0x54: {  	_ =	shalt  }
0x55: {  	_ =	shalt  }
0x56: {  	_ =	shalt  }
0x57: {  	_ =	shalt  }
0x58: {  	_ =	shalt  }
0x59: {  	_ =	shalt  }
0x5a: {  	_ =	shalt  }
0x5b: {  	_ =	shalt  }
0x5c: {  	_ =	shalt  }
0x5d: {  	_ =	shalt  }
0x5e: {  	_ =	shalt  }
0x5f: {  	_ =	shalt  }
0x60: {  	_ =	shalt  }
0x61: {  	_ =	shalt  }
0x62: {  	_ =	shalt  }
0x63: {  	_ =	shalt  }
0x64: {  	_ =	shalt  }
0x65: {  	_ =	shalt  }
0x66: {  	_ =	shalt  }
0x67: {  	_ =	shalt  }
0x68: {  	_ =	shalt  }
0x69: {  	_ =	shalt  }
0x6a: {  	_ =	shalt  }
0x6b: {  	_ =	shalt  }
0x6c: {  	_ =	shalt  }
0x6d: {  	_ =	shalt  }
0x6e: {  	_ =	shalt  }
0x6f: {  	_ =	shalt  }
0x70: {  	_ =	shalt  }
0x71: {  	_ =	shalt  }
0x72: {  	_ =	shalt  }
0x73: {  	_ =	shalt  }
0x74: {  	_ =	shalt  }
0x75: {  	_ =	shalt  }
0x76: {  	_ =	shalt  }
0x77: {  	_ =	shalt  }
0x78: {  	_ =	shalt  }
0x79: {  	_ =	shalt  }
0x7a: {  	_ =	shalt  }
0x7b: {  	_ =	shalt  }
0x7c: {  	_ =	shalt  }
0x7d: {  	_ =	shalt  }
0x7e: {  	_ =	shalt  }
0x7f: {  	_ =	shalt  }
0x80: {  	_ =	shalt  }
0x81: {  	_ =	shalt  }
0x82: {  	_ =	shalt  }
0x83: {  	_ =	shalt  }
0x84: {  	_ =	shalt  }
0x85: {  	_ =	shalt  }
0x86: {  	_ =	shalt  }
0x87: {  	_ =	shalt  }
.Lfunc_end0:
.L_simem_size_0:
called_computation.1_lowered:
.L_overlay_start_0:
0x88: {  	s2 =	sld [smem:$0x3FD9]  }
0x89: {  	s3 =	sld [smem:$0x3FFE];
	_ =	sdelay $0x1  }
0x8a: {  	s1 =	srdreg.scid  }
0x8b: {  	s0 =	sand.u32 $0x1, s1  }
0x8c: {  	s17 =	sshll.u32 s0, $0xA;
	s2 =	sadd.s32 s3, s2  }
0x8d: {  	s2 =	sadd.s32 s2, s17  }
0x8e: {  	[smem:$0x3FBC] =	sst s2  }
0x8f: {  	_ = 	snop  }
0x90: {  	s18 =	sld [smem:$0x3FC9]  }
0x91: {  	s4 =	sld [smem:$0x3FD0];
	(tm) =	ssettm $0x1  }
0x92: {  	s19 =	sld [smem:$0x3FFB];
	_ =	sdelay $0x3  }
0x93: {  	_ =	strace s19  }
0x94: {  	s2 =	sld [smem:$0x3FFC];
	_ =	sdelay $0x3  }
0x95: {  	_ =	strace s2  }
0x96: {  	s2 =	sld [smem:$0x3FFD];
	_ =	sdelay $0x3  }
0x97: {  	_ =	strace s2  }
0x98: {  	_ =	strace $0x8FFFFFFF  }
0x99: {  	s20 =	sld [smem:$0x3FDB];
	_ =	sdelay $0x1  }
0x9a: {  	s5 =	simm.s32 $_scs_section_size  }
0x9b: {  	s6 =	simm.s32 $_size__tile_overlayer_lowered;
	s7 =	simm.s32 $_tile_overlayer_lowered  }
0x9c: {  	s8 =	simm.s32 $0x1BFF;
	s21 =	sshll.u32 s7, $0x1;
	s5 =	sadd.s32 s5, s20  }
0x9d: {  	s22 =	simm.s32 $0x0;
	s6 =	sshll.u32 s6, $0x1;
	s7 =	sadd.s32 s21, s5  }
0x9e: {  	[timem:s22], [sflag:s8] =	dma.local [hbm:s7], s6  }
0x9f: {  	_ =	swait.ge [sflag:s8], s6  }
0xa0: {  	s6 =	ssub.s32 $0x0, s6;
	[sflag:s8] =	ssyncset.done $0x0  }
0xa1: {  	[sflag:s8] =	ssyncadd.s32 s6;
	_ =	sdelay $0x1  }
0xa2: {  	s23 =	simm.s32 $0x1B8B  }
0xa3: {  	_ =	swait.ge [sflag:s23], $0x1  }
0xa4: {  	[sflag:s23] =	ssyncset.done $0x0  }
0xa5: {  	[sflag:s23] =	ssyncadd.s32 $0xFFFFFFFF  }
0xa6: {  	s6 =	sld [smem:$0x0]  }
0xa7: {  	s7 =	sand.u32 $0xFFFFFFFE, s1  }
0xa8: {  	p0 =	sne.s32 s1, s7  }
0xa9: {  	s7 =	sshll.u32 @p0 s7, $0xE  }
0xaa: {  	s7 =	sadd.s32 @p0 $0x11B8D, s7;
	s8 =	sshll.u32 @p0 s6, $0x11  }
0xab: {  	s7 =	sor.u32 @p0 s8, s7  }
0xac: {  	[sflag:s7] =	ssyncadd.remote.s32 @p0 $0x1;
	_ =	sdelay $0x1  }
0xad: {  	s7 =	simm.s32 @p0 $0x1B8D  }
0xae: {  	_ =	swait.eq @p0 [sflag:s7], $0x1  }
0xaf: {  	[sflag:s7] =	ssyncadd.s32 @p0 $0xFFFFFFFF  }
0xb0: {  	s8 =	sshll.u32 @!p0 s1, $0xE  }
0xb1: {  	s8 =	sor.u32 @!p0 $0x4000, s8;
	s7 =	simm.s32 @!p0 $0x1B8D  }
0xb2: {  	s6 =	sshll.u32 @!p0 s6, $0x11;
	s8 =	sadd.s32 @!p0 $0x11B8D, s8;
	_ =	swait.eq @!p0 [sflag:s7], $0x1  }
0xb3: {  	s6 =	sor.u32 @!p0 s6, s8;
	[sflag:s7] =	ssyncadd.s32 @!p0 $0xFFFFFFFF  }
0xb4: {  	s25 =	simm.s32 $0x1B8E;
	s24 =	sld [smem:$0x3FFE];
	[sflag:s6] =	ssyncadd.remote.s32 @!p0 $0x1  }
0xb5: {  	s26 =	simm.s32 $execute0_lowered;
	[smem:$0x3FD2] =	sst s25  }
0xb6: {  	s7 =	sshll.u32 s26, $0x1;
	_ =	strace $0x80000049;
	[dreg:$0x1] =	wrdreg $0xFFFFFFFF  }
0xb7: {  	s28 =	simm.s32 $_size_execute0_lowered;
	s5 =	sadd.s32 s5, s7;
	[dreg:$0x0] =	wrdreg $0x0  }
0xb8: {  	s7 =	sshll.u32 s28, $0x1;
	[dreg:$0x2] =	wrdreg s5  }
0xb9: {  	[dreg:$0x3] =	wrdreg s7  }
0xba: {  	[dreg:$0x4] =	wrdreg $0xC0  }
0xbb: {  	_ =	task [dreg:s22], $0x5FFFF  }
0xbc: {  	[dreg:$0x1] =	wrdreg $0xFFFFFFFF  }
0xbd: {  	[dreg:$0x0] =	wrdreg $0x60  }
0xbe: {  	[dreg:$0x2] =	wrdreg s18  }
0xbf: {  	[dreg:$0x3] =	wrdreg s4  }
0xc0: {  	[dreg:$0x4] =	wrdreg s24  }
0xc1: {  	[dreg:$0x5] =	wrdreg $0x9  }
0xc2: {  	_ =	task.clear_ibuf [dreg:s22], $0x6FFFF;
	_ =	strace $0x90000049  }
0xc3: {  	s29 =	simm.s32 $0x9;
	_ =	strace $0x8000004B  }
0xc4: {  	_ =	swait.ge [sflag:s29], $0x1  }
0xc5: {  	[sflag:s29] =	ssyncadd.s32 $0xFFFFFFFF  }
0xc6: {  	_ =	strace $0x9000004B  }
0xc7: {  	_ =	sfence  }
0xc8: {  	s30 =	sld [smem:$0x0];
	_ =	sdelay $0x2  }
0xc9: {  	s31 =	sshll.u32 s1, $0xD;
	s1 =	sshrl.u32 s1, $0x2  }
0xca: {  	s4 =	sand.u32 $0x4000, s31;
	s1 =	sadd.s32 s1, s30  }
0xcb: {  	s0 =	sor.u32 s4, s0;
	s1 =	sshll.u32 s1, $0x11  }
0xcc: {  	s0 =	sor.u32 s1, s0  }
0xcd: {  	s0 =	sadd.s32 $0x8F2B, s0  }
0xce: {  	[sflag:s0] =	ssyncadd.remote.s32 $0x1  }
0xcf: {  	_ =	sfence.sel $0xFFFF  }
0xd0: {  	[dreg:$0x0] =	wrdreg $0xFFFFFFFF;
	(pc) =	sbr.abs _section_cstart, $3  }
0xd1: {  	[dreg:$0x1] =	wrdreg $0xFFFFFFFF  }
0xd2: {  	_ =	task.clear_ibuf [dreg:s22], $0x2FFFF;
	_ =	strace $0x9FFFFFFF  }
0xd3: {  	(tm) =	ssettm $0x7FFFFFFF  }
tec
execute0_lowered:
.L_overlay_start_1:
0x0: {  	(tag) =	ssettag $0x1  }
0x1: {  	s1 =	rddreg [dreg:$0x0]  }
0x2: {  	s2 =	srdreg.scid;
	s4 =	rddreg [dreg:$0x1]  }
0x3: {  	s0 =	stileid.u32;
	s5 =	rddreg [dreg:$0x2]  }
0x4: {  	s3 =	simm.s32 $0x0;
	s12 =	simm.s32 $0x4800;
	s13 =	simm.s32 $0x1  }
0x5: {  	s14 =	simm.s32 $0x2;
	s8 =	sand.u32 $0x1, s2;
	s2 =	rddreg [dreg:$0x3]  }
0x6: {  	s15 =	simm.s32 $0x0;
	s6 =	sshll.u32 s0, $0x5;
	[smem:$0x7FF] =	sst s3  }
0x7: {  	s10 =	sadd.s32 $0x18D400, s5;
	s31 =	sshll.u32 s0, $0x10;
	s7 =	sshll.u32 s8, $0x4  }
0x8: {  	_ =	strace $0x8000004A;
	s26 =	ssub.s32 $0x2, s8;
	s6 =	sor.u32 s7, s6  }
0x9: {  	s8 =	sshll.u32 s8, $0xF;
	s11 =	sshrl.u32 s26, $0x1;
	s9 =	ssub.s32 $0x1E2, s6  }
0xa: {  	s7 =	sshll.u32 s6, $0x4;
	s5 =	ssub.s32 s26, s11;
	s29 =	sshll.u32 s6, $0xB  }
0xb: {  	s11 =	simm.s32 $0x800;
	p0 =	sgt.s32 s9, $0x0;
	s4 =	sadd.s32 s7, s4  }
.Ltmp0:
0xc: {  	s5 =	smax.u32 s5, $0x1;
	s9 =	simm.s32 @!p0 $0x0;
	(pc) =	sbr.rel .LBB2_1-.Ltmp0, $4  }
0xd: {  	s30 =	sadd.s32 s29, s10;
	s10 =	sadd.s32 s31, s10;
	s28 =	smin.u32 s9, $0x10  }
0xe: {  	s4 =	sadd.s32 $0x3000, s4;
	s8 =	sadd.s32 s8, s10;
	s7 =	sshrl.u32 s28, $0x1  }
0xf: {  	s10 =	simm.s32 $0x80;
	p0 =	seq.s32 s9, $0x0;
	s7 =	smax.u32 s7, $0x1  }
0x10: {  	s9 =	simm.s32 $0x3;
	s6 =	sshll.u32 s7, $0xA;
	s7 =	sadd.s32 $0x800, s30  }
.LBB2_4:
0x11: {  	[sflag:s9] =	ssyncadd.s32 $0xFFFFC000  }
.LBB2_5:
0x12: {  	s15 =	sadd.s32 $0x1, s15  }
0x13: {  	p1 =	sne.s32 s15, s5  }
.Ltmp1:
0x14: {  	_ = 	snop;
	(pc) =	sbr.rel @!p1 .LBB2_6-.Ltmp1, $1  }
0x15: {  	_ =	sdelay $0x3  }
.LBB2_1:
.Ltmp2:
0x16: {  	(pc) =	sbr.rel @p0 .LBB2_5-.Ltmp2, $4  }
0x17: {  	[tilespmem:s3], [sflag:$0x3] =	stream.linear.gather [hbm4b:s4+s3], $0x800, $0x38;
	[tilespmem:$0x8800] =	vst v63  }
0x18: {  	_ =	swait.ge [sflag:s9], $0x800  }
0x19: {  	[sflag:s9] =	ssyncset.done $0x0  }
0x1a: {  	[sflag:s9] =	ssyncadd.s32 $0xFFFFF800  }
0x1b: {  	[tilespmem:s11], [sflag:$0x1] =	stream.indirect.gather [hbm4b:s1+s10], $0x80, s3, s10, $0xb8;
	[tilespmem:$0x8800] =	vst v63  }
0x1c: {  	s16 =	sadd.s32 $0x80, s3  }
0x1d: {  	[tilespmem:s12], [sflag:$0x2] =	stream.indirect.gather [hbm4b:s1+s10], $0x80, s16, s10, $0xb8;
	[tilespmem:$0x8800] =	vst v63  }
0x1e: {  	_ =	swait.ge [sflag:s13], $0x4000  }
0x1f: {  	[sflag:s13] =	ssyncset.done $0x0  }
0x20: {  	[sflag:s13] =	ssyncadd.s32 $0xFFFFC000  }
0x21: {  	[hbm4b:s8+s3] =	stream.linear.scatter [tilespmem:s11], [sflag:$0x3], $0x4000, $0x38;
	[tilespmem:$0x8800] =	vst v63  }
0x22: {  	_ =	swait.ge [sflag:s9], $0x4000  }
0x23: {  	[sflag:s9] =	ssyncset.done $0x0  }
0x24: {  	[sflag:s9] =	ssyncadd.s32 $0xFFFFC000  }
0x25: {  	p1 =	sne.s32 s6, $0x400;
	_ =	swait.ge [sflag:s14], $0x4000  }
.Ltmp3:
0x26: {  	[sflag:s14] =	ssyncset.done $0x0;
	(pc) =	sbr.rel @!p1 .LBB2_4-.Ltmp3, $4  }
0x27: {  	[sflag:s14] =	ssyncadd.s32 $0xFFFFC000  }
0x28: {  	[hbm4b:s7+s3] =	stream.linear.scatter [tilespmem:s12], [sflag:$0x3], $0x4000, $0x38;
	[tilespmem:$0x8800] =	vst v63  }
0x29: {  	s17 =	sadd.s32 $0x1000, s8;
	s18 =	simm.s32 $0x0;
	_ =	swait.ge [sflag:s9], $0x4000  }
0x2a: {  	s19 =	smov.u32 s7;
	s16 =	sadd.s32 $0xFFFFFC00, s6;
	[sflag:s9] =	ssyncset.done $0x0  }
.LBB2_3:
0x2b: {  	[sflag:s9] =	ssyncadd.s32 $0xFFFFC000;
	s18 =	sadd.s32 $0x100, s18;
	s19 =	sadd.s32 $0x1000, s19  }
0x2c: {  	[tilespmem:s11], [sflag:$0x1] =	stream.indirect.gather [hbm4b:s1+s10], $0x80, s18, s10, $0xb8;
	[tilespmem:$0x8800] =	vst v63  }
0x2d: {  	p1 =	sne.s32 s16, $0x400;
	s16 =	sadd.s32 $0xFFFFFC00, s16;
	s20 =	sadd.s32 $0x80, s18  }
0x2e: {  	[tilespmem:s12], [sflag:$0x2] =	stream.indirect.gather [hbm4b:s1+s10], $0x80, s20, s10, $0xb8;
	[tilespmem:$0x8800] =	vst v63  }
0x2f: {  	_ =	swait.ge [sflag:s13], $0x4000  }
0x30: {  	[sflag:s13] =	ssyncset.done $0x0  }
0x31: {  	[sflag:s13] =	ssyncadd.s32 $0xFFFFC000  }
0x32: {  	[hbm4b:s17+s3] =	stream.linear.scatter [tilespmem:s11], [sflag:$0x3], $0x4000, $0x38;
	[tilespmem:$0x8800] =	vst v63  }
0x33: {  	_ =	swait.ge [sflag:s9], $0x4000  }
0x34: {  	[sflag:s9] =	ssyncset.done $0x0  }
0x35: {  	[sflag:s9] =	ssyncadd.s32 $0xFFFFC000  }
0x36: {  	_ =	swait.ge [sflag:s14], $0x4000  }
.Ltmp4:
0x37: {  	[sflag:s14] =	ssyncset.done $0x0;
	(pc) =	sbr.rel @p1 .LBB2_3-.Ltmp4, $4  }
0x38: {  	[sflag:s14] =	ssyncadd.s32 $0xFFFFC000  }
0x39: {  	[hbm4b:s19+s3] =	stream.linear.scatter [tilespmem:s12], [sflag:$0x3], $0x4000, $0x38;
	[tilespmem:$0x8800] =	vst v63  }
0x3a: {  	_ =	swait.ge [sflag:s9], $0x4000  }
0x3b: {  	s17 =	sadd.s32 $0x1000, s17;
	[sflag:s9] =	ssyncset.done $0x0  }
.Ltmp5:
0x3c: {  	_ = 	snop;
	(pc) =	sbr.rel .LBB2_4-.Ltmp5, $1  }
0x3d: {  	_ =	sdelay $0x3  }
.LBB2_6:
0x3e: {  	_ =	sfence.sel $0x180000  }
0x3f: {  	[bflag:$0x0] =	sbarrier.arrive $0xFFFF  }
0x40: {  	p0 =	sne.s32 s0, $0x0;
	_ =	strace $0x9000004A  }
0x41: {  	s0 =	sadd.s32 @!p0 $0x100000, s2;
	[bflag:$0x2] =	sbarrier.arrive $0xFFFF  }
0x42: {  	[sflag:s0] =	ssyncadd.tile.s32 @!p0 $0x1;
	_ =	shalt  }
.Lfunc_end2:
_tile_overlayer_lowered:
.L_overlay_start_2:
0x43: {  	(tag) =	ssettag $0x2  }
0x44: {  	s0 =	rddreg [dreg:$0x0];
	s2 =	stileid.u32  }
0x45: {  	s1 =	rddreg [dreg:$0x1];
	p0 =	sne.s32 s2, $0x0  }
0x46: {  	s3 =	rddreg [dreg:$0x2];
	[bflag:$0x3] =	sbarrier.arrive $0xFFFF;
	s2 =	simm.s32 @!p0 $0x1C03  }
0x47: {  	[timem:s3], [sflag:s2] =	dma.local @!p0 [hbm:s0], s1  }
0x48: {  	s0 =	simm.s32 @!p0 $0x3  }
0x49: {  	_ =	swait.ge @!p0 [sflag:s0], s1  }
0x4a: {  	s1 =	ssub.s32 @!p0 $0x0, s1;
	[sflag:s0] =	ssyncset.done @!p0 $0x0  }
0x4b: {  	[sflag:s0] =	ssyncadd.s32 @!p0 s1  }
0x4c: {  	[bflag:$0x3] =	sbarrier.arrive $0xFFFF  }
0x4d: {  	_ =	shalt  }

// kernel: kernel.17.cloned.1.call-start
scs
__scs_entry_jumppad:
0x0: {  	(pc) =	sbr.rel $0x88, $3  }
0x1: {  	(tag) =	ssettag $0x0;
	lr =	simm.s32 $0x1  }
0x2: {  	[smem:$0x3F95] =	sst lr;
	_ =	strace $0xD0000000  }
0x3: {  	_ = 	snop  }
0x4: {  	_ = 	snop  }
0x5: {  	_ = 	snop  }
0x6: {  	_ = 	snop  }
0x7: {  	_ = 	snop  }
__scs_overlays_trampoline_lowered:
0x8: {  	[smem:$0x3FA4] =	sst s0  }
0x9: {  	[smem:$0x3FA5] =	sst s1  }
0xa: {  	[smem:$0x3FA6] =	sst s2  }
0xb: {  	[smem:$0x3FA7] =	sst s3  }
0xc: {  	[smem:$0x3FA8] =	sst s4  }
0xd: {  	[smem:$0x3FA9] =	sst s5  }
0xe: {  	[smem:$0x3FAA] =	sst s6  }
0xf: {  	[smem:$0x3FAB] =	sst s7  }
0x10: {  	[smem:$0x3FAC] =	sst s8  }
0x11: {  	[smem:$0x3FAD] =	sst s9;
	s0 =	simm.s32 @!p0 $0x0  }
0x12: {  	s1 =	sld [smem:$0x3F93];
	s0 =	simm.s32 @p0 $0x1  }
0x13: {  	[smem:$0x3FAE] =	sst s0;
	s0 =	simm.s32 @!p1 $0x0  }
0x14: {  	s2 =	sld [smem:$0x3F92];
	s0 =	simm.s32 @p1 $0x1  }
0x15: {  	[smem:$0x3FAF] =	sst s0;
	s0 =	simm.s32 @!p2 $0x0  }
0x16: {  	s3 =	sld [smem:$0x3FDB];
	s0 =	simm.s32 @p2 $0x1  }
0x17: {  	s4 =	simm.s32 $0x1BF5;
	[smem:$0x3FB1] =	sst s0  }
0x18: {  	s0 =	sld [smem:$0x3F94];
	_ =	swait.ge [sflag:s4], $0x0  }
0x19: {  	s7 =	sld [smem:$0x3F95]  }
0x1a: {  	s8 =	sadd.s32 $0xFFFFE003, lr  }
0x1b: {  	s9 =	sadd.s32 $0xFFFFFEF7, lr;
	s5 =	simm.s32 $0xFFFFFFFF;
	p2 =	slt.u32 s8, $0xFFFFF086  }
0x1c: {  	p1 =	slt.u32 s9, $0xF7A;
	s5 =	simm.s32 @!p2 $0x0  }
0x1d: {  	s5 =	simm.s32 @p1 $0x1;
	p0 =	seq.s32 s7, s2  }
0x1e: {  	s7 =	smul.u32 @!p0 $0xF7A, s2;
	p2 =	seq.s32 @!p0 s5, $0x0  }
0x1f: {  	s9 =	smul.u32 $0xF7A, s1;
	s8 =	simm.s32 @!p0 $0x1BF5;
	p2 =	por !p2, p0  }
0x20: {  	[sflag:s8] =	ssyncset.s32 @!p0 $0xFFFFF086;
	s6 =	sadd.s32 @!p0 s3, s7;
	s7 =	simm.s32 @!p0 $0x108  }
0x21: {  	s3 =	sadd.s32 s3, s9;
	s6 =	sadd.s32 @!p0 $0x88, s6;
	s7 =	simm.s32 @p2 $0x1082  }
0x22: {  	[simem:s7], [sflag:s8] =	dma.local @!p0 [hbm:s6], $0xF7A  }
0x23: {  	s9 =	sor.u32 $0xD0000000, s2;
	s6 =	simm.s32 $0x108;
	_ =	swait.ge @!p0 [sflag:s8], $0x0  }
0x24: {  	s3 =	sadd.s32 $0x88, s3;
	s6 =	simm.s32 @!p1 $0x1082;
	[sflag:s4] =	ssyncset.s32 $0xFFFFF086  }
0x25: {  	[simem:s6], [sflag:s4] =	dma.local [hbm:s3], $0xF7A  }
0x26: {  	[smem:$0x3F95] =	sst s1;
	(tag) =	ssettag s2;
	_ =	strace s9  }
0x27: {  	s1 =	sld [smem:$0x3FA5]  }
0x28: {  	s2 =	sld [smem:$0x3FA6]  }
0x29: {  	s4 =	sld [smem:$0x3FA8]  }
0x2a: {  	p0 =	seq.s32 s5, $0x0;
	s5 =	sld [smem:$0x3FA9]  }
0x2b: {  	s6 =	sld [smem:$0x3FAA]  }
0x2c: {  	s7 =	sld [smem:$0x3FAB]  }
0x2d: {  	s3 =	simm.s32 $0x108;
	s8 =	sld [smem:$0x3FAC]  }
0x2e: {  	s3 =	simm.s32 @!p0 $0x1082;
	s9 =	sld [smem:$0x3FAD]  }
0x2f: {  	lr =	sadd.s32 s0, s3;
	s0 =	sld [smem:$0x3FA4]  }
0x30: {  	s3 =	sld [smem:$0x3FA7]  }
0x31: {  	[smem:$0x3FB0] =	sst s10  }
0x32: {  	s10 =	sld [smem:$0x3FAE];
	_ =	sdelay $0x3  }
0x33: {  	p0 =	seq.s32 s10, $0x1;
	s10 =	sld [smem:$0x3FB0];
	_ =	sdelay $0x3  }
0x34: {  	[smem:$0x3FB0] =	sst s10  }
0x35: {  	s10 =	sld [smem:$0x3FAF];
	_ =	sdelay $0x3  }
0x36: {  	p1 =	seq.s32 s10, $0x1;
	s10 =	sld [smem:$0x3FB0];
	_ =	sdelay $0x3  }
0x37: {  	[smem:$0x3FB0] =	sst s10  }
0x38: {  	s10 =	sld [smem:$0x3FB1]  }
0x39: {  	_ = 	snop;
	(pc) =	sbr.ind lr, $3  }
0x3a: {  	_ = 	snop  }
0x3b: {  	_ = 	snop  }
0x3c: {  	p2 =	seq.s32 s10, $0x1;
	s10 =	sld [smem:$0x3FB0]  }
0x3d: {  	_ =	shalt  }
0x3e: {  	_ =	shalt  }
0x3f: {  	_ =	shalt  }
0x40: {  	_ =	shalt  }
0x41: {  	_ =	shalt  }
0x42: {  	_ =	shalt  }
0x43: {  	_ =	shalt  }
0x44: {  	_ =	shalt  }
0x45: {  	_ =	shalt  }
0x46: {  	_ =	shalt  }
0x47: {  	_ =	shalt  }
0x48: {  	_ =	shalt  }
0x49: {  	_ =	shalt  }
0x4a: {  	_ =	shalt  }
0x4b: {  	_ =	shalt  }
0x4c: {  	_ =	shalt  }
0x4d: {  	_ =	shalt  }
0x4e: {  	_ =	shalt  }
0x4f: {  	_ =	shalt  }
0x50: {  	_ =	shalt  }
0x51: {  	_ =	shalt  }
0x52: {  	_ =	shalt  }
0x53: {  	_ =	shalt  }
0x54: {  	_ =	shalt  }
0x55: {  	_ =	shalt  }
0x56: {  	_ =	shalt  }
0x57: {  	_ =	shalt  }
0x58: {  	_ =	shalt  }
0x59: {  	_ =	shalt  }
0x5a: {  	_ =	shalt  }
0x5b: {  	_ =	shalt  }
0x5c: {  	_ =	shalt  }
0x5d: {  	_ =	shalt  }
0x5e: {  	_ =	shalt  }
0x5f: {  	_ =	shalt  }
0x60: {  	_ =	shalt  }
0x61: {  	_ =	shalt  }
0x62: {  	_ =	shalt  }
0x63: {  	_ =	shalt  }
0x64: {  	_ =	shalt  }
0x65: {  	_ =	shalt  }
0x66: {  	_ =	shalt  }
0x67: {  	_ =	shalt  }
0x68: {  	_ =	shalt  }
0x69: {  	_ =	shalt  }
0x6a: {  	_ =	shalt  }
0x6b: {  	_ =	shalt  }
0x6c: {  	_ =	shalt  }
0x6d: {  	_ =	shalt  }
0x6e: {  	_ =	shalt  }
0x6f: {  	_ =	shalt  }
0x70: {  	_ =	shalt  }
0x71: {  	_ =	shalt  }
0x72: {  	_ =	shalt  }
0x73: {  	_ =	shalt  }
0x74: {  	_ =	shalt  }
0x75: {  	_ =	shalt  }
0x76: {  	_ =	shalt  }
0x77: {  	_ =	shalt  }
0x78: {  	_ =	shalt  }
0x79: {  	_ =	shalt  }
0x7a: {  	_ =	shalt  }
0x7b: {  	_ =	shalt  }
0x7c: {  	_ =	shalt  }
0x7d: {  	_ =	shalt  }
0x7e: {  	_ =	shalt  }
0x7f: {  	_ =	shalt  }
0x80: {  	_ =	shalt  }
0x81: {  	_ =	shalt  }
0x82: {  	_ =	shalt  }
0x83: {  	_ =	shalt  }
0x84: {  	_ =	shalt  }
0x85: {  	_ =	shalt  }
0x86: {  	_ =	shalt  }
0x87: {  	_ =	shalt  }
.Lfunc_end0:
.L_simem_size_0:
called_computation.2_lowered:
.L_overlay_start_0:
0x88: {  	s2 =	sld [smem:$0x3FD9]  }
0x89: {  	s3 =	sld [smem:$0x3FFE];
	_ =	sdelay $0x1  }
0x8a: {  	s1 =	srdreg.scid  }
0x8b: {  	s0 =	sand.u32 $0x1, s1  }
0x8c: {  	s17 =	sshll.u32 s0, $0xA;
	s2 =	sadd.s32 s3, s2  }
0x8d: {  	s2 =	sadd.s32 s2, s17  }
0x8e: {  	[smem:$0x3FBC] =	sst s2  }
0x8f: {  	_ = 	snop  }
0x90: {  	(tm) =	ssettm $0x1  }
0x91: {  	s18 =	sld [smem:$0x3FFB];
	_ =	sdelay $0x3  }
0x92: {  	_ =	strace s18  }
0x93: {  	s2 =	sld [smem:$0x3FFC];
	_ =	sdelay $0x3  }
0x94: {  	_ =	strace s2  }
0x95: {  	s2 =	sld [smem:$0x3FFD];
	_ =	sdelay $0x3  }
0x96: {  	_ =	strace s2  }
0x97: {  	_ =	strace $0x8FFFFFFF  }
0x98: {  	s19 =	sld [smem:$0x3FDB];
	_ =	sdelay $0x1  }
0x99: {  	s20 =	simm.s32 $_scs_section_size  }
0x9a: {  	s4 =	simm.s32 $_size__tile_overlayer_lowered;
	s5 =	simm.s32 $_tile_overlayer_lowered  }
0x9b: {  	s6 =	simm.s32 $0x1BFF;
	s21 =	sshll.u32 s5, $0x1;
	s3 =	sadd.s32 s20, s19  }
0x9c: {  	s22 =	simm.s32 $0x0;
	s4 =	sshll.u32 s4, $0x1;
	s5 =	sadd.s32 s21, s3  }
0x9d: {  	[timem:s22], [sflag:s6] =	dma.local [hbm:s5], s4  }
0x9e: {  	_ =	swait.ge [sflag:s6], s4  }
0x9f: {  	s4 =	ssub.s32 $0x0, s4;
	[sflag:s6] =	ssyncset.done $0x0  }
0xa0: {  	[sflag:s6] =	ssyncadd.s32 s4;
	_ =	sdelay $0x1  }
0xa1: {  	s23 =	simm.s32 $0x1B8B  }
0xa2: {  	_ =	swait.ge [sflag:s23], $0x1  }
0xa3: {  	[sflag:s23] =	ssyncset.done $0x0  }
0xa4: {  	[sflag:s23] =	ssyncadd.s32 $0xFFFFFFFF  }
0xa5: {  	s4 =	sld [smem:$0x0]  }
0xa6: {  	s5 =	sand.u32 $0xFFFFFFFE, s1  }
0xa7: {  	p0 =	sne.s32 s1, s5  }
0xa8: {  	s5 =	sshll.u32 @p0 s5, $0xE  }
0xa9: {  	s5 =	sadd.s32 @p0 $0x11B8D, s5;
	s6 =	sshll.u32 @p0 s4, $0x11  }
0xaa: {  	s5 =	sor.u32 @p0 s6, s5  }
0xab: {  	[sflag:s5] =	ssyncadd.remote.s32 @p0 $0x1;
	_ =	sdelay $0x1  }
0xac: {  	s5 =	simm.s32 @p0 $0x1B8D  }
0xad: {  	_ =	swait.eq @p0 [sflag:s5], $0x1  }
0xae: {  	[sflag:s5] =	ssyncadd.s32 @p0 $0xFFFFFFFF  }
0xaf: {  	s6 =	sshll.u32 @!p0 s1, $0xE  }
0xb0: {  	s6 =	sor.u32 @!p0 $0x4000, s6;
	s5 =	simm.s32 @!p0 $0x1B8D  }
0xb1: {  	s4 =	sshll.u32 @!p0 s4, $0x11;
	s6 =	sadd.s32 @!p0 $0x11B8D, s6;
	_ =	swait.eq @!p0 [sflag:s5], $0x1  }
0xb2: {  	s4 =	sor.u32 @!p0 s4, s6;
	[sflag:s5] =	ssyncadd.s32 @!p0 $0xFFFFFFFF  }
0xb3: {  	s25 =	simm.s32 $0x1B8E;
	s24 =	sld [smem:$0x3FFE];
	[sflag:s4] =	ssyncadd.remote.s32 @!p0 $0x1  }
0xb4: {  	s26 =	simm.s32 $execute0_lowered;
	[smem:$0x3FD2] =	sst s25  }
0xb5: {  	s5 =	sshll.u32 s26, $0x1;
	_ =	strace $0x8000004C;
	[dreg:$0x1] =	wrdreg $0xFFFFFFFF  }
0xb6: {  	s28 =	simm.s32 $_size_execute0_lowered;
	s3 =	sadd.s32 s3, s5;
	[dreg:$0x0] =	wrdreg $0x0  }
0xb7: {  	s5 =	sshll.u32 s28, $0x1;
	[dreg:$0x2] =	wrdreg s3  }
0xb8: {  	[dreg:$0x3] =	wrdreg s5  }
0xb9: {  	[dreg:$0x4] =	wrdreg $0xC0  }
0xba: {  	_ =	task [dreg:s22], $0x5FFFF  }
0xbb: {  	[dreg:$0x1] =	wrdreg $0xFFFFFFFF  }
0xbc: {  	[dreg:$0x0] =	wrdreg $0x60  }
0xbd: {  	[dreg:$0x2] =	wrdreg s24  }
0xbe: {  	[dreg:$0x3] =	wrdreg $0x1C000  }
0xbf: {  	[dreg:$0x4] =	wrdreg $0xA  }
0xc0: {  	_ =	task.clear_ibuf [dreg:s22], $0x5FFFF;
	_ =	strace $0x9000004C  }
0xc1: {  	s29 =	simm.s32 $0xA;
	_ =	strace $0x8000004E  }
0xc2: {  	_ =	swait.ge [sflag:s29], $0x1  }
0xc3: {  	[sflag:s29] =	ssyncadd.s32 $0xFFFFFFFF  }
0xc4: {  	_ =	strace $0x9000004E  }
0xc5: {  	_ =	sfence  }
0xc6: {  	s30 =	sld [smem:$0x0];
	_ =	sdelay $0x2  }
0xc7: {  	s31 =	sshll.u32 s1, $0xD;
	s1 =	sshrl.u32 s1, $0x2  }
0xc8: {  	s4 =	sand.u32 $0x4000, s31;
	s1 =	sadd.s32 s1, s30  }
0xc9: {  	s0 =	sor.u32 s4, s0;
	s1 =	sshll.u32 s1, $0x11  }
0xca: {  	s0 =	sor.u32 s1, s0  }
0xcb: {  	s0 =	sadd.s32 $0x8F2B, s0  }
0xcc: {  	[sflag:s0] =	ssyncadd.remote.s32 $0x1  }
0xcd: {  	_ =	sfence.sel $0xFFFF  }
0xce: {  	[dreg:$0x0] =	wrdreg $0xFFFFFFFF;
	(pc) =	sbr.abs _section_cstart, $3  }
0xcf: {  	[dreg:$0x1] =	wrdreg $0xFFFFFFFF  }
0xd0: {  	_ =	task.clear_ibuf [dreg:s22], $0x2FFFF;
	_ =	strace $0x9FFFFFFF  }
0xd1: {  	(tm) =	ssettm $0x7FFFFFFF  }
tec
execute0_lowered:
.L_overlay_start_1:
0x0: {  	(tag) =	ssettag $0x1  }
0x1: {  	s1 =	srdreg.scid;
	s5 =	rddreg [dreg:$0x0]  }
0x2: {  	s0 =	stileid.u32;
	s2 =	rddreg [dreg:$0x1]  }
0x3: {  	s3 =	simm.s32 $0x0;
	s15 =	simm.s32 $0x1;
	s16 =	simm.s32 $0x80  }
0x4: {  	s17 =	simm.s32 $0x2;
	s18 =	simm.s32 $0x3;
	s19 =	simm.s32 $0x4  }
0x5: {  	s9 =	sand.u32 $0x1, s1;
	s1 =	rddreg [dreg:$0x2];
	s12 =	smul.u32 $0x2700, s0  }
0x6: {  	s22 =	sshll.u32 s0, $0x1;
	[smem:$0x7FF] =	sst s3;
	s25 =	smul.u32 $0x30, s0  }
0x7: {  	s10 =	sadd.s32 $0xD400, s5;
	s13 =	sadd.s32 $0x3D400, s5;
	s28 =	smul.u32 $0x3000, s0  }
0x8: {  	s20 =	sadd.s32 $0x24900, s2;
	p0 =	sne.s32 s0, $0x0;
	s8 =	smul.u32 $0x27100, s9  }
0x9: {  	p1 =	seq.s32 s0, $0xF;
	s4 =	sor.u32 s9, s22;
	s14 =	smul.u32 $0x18, s9  }
0xa: {  	_ =	strace $0x8000004D;
	s7 =	ssub.s32 $0x2, s9;
	s30 =	smul.u32 $0x1800, s9  }
0xb: {  	s20 =	sshrl.u32 @p1 s20, $0x3;
	s22 =	simm.s32 $0x0;
	s11 =	sshrl.u32 s7, $0x1  }
0xc: {  	s4 =	smul.u32 $0x180, s4;
	s21 =	sadd.s32 s12, s2;
	s11 =	ssub.s32 s7, s11  }
0xd: {  	s23 =	sadd.s32 s12, s8;
	s24 =	sshrl.u32 s8, $0x3;
	s26 =	sadd.s32 s14, s25  }
0xe: {  	s12 =	simm.s32 $0x5;
	s14 =	simm.s32 $0x1400;
	s21 =	sshrl.u32 @!p1 s21, $0x3  }
0xf: {  	s6 =	sadd.s32 s4, s5;
	s4 =	sadd.s32 $0x3400, s5;
	s7 =	sadd.s32 s13, s24  }
0x10: {  	s8 =	smax.u32 s11, $0x1;
	s29 =	sshll.u32 s26, $0x8;
	s11 =	sshrl.u32 @!p0 s2, $0x3  }
0x11: {  	s5 =	sadd.s32 $0x67E400, s6;
	s6 =	sshrl.u32 s23, $0x3;
	s7 =	sadd.s32 $0x4920, s7  }
0x12: {  	s31 =	sadd.s32 s29, s10;
	s10 =	sadd.s32 s28, s10;
	s6 =	sadd.s32 s13, s6  }
0x13: {  	s9 =	sadd.s32 $0x100, s31;
	s10 =	sadd.s32 s30, s10;
	s13 =	simm.s32 $0xC00  }
.LBB2_1:
0x14: {  	s23 =	simm.s32 @!p0 $0x1C05  }
0x15: {  	[spmem:s11], [sflag:s23] =	dma.local @!p0 [hbm:s4], $0x4E20  }
0x16: {  	s23 =	simm.s32 @!p0 $0x5  }
0x17: {  	_ =	swait.ge @!p0 [sflag:s23], $0x4E20  }
0x18: {  	[sflag:s23] =	ssyncset.done @!p0 $0x0  }
0x19: {  	[sflag:s23] =	ssyncadd.s32 @!p0 $0xFFFFB1E0  }
0x1a: {  	[bflag:$0x0] =	sbarrier.arrive $0xFFFF  }
0x1b: {  	[tilespmem:s3], [sflag:$0x5] =	stream.linear.gather [hbm4b:s5+s3], $0xC00, $0x38;
	[tilespmem:$0x4310] =	vst v63  }
0x1c: {  	_ =	swait.ge [sflag:s12], $0xC00  }
0x1d: {  	[sflag:s12] =	ssyncset.done $0x0  }
0x1e: {  	s29 =	sadd.s32 $0x0, s10;
	[sflag:s12] =	ssyncadd.s32 $0xFFFFF400  }
0x1f: {  	[tilespmem:s13], [sflag:$0x1] =	stream.linear.gather [hbm4b:s29+s3], $0x800, $0x38;
	[tilespmem:$0x4310] =	vst v63  }
0x20: {  	s30 =	sadd.s32 $0x0, s9  }
0x21: {  	[tilespmem:s14], [sflag:$0x2] =	stream.linear.gather [hbm4b:s30+s3], $0x800, $0x38;
	[tilespmem:$0x4310] =	vst v63  }
0x22: {  	_ =	swait.ge [sflag:s15], $0x800  }
0x23: {  	[sflag:s15] =	ssyncset.done $0x0  }
0x24: {  	[sflag:s15] =	ssyncadd.s32 $0xFFFFF800  }
0x25: {  	[spmem:s2] =	stream.indirect.scatter.add.f32 [tilespmem:s13], [sflag:$0x3], $0x10, s3, s16, $0xb8;
	[tilespmem:$0x4310] =	vst v63  }
0x26: {  	_ =	swait.ge [sflag:s17], $0x800  }
0x27: {  	[sflag:s17] =	ssyncset.done $0x0  }
0x28: {  	s31 =	simm.s32 $0x80;
	[sflag:s17] =	ssyncadd.s32 $0xFFFFF800  }
0x29: {  	[spmem:s2] =	stream.indirect.scatter.add.f32 [tilespmem:s14], [sflag:$0x4], $0x10, s31, s16, $0xb8;
	[tilespmem:$0x4310] =	vst v63  }
0x2a: {  	_ =	swait.ge [sflag:s18], $0x800  }
0x2b: {  	[sflag:s18] =	ssyncset.done $0x0  }
0x2c: {  	[sflag:s18] =	ssyncadd.s32 $0xFFFFF800  }
0x2d: {  	s24 =	simm.s32 $0x200;
	_ =	swait.ge [sflag:s19], $0x800  }
0x2e: {  	s25 =	simm.s32 $0x400;
	s23 =	simm.s32 $0x100;
	[sflag:s19] =	ssyncset.done $0x0  }
.LBB2_2:
0x2f: {  	s26 =	sadd.s32 s24, s10  }
0x30: {  	[sflag:s19] =	ssyncadd.s32 $0xFFFFF800;
	s28 =	smov.u32 s25;
	s29 =	sadd.s32 $0x200, s25  }
0x31: {  	[tilespmem:s13], [sflag:$0x1] =	stream.linear.gather [hbm4b:s26+s3], $0x800, $0x38;
	[tilespmem:$0x4310] =	vst v63  }
0x32: {  	p2 =	sne.s32 s25, $0x1600;
	s25 =	sadd.s32 s24, s9;
	s24 =	smov.u32 s28  }
0x33: {  	[tilespmem:s14], [sflag:$0x2] =	stream.linear.gather [hbm4b:s25+s3], $0x800, $0x38;
	[tilespmem:$0x4310] =	vst v63  }
0x34: {  	_ =	swait.ge [sflag:s15], $0x800  }
0x35: {  	[sflag:s15] =	ssyncset.done $0x0  }
0x36: {  	[sflag:s15] =	ssyncadd.s32 $0xFFFFF800  }
0x37: {  	[spmem:s2] =	stream.indirect.scatter.add.f32 [tilespmem:s13], [sflag:$0x3], $0x10, s23, s16, $0xb8;
	[tilespmem:$0x4310] =	vst v63  }
0x38: {  	_ =	swait.ge [sflag:s17], $0x800  }
0x39: {  	[sflag:s17] =	ssyncset.done $0x0  }
0x3a: {  	s25 =	sadd.s32 $0x80, s23;
	[sflag:s17] =	ssyncadd.s32 $0xFFFFF800  }
0x3b: {  	[spmem:s2] =	stream.indirect.scatter.add.f32 [tilespmem:s14], [sflag:$0x4], $0x10, s25, s16, $0xb8;
	[tilespmem:$0x4310] =	vst v63  }
.Ltmp0:
0x3c: {  	_ =	swait.ge [sflag:s18], $0x800;
	(pc) =	sbr.rel @p2 .LBB2_2-.Ltmp0, $4  }
0x3d: {  	[sflag:s18] =	ssyncset.done $0x0  }
0x3e: {  	[sflag:s18] =	ssyncadd.s32 $0xFFFFF800  }
0x3f: {  	_ =	swait.ge [sflag:s19], $0x800  }
0x40: {  	s23 =	sadd.s32 $0x100, s23;
	s25 =	smov.u32 s29;
	[sflag:s19] =	ssyncset.done $0x0  }
0x41: {  	s25 =	sadd.s32 s24, s10;
	[sflag:s19] =	ssyncadd.s32 $0xFFFFF800  }
0x42: {  	[tilespmem:s13], [sflag:$0x1] =	stream.linear.gather [hbm4b:s25+s3], $0x800, $0x38;
	[tilespmem:$0x4310] =	vst v63  }
0x43: {  	s30 =	sadd.s32 s24, s9  }
0x44: {  	[tilespmem:s14], [sflag:$0x2] =	stream.linear.gather [hbm4b:s30+s3], $0x800, $0x38;
	[tilespmem:$0x4310] =	vst v63  }
0x45: {  	_ =	swait.ge [sflag:s15], $0x800  }
0x46: {  	[sflag:s15] =	ssyncset.done $0x0  }
0x47: {  	[sflag:s15] =	ssyncadd.s32 $0xFFFFF800  }
0x48: {  	[spmem:s2] =	stream.indirect.scatter.add.f32 [tilespmem:s13], [sflag:$0x3], $0x10, s23, s16, $0xb8;
	[tilespmem:$0x4310] =	vst v63  }
0x49: {  	_ =	swait.ge [sflag:s17], $0x800  }
0x4a: {  	[sflag:s17] =	ssyncset.done $0x0  }
0x4b: {  	s31 =	sadd.s32 $0x80, s23;
	[sflag:s17] =	ssyncadd.s32 $0xFFFFF800  }
0x4c: {  	[spmem:s2] =	stream.indirect.scatter.add.f32 [tilespmem:s14], [sflag:$0x4], $0x10, s31, s16, $0xb8;
	[tilespmem:$0x4310] =	vst v63  }
0x4d: {  	_ =	swait.ge [sflag:s18], $0x800  }
0x4e: {  	[sflag:s18] =	ssyncset.done $0x0  }
0x4f: {  	[sflag:s18] =	ssyncadd.s32 $0xFFFFF800  }
0x50: {  	_ =	swait.ge [sflag:s19], $0x800  }
0x51: {  	[sflag:s19] =	ssyncset.done $0x0  }
0x52: {  	[sflag:s19] =	ssyncadd.s32 $0xFFFFF800  }
0x53: {  	s23 =	simm.s32 @p1 $0x1FC5;
	[bflag:$0x0] =	sbarrier.arrive $0xFFFF  }
0x54: {  	[hbm:s7], [sflag:s23] =	dma.local @p1 [spmem:s20], $0x500  }
0x55: {  	s23 =	simm.s32 @p1 $0x5  }
0x56: {  	_ =	swait.ge @p1 [sflag:s23], $0x500  }
0x57: {  	s24 =	sshll.u32 @!p1 s0, $0x6;
	s22 =	sadd.s32 $0x1, s22;
	[sflag:s23] =	ssyncset.done @p1 $0x0  }
0x58: {  	p2 =	sne.s32 s22, s8;
	[sflag:s23] =	ssyncadd.s32 @p1 $0xFFFFFB00;
	s23 =	sor.u32 @!p1 $0x1C05, s24  }
0x59: {  	[hbm:s6], [sflag:s23] =	dma.local @!p1 [spmem:s21], $0x4E0  }
.Ltmp1:
0x5a: {  	_ = 	snop;
	(pc) =	sbr.rel @p2 .LBB2_1-.Ltmp1, $4  }
0x5b: {  	s23 =	simm.s32 @!p1 $0x5  }
0x5c: {  	_ =	swait.ge @!p1 [sflag:s23], $0x4E0  }
0x5d: {  	[sflag:s23] =	ssyncset.done @!p1 $0x0  }
0x5e: {  	[sflag:s23] =	ssyncadd.s32 @!p1 $0xFFFFFB20  }
0x5f: {  	_ =	sfence.sel $0x180000  }
0x60: {  	[bflag:$0x0] =	sbarrier.arrive $0xFFFF  }
0x61: {  	_ =	strace $0x9000004D  }
0x62: {  	s0 =	sadd.s32 @!p0 $0x100000, s1;
	[bflag:$0x2] =	sbarrier.arrive $0xFFFF  }
0x63: {  	[sflag:s0] =	ssyncadd.tile.s32 @!p0 $0x1;
	_ =	shalt  }
.Lfunc_end2:
_tile_overlayer_lowered:
.L_overlay_start_2:
0x64: {  	(tag) =	ssettag $0x2  }
0x65: {  	s0 =	rddreg [dreg:$0x0];
	s2 =	stileid.u32  }
0x66: {  	s1 =	rddreg [dreg:$0x1];
	p0 =	sne.s32 s2, $0x0  }
0x67: {  	s3 =	rddreg [dreg:$0x2];
	[bflag:$0x3] =	sbarrier.arrive $0xFFFF;
	s2 =	simm.s32 @!p0 $0x1C05  }
0x68: {  	[timem:s3], [sflag:s2] =	dma.local @!p0 [hbm:s0], s1  }
0x69: {  	s0 =	simm.s32 @!p0 $0x5  }
0x6a: {  	_ =	swait.ge @!p0 [sflag:s0], s1  }
0x6b: {  	s1 =	ssub.s32 @!p0 $0x0, s1;
	[sflag:s0] =	ssyncset.done @!p0 $0x0  }
0x6c: {  	[sflag:s0] =	ssyncadd.s32 @!p0 s1  }
0x6d: {  	[bflag:$0x3] =	sbarrier.arrive $0xFFFF  }
0x6e: {  	_ =	shalt  }

// kernel: kernel.20.cloned.1.call-start
scs
__scs_entry_jumppad:
0x0: {  	(pc) =	sbr.rel $0x88, $3  }
0x1: {  	(tag) =	ssettag $0x0;
	lr =	simm.s32 $0x1  }
0x2: {  	[smem:$0x3F95] =	sst lr;
	_ =	strace $0xD0000000  }
0x3: {  	_ = 	snop  }
0x4: {  	_ = 	snop  }
0x5: {  	_ = 	snop  }
0x6: {  	_ = 	snop  }
0x7: {  	_ = 	snop  }
__scs_overlays_trampoline_lowered:
0x8: {  	[smem:$0x3FA4] =	sst s0  }
0x9: {  	[smem:$0x3FA5] =	sst s1  }
0xa: {  	[smem:$0x3FA6] =	sst s2  }
0xb: {  	[smem:$0x3FA7] =	sst s3  }
0xc: {  	[smem:$0x3FA8] =	sst s4  }
0xd: {  	[smem:$0x3FA9] =	sst s5  }
0xe: {  	[smem:$0x3FAA] =	sst s6  }
0xf: {  	[smem:$0x3FAB] =	sst s7  }
0x10: {  	[smem:$0x3FAC] =	sst s8  }
0x11: {  	[smem:$0x3FAD] =	sst s9;
	s0 =	simm.s32 @!p0 $0x0  }
0x12: {  	s1 =	sld [smem:$0x3F93];
	s0 =	simm.s32 @p0 $0x1  }
0x13: {  	[smem:$0x3FAE] =	sst s0;
	s0 =	simm.s32 @!p1 $0x0  }
0x14: {  	s2 =	sld [smem:$0x3F92];
	s0 =	simm.s32 @p1 $0x1  }
0x15: {  	[smem:$0x3FAF] =	sst s0;
	s0 =	simm.s32 @!p2 $0x0  }
0x16: {  	s3 =	sld [smem:$0x3FDB];
	s0 =	simm.s32 @p2 $0x1  }
0x17: {  	s4 =	simm.s32 $0x1BF5;
	[smem:$0x3FB1] =	sst s0  }
0x18: {  	s0 =	sld [smem:$0x3F94];
	_ =	swait.ge [sflag:s4], $0x0  }
0x19: {  	s7 =	sld [smem:$0x3F95]  }
0x1a: {  	s8 =	sadd.s32 $0xFFFFE003, lr  }
0x1b: {  	s9 =	sadd.s32 $0xFFFFFEF7, lr;
	s5 =	simm.s32 $0xFFFFFFFF;
	p2 =	slt.u32 s8, $0xFFFFF086  }
0x1c: {  	p1 =	slt.u32 s9, $0xF7A;
	s5 =	simm.s32 @!p2 $0x0  }
0x1d: {  	s5 =	simm.s32 @p1 $0x1;
	p0 =	seq.s32 s7, s2  }
0x1e: {  	s7 =	smul.u32 @!p0 $0xF7A, s2;
	p2 =	seq.s32 @!p0 s5, $0x0  }
0x1f: {  	s9 =	smul.u32 $0xF7A, s1;
	s8 =	simm.s32 @!p0 $0x1BF5;
	p2 =	por !p2, p0  }
0x20: {  	[sflag:s8] =	ssyncset.s32 @!p0 $0xFFFFF086;
	s6 =	sadd.s32 @!p0 s3, s7;
	s7 =	simm.s32 @!p0 $0x108  }
0x21: {  	s3 =	sadd.s32 s3, s9;
	s6 =	sadd.s32 @!p0 $0x88, s6;
	s7 =	simm.s32 @p2 $0x1082  }
0x22: {  	[simem:s7], [sflag:s8] =	dma.local @!p0 [hbm:s6], $0xF7A  }
0x23: {  	s9 =	sor.u32 $0xD0000000, s2;
	s6 =	simm.s32 $0x108;
	_ =	swait.ge @!p0 [sflag:s8], $0x0  }
0x24: {  	s3 =	sadd.s32 $0x88, s3;
	s6 =	simm.s32 @!p1 $0x1082;
	[sflag:s4] =	ssyncset.s32 $0xFFFFF086  }
0x25: {  	[simem:s6], [sflag:s4] =	dma.local [hbm:s3], $0xF7A  }
0x26: {  	[smem:$0x3F95] =	sst s1;
	(tag) =	ssettag s2;
	_ =	strace s9  }
0x27: {  	s1 =	sld [smem:$0x3FA5]  }
0x28: {  	s2 =	sld [smem:$0x3FA6]  }
0x29: {  	s4 =	sld [smem:$0x3FA8]  }
0x2a: {  	p0 =	seq.s32 s5, $0x0;
	s5 =	sld [smem:$0x3FA9]  }
0x2b: {  	s6 =	sld [smem:$0x3FAA]  }
0x2c: {  	s7 =	sld [smem:$0x3FAB]  }
0x2d: {  	s3 =	simm.s32 $0x108;
	s8 =	sld [smem:$0x3FAC]  }
0x2e: {  	s3 =	simm.s32 @!p0 $0x1082;
	s9 =	sld [smem:$0x3FAD]  }
0x2f: {  	lr =	sadd.s32 s0, s3;
	s0 =	sld [smem:$0x3FA4]  }
0x30: {  	s3 =	sld [smem:$0x3FA7]  }
0x31: {  	[smem:$0x3FB0] =	sst s10  }
0x32: {  	s10 =	sld [smem:$0x3FAE];
	_ =	sdelay $0x3  }
0x33: {  	p0 =	seq.s32 s10, $0x1;
	s10 =	sld [smem:$0x3FB0];
	_ =	sdelay $0x3  }
0x34: {  	[smem:$0x3FB0] =	sst s10  }
0x35: {  	s10 =	sld [smem:$0x3FAF];
	_ =	sdelay $0x3  }
0x36: {  	p1 =	seq.s32 s10, $0x1;
	s10 =	sld [smem:$0x3FB0];
	_ =	sdelay $0x3  }
0x37: {  	[smem:$0x3FB0] =	sst s10  }
0x38: {  	s10 =	sld [smem:$0x3FB1]  }
0x39: {  	_ = 	snop;
	(pc) =	sbr.ind lr, $3  }
0x3a: {  	_ = 	snop  }
0x3b: {  	_ = 	snop  }
0x3c: {  	p2 =	seq.s32 s10, $0x1;
	s10 =	sld [smem:$0x3FB0]  }
0x3d: {  	_ =	shalt  }
0x3e: {  	_ =	shalt  }
0x3f: {  	_ =	shalt  }
0x40: {  	_ =	shalt  }
0x41: {  	_ =	shalt  }
0x42: {  	_ =	shalt  }
0x43: {  	_ =	shalt  }
0x44: {  	_ =	shalt  }
0x45: {  	_ =	shalt  }
0x46: {  	_ =	shalt  }
0x47: {  	_ =	shalt  }
0x48: {  	_ =	shalt  }
0x49: {  	_ =	shalt  }
0x4a: {  	_ =	shalt  }
0x4b: {  	_ =	shalt  }
0x4c: {  	_ =	shalt  }
0x4d: {  	_ =	shalt  }
0x4e: {  	_ =	shalt  }
0x4f: {  	_ =	shalt  }
0x50: {  	_ =	shalt  }
0x51: {  	_ =	shalt  }
0x52: {  	_ =	shalt  }
0x53: {  	_ =	shalt  }
0x54: {  	_ =	shalt  }
0x55: {  	_ =	shalt  }
0x56: {  	_ =	shalt  }
0x57: {  	_ =	shalt  }
0x58: {  	_ =	shalt  }
0x59: {  	_ =	shalt  }
0x5a: {  	_ =	shalt  }
0x5b: {  	_ =	shalt  }
0x5c: {  	_ =	shalt  }
0x5d: {  	_ =	shalt  }
0x5e: {  	_ =	shalt  }
0x5f: {  	_ =	shalt  }
0x60: {  	_ =	shalt  }
0x61: {  	_ =	shalt  }
0x62: {  	_ =	shalt  }
0x63: {  	_ =	shalt  }
0x64: {  	_ =	shalt  }
0x65: {  	_ =	shalt  }
0x66: {  	_ =	shalt  }
0x67: {  	_ =	shalt  }
0x68: {  	_ =	shalt  }
0x69: {  	_ =	shalt  }
0x6a: {  	_ =	shalt  }
0x6b: {  	_ =	shalt  }
0x6c: {  	_ =	shalt  }
0x6d: {  	_ =	shalt  }
0x6e: {  	_ =	shalt  }
0x6f: {  	_ =	shalt  }
0x70: {  	_ =	shalt  }
0x71: {  	_ =	shalt  }
0x72: {  	_ =	shalt  }
0x73: {  	_ =	shalt  }
0x74: {  	_ =	shalt  }
0x75: {  	_ =	shalt  }
0x76: {  	_ =	shalt  }
0x77: {  	_ =	shalt  }
0x78: {  	_ =	shalt  }
0x79: {  	_ =	shalt  }
0x7a: {  	_ =	shalt  }
0x7b: {  	_ =	shalt  }
0x7c: {  	_ =	shalt  }
0x7d: {  	_ =	shalt  }
0x7e: {  	_ =	shalt  }
0x7f: {  	_ =	shalt  }
0x80: {  	_ =	shalt  }
0x81: {  	_ =	shalt  }
0x82: {  	_ =	shalt  }
0x83: {  	_ =	shalt  }
0x84: {  	_ =	shalt  }
0x85: {  	_ =	shalt  }
0x86: {  	_ =	shalt  }
0x87: {  	_ =	shalt  }
.Lfunc_end0:
.L_simem_size_0:
called_computation.3_lowered:
.L_overlay_start_0:
0x88: {  	s2 =	sld [smem:$0x3FD9]  }
0x89: {  	s3 =	sld [smem:$0x3FFE];
	_ =	sdelay $0x1  }
0x8a: {  	s1 =	srdreg.scid  }
0x8b: {  	s0 =	sand.u32 $0x1, s1  }
0x8c: {  	s17 =	sshll.u32 s0, $0xA;
	s2 =	sadd.s32 s3, s2  }
0x8d: {  	s2 =	sadd.s32 s2, s17  }
0x8e: {  	[smem:$0x3FBC] =	sst s2  }
0x8f: {  	_ = 	snop  }
0x90: {  	s18 =	sld [smem:$0x3FD0];
	(tm) =	ssettm $0x1  }
0x91: {  	s19 =	sld [smem:$0x3FFB];
	_ =	sdelay $0x3  }
0x92: {  	_ =	strace s19  }
0x93: {  	s2 =	sld [smem:$0x3FFC];
	_ =	sdelay $0x3  }
0x94: {  	_ =	strace s2  }
0x95: {  	s2 =	sld [smem:$0x3FFD];
	_ =	sdelay $0x3  }
0x96: {  	_ =	strace s2  }
0x97: {  	_ =	strace $0x8FFFFFFF  }
0x98: {  	s20 =	sld [smem:$0x3FDB];
	_ =	sdelay $0x1  }
0x99: {  	s4 =	simm.s32 $_scs_section_size  }
0x9a: {  	s5 =	simm.s32 $_size__tile_overlayer_lowered;
	s6 =	simm.s32 $_tile_overlayer_lowered  }
0x9b: {  	s7 =	simm.s32 $0x1BFF;
	s21 =	sshll.u32 s6, $0x1;
	s4 =	sadd.s32 s4, s20  }
0x9c: {  	s22 =	simm.s32 $0x0;
	s5 =	sshll.u32 s5, $0x1;
	s6 =	sadd.s32 s21, s4  }
0x9d: {  	[timem:s22], [sflag:s7] =	dma.local [hbm:s6], s5  }
0x9e: {  	_ =	swait.ge [sflag:s7], s5  }
0x9f: {  	s5 =	ssub.s32 $0x0, s5;
	[sflag:s7] =	ssyncset.done $0x0  }
0xa0: {  	[sflag:s7] =	ssyncadd.s32 s5;
	_ =	sdelay $0x1  }
0xa1: {  	s23 =	simm.s32 $0x1B8B  }
0xa2: {  	_ =	swait.ge [sflag:s23], $0x1  }
0xa3: {  	[sflag:s23] =	ssyncset.done $0x0  }
0xa4: {  	[sflag:s23] =	ssyncadd.s32 $0xFFFFFFFF  }
0xa5: {  	s5 =	sld [smem:$0x0]  }
0xa6: {  	s6 =	sand.u32 $0xFFFFFFFE, s1  }
0xa7: {  	p0 =	sne.s32 s1, s6  }
0xa8: {  	s6 =	sshll.u32 @p0 s6, $0xE  }
0xa9: {  	s6 =	sadd.s32 @p0 $0x11B8D, s6;
	s7 =	sshll.u32 @p0 s5, $0x11  }
0xaa: {  	s6 =	sor.u32 @p0 s7, s6  }
0xab: {  	[sflag:s6] =	ssyncadd.remote.s32 @p0 $0x1;
	_ =	sdelay $0x1  }
0xac: {  	s6 =	simm.s32 @p0 $0x1B8D  }
0xad: {  	_ =	swait.eq @p0 [sflag:s6], $0x1  }
0xae: {  	[sflag:s6] =	ssyncadd.s32 @p0 $0xFFFFFFFF  }
0xaf: {  	s7 =	sshll.u32 @!p0 s1, $0xE  }
0xb0: {  	s7 =	sor.u32 @!p0 $0x4000, s7;
	s6 =	simm.s32 @!p0 $0x1B8D  }
0xb1: {  	s5 =	sshll.u32 @!p0 s5, $0x11;
	s7 =	sadd.s32 @!p0 $0x11B8D, s7;
	_ =	swait.eq @!p0 [sflag:s6], $0x1  }
0xb2: {  	s5 =	sor.u32 @!p0 s5, s7;
	[sflag:s6] =	ssyncadd.s32 @!p0 $0xFFFFFFFF  }
0xb3: {  	s25 =	simm.s32 $0x1B8E;
	s24 =	sld [smem:$0x3FFE];
	[sflag:s5] =	ssyncadd.remote.s32 @!p0 $0x1  }
0xb4: {  	s26 =	simm.s32 $execute0_lowered;
	[smem:$0x3FD2] =	sst s25  }
0xb5: {  	s6 =	sshll.u32 s26, $0x1;
	_ =	strace $0x8000004F;
	[dreg:$0x1] =	wrdreg $0xFFFFFFFF  }
0xb6: {  	s28 =	simm.s32 $_size_execute0_lowered;
	s4 =	sadd.s32 s4, s6;
	[dreg:$0x0] =	wrdreg $0x0  }
0xb7: {  	s6 =	sshll.u32 s28, $0x1;
	[dreg:$0x2] =	wrdreg s4  }
0xb8: {  	[dreg:$0x3] =	wrdreg s6  }
0xb9: {  	[dreg:$0x4] =	wrdreg $0xC0  }
0xba: {  	_ =	task [dreg:s22], $0x5FFFF  }
0xbb: {  	[dreg:$0x1] =	wrdreg $0xFFFFFFFF  }
0xbc: {  	[dreg:$0x0] =	wrdreg $0x60  }
0xbd: {  	[dreg:$0x2] =	wrdreg s24  }
0xbe: {  	[dreg:$0x3] =	wrdreg s18  }
0xbf: {  	[dreg:$0x4] =	wrdreg $0x18000  }
0xc0: {  	[dreg:$0x5] =	wrdreg $0x9  }
0xc1: {  	_ =	task.clear_ibuf [dreg:s22], $0x6FFFF;
	_ =	strace $0x9000004F  }
0xc2: {  	s29 =	simm.s32 $0x9;
	_ =	strace $0x80000051  }
0xc3: {  	_ =	swait.ge [sflag:s29], $0x1  }
0xc4: {  	[sflag:s29] =	ssyncadd.s32 $0xFFFFFFFF  }
0xc5: {  	_ =	strace $0x90000051  }
0xc6: {  	_ =	sfence  }
0xc7: {  	s30 =	sld [smem:$0x0];
	_ =	sdelay $0x2  }
0xc8: {  	s31 =	sshll.u32 s1, $0xD;
	s1 =	sshrl.u32 s1, $0x2  }
0xc9: {  	s4 =	sand.u32 $0x4000, s31;
	s1 =	sadd.s32 s1, s30  }
0xca: {  	s0 =	sor.u32 s4, s0;
	s1 =	sshll.u32 s1, $0x11  }
0xcb: {  	s0 =	sor.u32 s1, s0  }
0xcc: {  	s0 =	sadd.s32 $0x8F2B, s0  }
0xcd: {  	[sflag:s0] =	ssyncadd.remote.s32 $0x1  }
0xce: {  	_ =	sfence.sel $0xFFFF  }
0xcf: {  	[dreg:$0x0] =	wrdreg $0xFFFFFFFF;
	(pc) =	sbr.abs _section_cstart, $3  }
0xd0: {  	[dreg:$0x1] =	wrdreg $0xFFFFFFFF  }
0xd1: {  	_ =	task.clear_ibuf [dreg:s22], $0x2FFFF;
	_ =	strace $0x9FFFFFFF  }
0xd2: {  	(tm) =	ssettm $0x7FFFFFFF  }
0xd3: {  	_ =	shalt  }
tec
execute0_lowered:
.L_overlay_start_1:
0x0: {  	(tag) =	ssettag $0x1  }
0x1: {  	s3 =	rddreg [dreg:$0x0]  }
0x2: {  	s6 =	rddreg [dreg:$0x1]  }
0x3: {  	s1 =	rddreg [dreg:$0x2];
	s2 =	srdreg.scid  }
0x4: {  	s0 =	rddreg [dreg:$0x3];
	s12 =	stileid.u32;
	s17 =	simm.s32 $0x1000  }
0x5: {  	s18 =	simm.s32 $0x1;
	s19 =	simm.s32 $0x80;
	s20 =	simm.s32 $0x2  }
0x6: {  	s21 =	simm.s32 $0x3;
	s22 =	simm.s32 $0x4;
	s23 =	simm.s32 $0x0  }
0x7: {  	s10 =	sand.u32 $0x1, s2;
	s2 =	simm.s32 $0x0;
	s4 =	sshll.u32 s12, $0x5  }
0x8: {  	s9 =	smul.u32 $0x2700, s12;
	s11 =	sadd.s32 $0x5FE400, s3;
	s16 =	sadd.s32 $0x24900, s1  }
0x9: {  	s31 =	sshll.u32 s12, $0xD;
	p1 =	seq.s32 s12, $0xF;
	s5 =	sshll.u32 s10, $0x4  }
0xa: {  	[smem:$0x7FF] =	sst s2;
	s7 =	smul.u32 $0x27100, s10;
	s24 =	ssub.s32 $0x2, s10  }
0xb: {  	s10 =	sshll.u32 s10, $0xC;
	s8 =	sor.u32 s5, s4;
	_ =	strace $0x80000050  }
0xc: {  	s13 =	sshrl.u32 s24, $0x1;
	s15 =	sadd.s32 s9, s1;
	s4 =	sshll.u32 s8, $0x4  }
0xd: {  	s13 =	ssub.s32 s24, s13;
	s14 =	ssub.s32 $0x1E2, s8;
	s25 =	sadd.s32 s9, s7  }
0xe: {  	s7 =	sshrl.u32 s7, $0x3;
	s29 =	sshll.u32 s8, $0x8;
	s15 =	sshrl.u32 @!p1 s15, $0x3  }
0xf: {  	s4 =	sadd.s32 s4, s3;
	s3 =	sadd.s32 $0x3400, s3;
	p0 =	sgt.s32 s14, $0x0  }
0x10: {  	s5 =	sshrl.u32 s25, $0x3;
	s30 =	sadd.s32 s29, s11;
	s11 =	sadd.s32 s31, s11  }
0x11: {  	s4 =	sadd.s32 $0x681400, s4;
	s14 =	simm.s32 @!p0 $0x0;
	s5 =	sadd.s32 s6, s5  }
0x12: {  	s6 =	sadd.s32 s6, s7;
	s7 =	smax.u32 s13, $0x1;
	s10 =	sadd.s32 s10, s11  }
.Ltmp0:
0x13: {  	p0 =	sne.s32 s12, $0x0;
	s13 =	sshrl.u32 @p1 s16, $0x3;
	(pc) =	sbr.rel .LBB2_1-.Ltmp0, $4  }
0x14: {  	s16 =	simm.s32 $0x800;
	s26 =	smin.u32 s14, $0x10;
	s6 =	sadd.s32 $0x4920, s6  }
0x15: {  	s11 =	sshrl.u32 @!p0 s1, $0x3;
	p2 =	seq.s32 s14, $0x0;
	s28 =	sshrl.u32 s26, $0x1  }
0x16: {  	s14 =	sshll.u32 @!p1 s12, $0x6;
	s12 =	simm.s32 $0x5;
	s9 =	smax.u32 s28, $0x1  }
0x17: {  	s14 =	sor.u32 @!p1 $0x1C05, s14;
	s8 =	sshll.u32 s9, $0xA;
	s9 =	sadd.s32 $0x100, s30  }
.LBB2_4:
0x18: {  	[sflag:s22] =	ssyncadd.s32 $0xFFFFF800  }
.LBB2_5:
0x19: {  	[bflag:$0x0] =	sbarrier.arrive $0xFFFF;
	s24 =	simm.s32 @p1 $0x1FC5  }
0x1a: {  	[hbm:s6], [sflag:s24] =	dma.local @p1 [spmem:s13], $0x500  }
0x1b: {  	s24 =	simm.s32 @p1 $0x5  }
0x1c: {  	s23 =	sadd.s32 $0x1, s23;
	_ =	swait.ge @p1 [sflag:s24], $0x500  }
0x1d: {  	p3 =	sne.s32 s23, s7;
	[sflag:s24] =	ssyncset.done @p1 $0x0  }
.Ltmp1:
0x1e: {  	[sflag:s24] =	ssyncadd.s32 @p1 $0xFFFFFB00;
	s24 =	simm.s32 @!p1 $0x5;
	(pc) =	sbr.rel @!p3 .LBB2_6-.Ltmp1, $4  }
0x1f: {  	[hbm:s5], [sflag:s14] =	dma.local @!p1 [spmem:s15], $0x4E0  }
0x20: {  	_ =	swait.ge @!p1 [sflag:s24], $0x4E0  }
0x21: {  	[sflag:s24] =	ssyncset.done @!p1 $0x0  }
0x22: {  	[sflag:s24] =	ssyncadd.s32 @!p1 $0xFFFFFB20  }
.LBB2_1:
0x23: {  	s24 =	simm.s32 @!p0 $0x1C05  }
0x24: {  	[spmem:s11], [sflag:s24] =	dma.local @!p0 [hbm:s3], $0x4E20  }
0x25: {  	s24 =	simm.s32 @!p0 $0x5  }
0x26: {  	_ =	swait.ge @!p0 [sflag:s24], $0x4E20  }
0x27: {  	[sflag:s24] =	ssyncset.done @!p0 $0x0  }
0x28: {  	[sflag:s24] =	ssyncadd.s32 @!p0 $0xFFFFB1E0  }
.Ltmp2:
0x29: {  	[bflag:$0x0] =	sbarrier.arrive $0xFFFF;
	(pc) =	sbr.rel @p2 .LBB2_5-.Ltmp2, $4  }
0x2a: {  	[tilespmem:s2], [sflag:$0x5] =	stream.linear.gather [hbm4b:s4+s2], $0x800, $0x38;
	[tilespmem:$0x3F10] =	vst v63  }
0x2b: {  	_ =	swait.ge [sflag:s12], $0x800  }
0x2c: {  	[sflag:s12] =	ssyncset.done $0x0  }
0x2d: {  	[sflag:s12] =	ssyncadd.s32 $0xFFFFF800  }
0x2e: {  	[tilespmem:s16], [sflag:$0x1] =	stream.linear.gather [hbm4b:s10+s2], $0x800, $0x38;
	[tilespmem:$0x3F10] =	vst v63  }
0x2f: {  	_ = 	snop  }
0x30: {  	[tilespmem:s17], [sflag:$0x2] =	stream.linear.gather [hbm4b:s9+s2], $0x800, $0x38;
	[tilespmem:$0x3F10] =	vst v63  }
0x31: {  	_ =	swait.ge [sflag:s18], $0x800  }
0x32: {  	[sflag:s18] =	ssyncset.done $0x0  }
0x33: {  	[sflag:s18] =	ssyncadd.s32 $0xFFFFF800  }
0x34: {  	[spmem:s1] =	stream.indirect.scatter.add.f32 [tilespmem:s16], [sflag:$0x3], $0x10, s2, s19, $0xb8;
	[tilespmem:$0x3F10] =	vst v63  }
0x35: {  	_ =	swait.ge [sflag:s20], $0x800  }
0x36: {  	[sflag:s20] =	ssyncset.done $0x0  }
0x37: {  	s24 =	sadd.s32 $0x80, s2;
	p3 =	sne.s32 s8, $0x400;
	[sflag:s20] =	ssyncadd.s32 $0xFFFFF800  }
0x38: {  	[spmem:s1] =	stream.indirect.scatter.add.f32 [tilespmem:s17], [sflag:$0x4], $0x10, s24, s19, $0xb8;
	[tilespmem:$0x3F10] =	vst v63  }
.Ltmp3:
0x39: {  	_ =	swait.ge [sflag:s21], $0x800;
	(pc) =	sbr.rel @!p3 .LBB2_4-.Ltmp3, $4  }
0x3a: {  	[sflag:s21] =	ssyncset.done $0x0  }
0x3b: {  	[sflag:s21] =	ssyncadd.s32 $0xFFFFF800  }
0x3c: {  	s25 =	sadd.s32 $0x200, s10;
	s26 =	simm.s32 $0x0;
	_ =	swait.ge [sflag:s22], $0x800  }
0x3d: {  	s28 =	smov.u32 s9;
	s24 =	sadd.s32 $0xFFFFFC00, s8;
	[sflag:s22] =	ssyncset.done $0x0  }
.LBB2_3:
0x3e: {  	[sflag:s22] =	ssyncadd.s32 $0xFFFFF800;
	s26 =	sadd.s32 $0x100, s26;
	s28 =	sadd.s32 $0x200, s28  }
0x3f: {  	[tilespmem:s16], [sflag:$0x1] =	stream.linear.gather [hbm4b:s25+s2], $0x800, $0x38;
	[tilespmem:$0x3F10] =	vst v63  }
0x40: {  	p3 =	sne.s32 s24, $0x400;
	s24 =	sadd.s32 $0xFFFFFC00, s24  }
0x41: {  	[tilespmem:s17], [sflag:$0x2] =	stream.linear.gather [hbm4b:s28+s2], $0x800, $0x38;
	[tilespmem:$0x3F10] =	vst v63  }
0x42: {  	_ =	swait.ge [sflag:s18], $0x800  }
0x43: {  	[sflag:s18] =	ssyncset.done $0x0  }
0x44: {  	[sflag:s18] =	ssyncadd.s32 $0xFFFFF800  }
0x45: {  	[spmem:s1] =	stream.indirect.scatter.add.f32 [tilespmem:s16], [sflag:$0x3], $0x10, s26, s19, $0xb8;
	[tilespmem:$0x3F10] =	vst v63  }
0x46: {  	_ =	swait.ge [sflag:s20], $0x800  }
0x47: {  	[sflag:s20] =	ssyncset.done $0x0  }
0x48: {  	s29 =	sadd.s32 $0x80, s26;
	[sflag:s20] =	ssyncadd.s32 $0xFFFFF800  }
0x49: {  	[spmem:s1] =	stream.indirect.scatter.add.f32 [tilespmem:s17], [sflag:$0x4], $0x10, s29, s19, $0xb8;
	[tilespmem:$0x3F10] =	vst v63  }
.Ltmp4:
0x4a: {  	_ =	swait.ge [sflag:s21], $0x800;
	(pc) =	sbr.rel @p3 .LBB2_3-.Ltmp4, $4  }
0x4b: {  	[sflag:s21] =	ssyncset.done $0x0  }
0x4c: {  	[sflag:s21] =	ssyncadd.s32 $0xFFFFF800  }
0x4d: {  	_ =	swait.ge [sflag:s22], $0x800  }
0x4e: {  	s25 =	sadd.s32 $0x200, s25;
	[sflag:s22] =	ssyncset.done $0x0  }
.Ltmp5:
0x4f: {  	_ = 	snop;
	(pc) =	sbr.rel .LBB2_4-.Ltmp5, $1  }
0x50: {  	_ =	sdelay $0x3  }
.LBB2_6:
0x51: {  	_ =	sfence.sel $0x180000  }
0x52: {  	[bflag:$0x0] =	sbarrier.arrive $0xFFFF  }
0x53: {  	_ =	strace $0x90000050  }
0x54: {  	s0 =	sadd.s32 @!p0 $0x100000, s0;
	[bflag:$0x2] =	sbarrier.arrive $0xFFFF  }
0x55: {  	[sflag:s0] =	ssyncadd.tile.s32 @!p0 $0x1;
	_ =	shalt  }
.Lfunc_end2:
_tile_overlayer_lowered:
.L_overlay_start_2:
0x56: {  	(tag) =	ssettag $0x2  }
0x57: {  	s0 =	rddreg [dreg:$0x0];
	s2 =	stileid.u32  }
0x58: {  	s1 =	rddreg [dreg:$0x1];
	p0 =	sne.s32 s2, $0x0  }
0x59: {  	s3 =	rddreg [dreg:$0x2];
	[bflag:$0x3] =	sbarrier.arrive $0xFFFF;
	s2 =	simm.s32 @!p0 $0x1C05  }
0x5a: {  	[timem:s3], [sflag:s2] =	dma.local @!p0 [hbm:s0], s1  }
0x5b: {  	s0 =	simm.s32 @!p0 $0x5  }
0x5c: {  	_ =	swait.ge @!p0 [sflag:s0], s1  }
0x5d: {  	s1 =	ssub.s32 @!p0 $0x0, s1;
	[sflag:s0] =	ssyncset.done @!p0 $0x0  }
0x5e: {  	[sflag:s0] =	ssyncadd.s32 @!p0 s1  }
0x5f: {  	[bflag:$0x3] =	sbarrier.arrive $0xFFFF  }
0x60: {  	_ =	shalt  }

// kernel: kernel.23.cloned.1.call-start
scs
__scs_entry_jumppad:
0x0: {  	(pc) =	sbr.rel $0x88, $3  }
0x1: {  	(tag) =	ssettag $0x0;
	lr =	simm.s32 $0x1  }
0x2: {  	[smem:$0x3F95] =	sst lr;
	_ =	strace $0xD0000000  }
0x3: {  	_ = 	snop  }
0x4: {  	_ = 	snop  }
0x5: {  	_ = 	snop  }
0x6: {  	_ = 	snop  }
0x7: {  	_ = 	snop  }
__scs_overlays_trampoline_lowered:
0x8: {  	[smem:$0x3FA4] =	sst s0  }
0x9: {  	[smem:$0x3FA5] =	sst s1  }
0xa: {  	[smem:$0x3FA6] =	sst s2  }
0xb: {  	[smem:$0x3FA7] =	sst s3  }
0xc: {  	[smem:$0x3FA8] =	sst s4  }
0xd: {  	[smem:$0x3FA9] =	sst s5  }
0xe: {  	[smem:$0x3FAA] =	sst s6  }
0xf: {  	[smem:$0x3FAB] =	sst s7  }
0x10: {  	[smem:$0x3FAC] =	sst s8  }
0x11: {  	[smem:$0x3FAD] =	sst s9;
	s0 =	simm.s32 @!p0 $0x0  }
0x12: {  	s1 =	sld [smem:$0x3F93];
	s0 =	simm.s32 @p0 $0x1  }
0x13: {  	[smem:$0x3FAE] =	sst s0;
	s0 =	simm.s32 @!p1 $0x0  }
0x14: {  	s2 =	sld [smem:$0x3F92];
	s0 =	simm.s32 @p1 $0x1  }
0x15: {  	[smem:$0x3FAF] =	sst s0;
	s0 =	simm.s32 @!p2 $0x0  }
0x16: {  	s3 =	sld [smem:$0x3FDB];
	s0 =	simm.s32 @p2 $0x1  }
0x17: {  	s4 =	simm.s32 $0x1BF5;
	[smem:$0x3FB1] =	sst s0  }
0x18: {  	s0 =	sld [smem:$0x3F94];
	_ =	swait.ge [sflag:s4], $0x0  }
0x19: {  	s7 =	sld [smem:$0x3F95]  }
0x1a: {  	s8 =	sadd.s32 $0xFFFFE003, lr  }
0x1b: {  	s9 =	sadd.s32 $0xFFFFFEF7, lr;
	s5 =	simm.s32 $0xFFFFFFFF;
	p2 =	slt.u32 s8, $0xFFFFF086  }
0x1c: {  	p1 =	slt.u32 s9, $0xF7A;
	s5 =	simm.s32 @!p2 $0x0  }
0x1d: {  	s5 =	simm.s32 @p1 $0x1;
	p0 =	seq.s32 s7, s2  }
0x1e: {  	s7 =	smul.u32 @!p0 $0xF7A, s2;
	p2 =	seq.s32 @!p0 s5, $0x0  }
0x1f: {  	s9 =	smul.u32 $0xF7A, s1;
	s8 =	simm.s32 @!p0 $0x1BF5;
	p2 =	por !p2, p0  }
0x20: {  	[sflag:s8] =	ssyncset.s32 @!p0 $0xFFFFF086;
	s6 =	sadd.s32 @!p0 s3, s7;
	s7 =	simm.s32 @!p0 $0x108  }
0x21: {  	s3 =	sadd.s32 s3, s9;
	s6 =	sadd.s32 @!p0 $0x88, s6;
	s7 =	simm.s32 @p2 $0x1082  }
0x22: {  	[simem:s7], [sflag:s8] =	dma.local @!p0 [hbm:s6], $0xF7A  }
0x23: {  	s9 =	sor.u32 $0xD0000000, s2;
	s6 =	simm.s32 $0x108;
	_ =	swait.ge @!p0 [sflag:s8], $0x0  }
0x24: {  	s3 =	sadd.s32 $0x88, s3;
	s6 =	simm.s32 @!p1 $0x1082;
	[sflag:s4] =	ssyncset.s32 $0xFFFFF086  }
0x25: {  	[simem:s6], [sflag:s4] =	dma.local [hbm:s3], $0xF7A  }
0x26: {  	[smem:$0x3F95] =	sst s1;
	(tag) =	ssettag s2;
	_ =	strace s9  }
0x27: {  	s1 =	sld [smem:$0x3FA5]  }
0x28: {  	s2 =	sld [smem:$0x3FA6]  }
0x29: {  	s4 =	sld [smem:$0x3FA8]  }
0x2a: {  	p0 =	seq.s32 s5, $0x0;
	s5 =	sld [smem:$0x3FA9]  }
0x2b: {  	s6 =	sld [smem:$0x3FAA]  }
0x2c: {  	s7 =	sld [smem:$0x3FAB]  }
0x2d: {  	s3 =	simm.s32 $0x108;
	s8 =	sld [smem:$0x3FAC]  }
0x2e: {  	s3 =	simm.s32 @!p0 $0x1082;
	s9 =	sld [smem:$0x3FAD]  }
0x2f: {  	lr =	sadd.s32 s0, s3;
	s0 =	sld [smem:$0x3FA4]  }
0x30: {  	s3 =	sld [smem:$0x3FA7]  }
0x31: {  	[smem:$0x3FB0] =	sst s10  }
0x32: {  	s10 =	sld [smem:$0x3FAE];
	_ =	sdelay $0x3  }
0x33: {  	p0 =	seq.s32 s10, $0x1;
	s10 =	sld [smem:$0x3FB0];
	_ =	sdelay $0x3  }
0x34: {  	[smem:$0x3FB0] =	sst s10  }
0x35: {  	s10 =	sld [smem:$0x3FAF];
	_ =	sdelay $0x3  }
0x36: {  	p1 =	seq.s32 s10, $0x1;
	s10 =	sld [smem:$0x3FB0];
	_ =	sdelay $0x3  }
0x37: {  	[smem:$0x3FB0] =	sst s10  }
0x38: {  	s10 =	sld [smem:$0x3FB1]  }
0x39: {  	_ = 	snop;
	(pc) =	sbr.ind lr, $3  }
0x3a: {  	_ = 	snop  }
0x3b: {  	_ = 	snop  }
0x3c: {  	p2 =	seq.s32 s10, $0x1;
	s10 =	sld [smem:$0x3FB0]  }
0x3d: {  	_ =	shalt  }
0x3e: {  	_ =	shalt  }
0x3f: {  	_ =	shalt  }
0x40: {  	_ =	shalt  }
0x41: {  	_ =	shalt  }
0x42: {  	_ =	shalt  }
0x43: {  	_ =	shalt  }
0x44: {  	_ =	shalt  }
0x45: {  	_ =	shalt  }
0x46: {  	_ =	shalt  }
0x47: {  	_ =	shalt  }
0x48: {  	_ =	shalt  }
0x49: {  	_ =	shalt  }
0x4a: {  	_ =	shalt  }
0x4b: {  	_ =	shalt  }
0x4c: {  	_ =	shalt  }
0x4d: {  	_ =	shalt  }
0x4e: {  	_ =	shalt  }
0x4f: {  	_ =	shalt  }
0x50: {  	_ =	shalt  }
0x51: {  	_ =	shalt  }
0x52: {  	_ =	shalt  }
0x53: {  	_ =	shalt  }
0x54: {  	_ =	shalt  }
0x55: {  	_ =	shalt  }
0x56: {  	_ =	shalt  }
0x57: {  	_ =	shalt  }
0x58: {  	_ =	shalt  }
0x59: {  	_ =	shalt  }
0x5a: {  	_ =	shalt  }
0x5b: {  	_ =	shalt  }
0x5c: {  	_ =	shalt  }
0x5d: {  	_ =	shalt  }
0x5e: {  	_ =	shalt  }
0x5f: {  	_ =	shalt  }
0x60: {  	_ =	shalt  }
0x61: {  	_ =	shalt  }
0x62: {  	_ =	shalt  }
0x63: {  	_ =	shalt  }
0x64: {  	_ =	shalt  }
0x65: {  	_ =	shalt  }
0x66: {  	_ =	shalt  }
0x67: {  	_ =	shalt  }
0x68: {  	_ =	shalt  }
0x69: {  	_ =	shalt  }
0x6a: {  	_ =	shalt  }
0x6b: {  	_ =	shalt  }
0x6c: {  	_ =	shalt  }
0x6d: {  	_ =	shalt  }
0x6e: {  	_ =	shalt  }
0x6f: {  	_ =	shalt  }
0x70: {  	_ =	shalt  }
0x71: {  	_ =	shalt  }
0x72: {  	_ =	shalt  }
0x73: {  	_ =	shalt  }
0x74: {  	_ =	shalt  }
0x75: {  	_ =	shalt  }
0x76: {  	_ =	shalt  }
0x77: {  	_ =	shalt  }
0x78: {  	_ =	shalt  }
0x79: {  	_ =	shalt  }
0x7a: {  	_ =	shalt  }
0x7b: {  	_ =	shalt  }
0x7c: {  	_ =	shalt  }
0x7d: {  	_ =	shalt  }
0x7e: {  	_ =	shalt  }
0x7f: {  	_ =	shalt  }
0x80: {  	_ =	shalt  }
0x81: {  	_ =	shalt  }
0x82: {  	_ =	shalt  }
0x83: {  	_ =	shalt  }
0x84: {  	_ =	shalt  }
0x85: {  	_ =	shalt  }
0x86: {  	_ =	shalt  }
0x87: {  	_ =	shalt  }
.Lfunc_end0:
.L_simem_size_0:
called_computation.4_lowered:
.L_overlay_start_0:
0x88: {  	s2 =	sld [smem:$0x3FD9]  }
0x89: {  	s3 =	sld [smem:$0x3FFE];
	_ =	sdelay $0x1  }
0x8a: {  	s1 =	srdreg.scid  }
0x8b: {  	s0 =	sand.u32 $0x1, s1  }
0x8c: {  	s17 =	sshll.u32 s0, $0xA;
	s2 =	sadd.s32 s3, s2  }
0x8d: {  	s2 =	sadd.s32 s2, s17  }
0x8e: {  	[smem:$0x3FBC] =	sst s2  }
0x8f: {  	_ = 	snop  }
0x90: {  	s2 =	sld [smem:$0x3FD0];
	(tm) =	ssettm $0x1  }
0x91: {  	s18 =	sld [smem:$0x3FFB];
	_ =	sdelay $0x3  }
0x92: {  	_ =	strace s18  }
0x93: {  	s3 =	sld [smem:$0x3FFC];
	_ =	sdelay $0x3  }
0x94: {  	_ =	strace s3  }
0x95: {  	s3 =	sld [smem:$0x3FFD];
	_ =	sdelay $0x3  }
0x96: {  	_ =	strace s3  }
0x97: {  	_ =	strace $0x8FFFFFFF  }
0x98: {  	s19 =	sld [smem:$0x3FDB];
	_ =	sdelay $0x1  }
0x99: {  	s4 =	simm.s32 $_scs_section_size  }
0x9a: {  	s5 =	simm.s32 $_size__tile_overlayer_lowered;
	s6 =	simm.s32 $_tile_overlayer_lowered  }
0x9b: {  	s22 =	simm.s32 $0x1BFF;
	s21 =	sshll.u32 s6, $0x1;
	s3 =	sadd.s32 s4, s19  }
0x9c: {  	s7 =	simm.s32 $0x0;
	s20 =	sshll.u32 s5, $0x1;
	s5 =	sadd.s32 s21, s3  }
0x9d: {  	[timem:s7], [sflag:s22] =	dma.local [hbm:s5], s20  }
0x9e: {  	_ =	swait.ge [sflag:s22], s20  }
0x9f: {  	s4 =	ssub.s32 $0x0, s20;
	[sflag:s22] =	ssyncset.done $0x0  }
0xa0: {  	[sflag:s22] =	ssyncadd.s32 s4;
	_ =	sdelay $0x1  }
0xa1: {  	s23 =	simm.s32 $0x1B8B  }
0xa2: {  	_ =	swait.ge [sflag:s23], $0x1  }
0xa3: {  	[sflag:s23] =	ssyncset.done $0x0  }
0xa4: {  	s25 =	simm.s32 $0x1B8E;
	s24 =	sld [smem:$0x3FFE];
	[sflag:s23] =	ssyncadd.s32 $0xFFFFFFFF  }
0xa5: {  	s26 =	simm.s32 $execute0_lowered;
	[smem:$0x3FD2] =	sst s25  }
0xa6: {  	s5 =	sshll.u32 s26, $0x1;
	_ =	strace $0x80000052;
	[dreg:$0x1] =	wrdreg $0xFFFFFFFF  }
0xa7: {  	s28 =	simm.s32 $_size_execute0_lowered;
	s3 =	sadd.s32 s3, s5;
	[dreg:$0x0] =	wrdreg $0x0  }
0xa8: {  	s5 =	sshll.u32 s28, $0x1;
	[dreg:$0x2] =	wrdreg s3  }
0xa9: {  	[dreg:$0x3] =	wrdreg s5  }
0xaa: {  	[dreg:$0x4] =	wrdreg $0xC0  }
0xab: {  	_ =	task [dreg:s7], $0x5FFFF  }
0xac: {  	[dreg:$0x1] =	wrdreg $0xFFFFFFFF  }
0xad: {  	[dreg:$0x0] =	wrdreg $0x60  }
0xae: {  	[dreg:$0x2] =	wrdreg s2  }
0xaf: {  	[dreg:$0x3] =	wrdreg s24  }
0xb0: {  	[dreg:$0x4] =	wrdreg $0x48000  }
0xb1: {  	[dreg:$0x5] =	wrdreg $0x9  }
0xb2: {  	_ =	task.clear_ibuf [dreg:s7], $0x6FFFF;
	_ =	strace $0x90000052  }
0xb3: {  	s29 =	simm.s32 $0x9;
	_ =	strace $0x80000054  }
0xb4: {  	_ =	swait.ge [sflag:s29], $0x1  }
0xb5: {  	[sflag:s29] =	ssyncadd.s32 $0xFFFFFFFF  }
0xb6: {  	_ =	strace $0x90000054  }
0xb7: {  	_ =	sfence  }
0xb8: {  	s30 =	sld [smem:$0x0];
	_ =	sdelay $0x2  }
0xb9: {  	s31 =	sshll.u32 s1, $0xD;
	s1 =	sshrl.u32 s1, $0x2  }
0xba: {  	s3 =	sand.u32 $0x4000, s31;
	s1 =	sadd.s32 s1, s30  }
0xbb: {  	s0 =	sor.u32 s3, s0;
	s1 =	sshll.u32 s1, $0x11  }
0xbc: {  	s0 =	sor.u32 s1, s0  }
0xbd: {  	s0 =	sadd.s32 $0x8F2B, s0  }
0xbe: {  	[sflag:s0] =	ssyncadd.remote.s32 $0x1  }
0xbf: {  	_ =	sfence.sel $0xFFFF  }
0xc0: {  	[dreg:$0x0] =	wrdreg $0xFFFFFFFF;
	(pc) =	sbr.abs _section_cstart, $3  }
0xc1: {  	[dreg:$0x1] =	wrdreg $0xFFFFFFFF  }
0xc2: {  	_ =	task.clear_ibuf [dreg:s7], $0x2FFFF;
	_ =	strace $0x9FFFFFFF  }
0xc3: {  	(tm) =	ssettm $0x7FFFFFFF  }
tec
execute0_lowered:
.L_overlay_start_1:
0x0: {  	(tag) =	ssettag $0x1  }
0x1: {  	s0 =	rddreg [dreg:$0x0]  }
0x2: {  	s5 =	rddreg [dreg:$0x1];
	s1 =	srdreg.scid  }
0x3: {  	s13 =	stileid.u32;
	s2 =	rddreg [dreg:$0x2]  }
0x4: {  	s3 =	simm.s32 $0x0;
	s16 =	simm.s32 $0x2800;
	s17 =	simm.s32 $0x3000  }
0x5: {  	s18 =	simm.s32 $0x3800;
	s19 =	simm.s32 $0x4000;
	s20 =	simm.s32 $0x1  }
0x6: {  	s21 =	simm.s32 $0x2;
	s22 =	simm.s32 $0x3;
	s23 =	simm.s32 $0x4  }
0x7: {  	s24 =	simm.s32 $0x0;
	s10 =	sand.u32 $0x1, s1;
	s12 =	smul.u32 $0x50, s13  }
0x8: {  	s4 =	sshll.u32 s13, $0x1;
	s1 =	rddreg [dreg:$0x3];
	s15 =	smul.u32 $0x5000, s13  }
0x9: {  	[smem:$0x7FF] =	sst s3;
	s8 =	sor.u32 s10, s4;
	s14 =	smul.u32 $0x28, s10  }
0xa: {  	_ =	strace $0x80000053;
	s6 =	ssub.s32 $0x2, s10;
	s30 =	smul.u32 $0x2800, s10  }
0xb: {  	s4 =	smul.u32 $0x280, s8;
	s9 =	sshrl.u32 s6, $0x1;
	p0 =	seq.s32 s8, $0x1F  }
0xc: {  	s8 =	simm.s32 $0x1400;
	s11 =	ssub.s32 s6, s9;
	s9 =	simm.s32 $0x1400  }
0xd: {  	s12 =	sadd.s32 s14, s12;
	s7 =	sadd.s32 s4, s5;
	s4 =	sadd.s32 $0x4FE400, s5  }
0xe: {  	s14 =	simm.s32 $0x5;
	s5 =	sadd.s32 $0x54C600, s5;
	s9 =	simm.s32 @!p0 $0x5000  }
0xf: {  	s10 =	smax.u32 s11, $0x1;
	s31 =	sshll.u32 s12, $0x8;
	s12 =	sadd.s32 s30, s15  }
0x10: {  	p0 =	sne.s32 s13, $0x0;
	s15 =	simm.s32 $0x80;
	s6 =	sadd.s32 $0x8400, s7  }
0x11: {  	s7 =	sadd.s32 $0x67E400, s7;
	s11 =	sor.u32 $0x100, s31;
	s13 =	sshrl.u32 @!p0 s2, $0x3  }
.LBB2_1:
0x12: {  	s25 =	simm.s32 @!p0 $0x1C05  }
0x13: {  	[spmem:s13], [sflag:s25] =	dma.local @!p0 [hbm:s0], $0x4E20  }
0x14: {  	s25 =	simm.s32 @!p0 $0x5  }
0x15: {  	_ =	swait.ge @!p0 [sflag:s25], $0x4E20  }
0x16: {  	[sflag:s25] =	ssyncset.done @!p0 $0x0  }
0x17: {  	[sflag:s25] =	ssyncadd.s32 @!p0 $0xFFFFB1E0  }
0x18: {  	[tilespmem:s3], [sflag:$0x5] =	stream.linear.gather [hbm4b:s6+s3], $0x1400, $0x38;
	[tilespmem:$0x6F10] =	vst v63  }
0x19: {  	_ =	swait.ge [sflag:s14], $0x1400  }
0x1a: {  	[sflag:s14] =	ssyncset.done $0x0  }
0x1b: {  	p2 =	sne.s32 s9, $0x400;
	[sflag:s14] =	ssyncadd.s32 $0xFFFFEC00  }
0x1c: {  	[tilespmem:s8], [sflag:$0x5] =	stream.linear.gather [hbm4b:s7+s3], $0x1400, $0x38;
	[tilespmem:$0x6F10] =	vst v63  }
.Ltmp0:
0x1d: {  	_ =	swait.ge [sflag:s14], $0x1400;
	(pc) =	sbr.rel @!p2 .LBB2_6-.Ltmp0, $4  }
0x1e: {  	[sflag:s14] =	ssyncset.done $0x0  }
0x1f: {  	[sflag:s14] =	ssyncadd.s32 $0xFFFFEC00  }
0x20: {  	p1 =	por $0x0, $0x0;
	s29 =	simm.s32 $0x0;
	[bflag:$0x0] =	sbarrier.arrive $0xFFFF  }
0x21: {  	s28 =	smov.u32 s12;
	s26 =	smov.u32 s11;
	s25 =	simm.s32 $0x400  }
0x22: {  	s26 =	simm.s32 $0x0  }
0x23: {  	[tilespmem:s16], [sflag:$0x1] =	stream.indirect.gather [spmem:s2], $0x10, s26, s15, $0xb8;
	[tilespmem:$0x6F10] =	vst v63  }
0x24: {  	s31 =	simm.s32 $0x1400  }
0x25: {  	[tilespmem:s17], [sflag:$0x2] =	stream.indirect.gather [spmem:s2], $0x10, s31, s15, $0xb8;
	[tilespmem:$0x6F10] =	vst v63  }
0x26: {  	s30 =	simm.s32 $0x80  }
0x27: {  	[tilespmem:s18], [sflag:$0x3] =	stream.indirect.gather [spmem:s2], $0x10, s30, s15, $0xb8;
	[tilespmem:$0x6F10] =	vst v63  }
0x28: {  	s31 =	simm.s32 $0x1480  }
0x29: {  	[tilespmem:s19], [sflag:$0x4] =	stream.indirect.gather [spmem:s2], $0x10, s31, s15, $0xb8;
	[tilespmem:$0x6F10] =	vst v63  }
0x2a: {  	_ =	swait.ge [sflag:s20], $0x800  }
0x2b: {  	[sflag:s20] =	ssyncset.done $0x0  }
0x2c: {  	s30 =	sadd.s32 s12, s4;
	[sflag:s20] =	ssyncadd.s32 $0xFFFFF800  }
0x2d: {  	[hbm4b:s30+s3] =	stream.linear.scatter [tilespmem:s16], [sflag:$0x5], $0x800, $0x38;
	[tilespmem:$0x6F10] =	vst v63  }
0x2e: {  	_ =	swait.ge [sflag:s14], $0x800  }
0x2f: {  	[sflag:s14] =	ssyncset.done $0x0  }
0x30: {  	[sflag:s14] =	ssyncadd.s32 $0xFFFFF800  }
0x31: {  	_ =	swait.ge [sflag:s21], $0x800  }
0x32: {  	[sflag:s21] =	ssyncset.done $0x0  }
0x33: {  	s31 =	sadd.s32 s12, s5;
	[sflag:s21] =	ssyncadd.s32 $0xFFFFF800  }
0x34: {  	[hbm4b:s31+s3] =	stream.linear.scatter [tilespmem:s17], [sflag:$0x5], $0x800, $0x38;
	[tilespmem:$0x6F10] =	vst v63  }
0x35: {  	_ =	swait.ge [sflag:s14], $0x800  }
0x36: {  	[sflag:s14] =	ssyncset.done $0x0  }
0x37: {  	[sflag:s14] =	ssyncadd.s32 $0xFFFFF800  }
0x38: {  	_ =	swait.ge [sflag:s22], $0x800  }
0x39: {  	[sflag:s22] =	ssyncset.done $0x0  }
0x3a: {  	s30 =	sadd.s32 s11, s4;
	[sflag:s22] =	ssyncadd.s32 $0xFFFFF800  }
0x3b: {  	[hbm4b:s30+s3] =	stream.linear.scatter [tilespmem:s18], [sflag:$0x5], $0x800, $0x38;
	[tilespmem:$0x6F10] =	vst v63  }
0x3c: {  	_ =	swait.ge [sflag:s14], $0x800  }
0x3d: {  	[sflag:s14] =	ssyncset.done $0x0  }
0x3e: {  	[sflag:s14] =	ssyncadd.s32 $0xFFFFF800  }
0x3f: {  	p2 =	sne.s32 s9, $0x800;
	_ =	swait.ge [sflag:s23], $0x800  }
.Ltmp1:
0x40: {  	[sflag:s23] =	ssyncset.done $0x0;
	(pc) =	sbr.rel @!p2 .LBB2_3-.Ltmp1, $4  }
0x41: {  	s31 =	sadd.s32 s11, s5;
	[sflag:s23] =	ssyncadd.s32 $0xFFFFF800  }
0x42: {  	[hbm4b:s31+s3] =	stream.linear.scatter [tilespmem:s19], [sflag:$0x5], $0x800, $0x38;
	[tilespmem:$0x6F10] =	vst v63  }
0x43: {  	s29 =	simm.s32 $0x800;
	s28 =	sadd.s32 $0x200, s12;
	_ =	swait.ge [sflag:s14], $0x800  }
0x44: {  	p1 =	por $0x1, $0x1;
	s26 =	sadd.s32 $0x200, s11;
	[sflag:s14] =	ssyncset.done $0x0  }
.LBB2_4:
0x45: {  	s30 =	sshra.s32 s25, $0x2  }
0x46: {  	[sflag:s14] =	ssyncadd.s32 $0xFFFFF800;
	s25 =	smov.u32 s29;
	s29 =	sadd.s32 $0x400, s29  }
0x47: {  	[tilespmem:s16], [sflag:$0x1] =	stream.indirect.gather [spmem:s2], $0x10, s30, s15, $0xb8;
	[tilespmem:$0x6F10] =	vst v63  }
0x48: {  	p2 =	sne.s32 s9, s29;
	s31 =	sadd.s32 $0x1400, s30  }
0x49: {  	[tilespmem:s17], [sflag:$0x2] =	stream.indirect.gather [spmem:s2], $0x10, s31, s15, $0xb8;
	[tilespmem:$0x6F10] =	vst v63  }
0x4a: {  	s31 =	sadd.s32 $0x80, s30  }
0x4b: {  	[tilespmem:s18], [sflag:$0x3] =	stream.indirect.gather [spmem:s2], $0x10, s31, s15, $0xb8;
	[tilespmem:$0x6F10] =	vst v63  }
0x4c: {  	s30 =	sadd.s32 $0x1480, s30  }
0x4d: {  	[tilespmem:s19], [sflag:$0x4] =	stream.indirect.gather [spmem:s2], $0x10, s30, s15, $0xb8;
	[tilespmem:$0x6F10] =	vst v63  }
0x4e: {  	_ =	swait.ge [sflag:s20], $0x800  }
0x4f: {  	[sflag:s20] =	ssyncset.done $0x0  }
0x50: {  	s30 =	sadd.s32 s28, s4;
	[sflag:s20] =	ssyncadd.s32 $0xFFFFF800  }
0x51: {  	[hbm4b:s30+s3] =	stream.linear.scatter [tilespmem:s16], [sflag:$0x5], $0x800, $0x38;
	[tilespmem:$0x6F10] =	vst v63  }
0x52: {  	_ =	swait.ge [sflag:s14], $0x800  }
0x53: {  	[sflag:s14] =	ssyncset.done $0x0  }
0x54: {  	[sflag:s14] =	ssyncadd.s32 $0xFFFFF800  }
0x55: {  	_ =	swait.ge [sflag:s21], $0x800  }
0x56: {  	[sflag:s21] =	ssyncset.done $0x0  }
0x57: {  	s30 =	sadd.s32 s28, s5;
	[sflag:s21] =	ssyncadd.s32 $0xFFFFF800  }
0x58: {  	[hbm4b:s30+s3] =	stream.linear.scatter [tilespmem:s17], [sflag:$0x5], $0x800, $0x38;
	[tilespmem:$0x6F10] =	vst v63  }
0x59: {  	_ =	swait.ge [sflag:s14], $0x800  }
0x5a: {  	[sflag:s14] =	ssyncset.done $0x0  }
0x5b: {  	[sflag:s14] =	ssyncadd.s32 $0xFFFFF800  }
0x5c: {  	_ =	swait.ge [sflag:s22], $0x800  }
0x5d: {  	[sflag:s22] =	ssyncset.done $0x0  }
0x5e: {  	s30 =	sadd.s32 s26, s4;
	[sflag:s22] =	ssyncadd.s32 $0xFFFFF800  }
0x5f: {  	[hbm4b:s30+s3] =	stream.linear.scatter [tilespmem:s18], [sflag:$0x5], $0x800, $0x38;
	[tilespmem:$0x6F10] =	vst v63  }
0x60: {  	_ =	swait.ge [sflag:s14], $0x800  }
0x61: {  	[sflag:s14] =	ssyncset.done $0x0  }
0x62: {  	[sflag:s14] =	ssyncadd.s32 $0xFFFFF800  }
0x63: {  	_ =	swait.ge [sflag:s23], $0x800  }
.Ltmp2:
0x64: {  	[sflag:s23] =	ssyncset.done $0x0;
	(pc) =	sbr.rel @p2 .LBB2_4-.Ltmp2, $4  }
0x65: {  	s30 =	sadd.s32 s26, s5;
	[sflag:s23] =	ssyncadd.s32 $0xFFFFF800  }
0x66: {  	[hbm4b:s30+s3] =	stream.linear.scatter [tilespmem:s19], [sflag:$0x5], $0x800, $0x38;
	[tilespmem:$0x6F10] =	vst v63  }
0x67: {  	_ =	swait.ge [sflag:s14], $0x800  }
0x68: {  	s28 =	sadd.s32 $0x200, s28;
	s26 =	sadd.s32 $0x200, s26;
	[sflag:s14] =	ssyncset.done $0x0  }
0x69: {  	s29 =	smov.u32 s25  }
.LBB2_6:
0x6a: {  	s25 =	sshra.s32 s29, $0x2;
	[sflag:s14] =	ssyncadd.s32 @p1 $0xFFFFF800  }
0x6b: {  	[tilespmem:s16], [sflag:$0x1] =	stream.indirect.gather [spmem:s2], $0x10, s25, s15, $0xb8;
	[tilespmem:$0x6F10] =	vst v63  }
0x6c: {  	s29 =	sadd.s32 $0x1400, s25  }
0x6d: {  	[tilespmem:s17], [sflag:$0x2] =	stream.indirect.gather [spmem:s2], $0x10, s29, s15, $0xb8;
	[tilespmem:$0x6F10] =	vst v63  }
0x6e: {  	s30 =	sadd.s32 $0x80, s25  }
0x6f: {  	[tilespmem:s18], [sflag:$0x3] =	stream.indirect.gather [spmem:s2], $0x10, s30, s15, $0xb8;
	[tilespmem:$0x6F10] =	vst v63  }
0x70: {  	s25 =	sadd.s32 $0x1480, s25  }
0x71: {  	[tilespmem:s19], [sflag:$0x4] =	stream.indirect.gather [spmem:s2], $0x10, s25, s15, $0xb8;
	[tilespmem:$0x6F10] =	vst v63  }
0x72: {  	_ =	swait.ge [sflag:s20], $0x800  }
0x73: {  	[sflag:s20] =	ssyncset.done $0x0  }
0x74: {  	s31 =	sadd.s32 s28, s4;
	[sflag:s20] =	ssyncadd.s32 $0xFFFFF800  }
0x75: {  	[hbm4b:s31+s3] =	stream.linear.scatter [tilespmem:s16], [sflag:$0x5], $0x800, $0x38;
	[tilespmem:$0x6F10] =	vst v63  }
0x76: {  	_ =	swait.ge [sflag:s14], $0x800  }
0x77: {  	[sflag:s14] =	ssyncset.done $0x0  }
0x78: {  	[sflag:s14] =	ssyncadd.s32 $0xFFFFF800  }
0x79: {  	_ =	swait.ge [sflag:s21], $0x800  }
0x7a: {  	[sflag:s21] =	ssyncset.done $0x0  }
0x7b: {  	s29 =	sadd.s32 s28, s5;
	[sflag:s21] =	ssyncadd.s32 $0xFFFFF800  }
0x7c: {  	[hbm4b:s29+s3] =	stream.linear.scatter [tilespmem:s17], [sflag:$0x5], $0x800, $0x38;
	[tilespmem:$0x6F10] =	vst v63  }
0x7d: {  	_ =	swait.ge [sflag:s14], $0x800  }
0x7e: {  	[sflag:s14] =	ssyncset.done $0x0  }
0x7f: {  	[sflag:s14] =	ssyncadd.s32 $0xFFFFF800  }
0x80: {  	_ =	swait.ge [sflag:s22], $0x800  }
0x81: {  	[sflag:s22] =	ssyncset.done $0x0  }
0x82: {  	s30 =	sadd.s32 s26, s4;
	[sflag:s22] =	ssyncadd.s32 $0xFFFFF800  }
0x83: {  	[hbm4b:s30+s3] =	stream.linear.scatter [tilespmem:s18], [sflag:$0x5], $0x800, $0x38;
	[tilespmem:$0x6F10] =	vst v63  }
0x84: {  	_ =	swait.ge [sflag:s14], $0x800  }
0x85: {  	[sflag:s14] =	ssyncset.done $0x0  }
0x86: {  	[sflag:s14] =	ssyncadd.s32 $0xFFFFF800  }
0x87: {  	_ =	swait.ge [sflag:s23], $0x800  }
0x88: {  	s24 =	sadd.s32 $0x1, s24;
	[sflag:s23] =	ssyncset.done $0x0  }
0x89: {  	p1 =	sne.s32 s24, s10;
	s31 =	sadd.s32 s26, s5;
	[sflag:s23] =	ssyncadd.s32 $0xFFFFF800  }
0x8a: {  	[hbm4b:s31+s3] =	stream.linear.scatter [tilespmem:s19], [sflag:$0x5], $0x800, $0x38;
	[tilespmem:$0x6F10] =	vst v63  }
.Ltmp3:
0x8b: {  	_ = 	snop;
	(pc) =	sbr.rel @p1 .LBB2_1-.Ltmp3, $4  }
.Ltmp4:
0x8c: {  	_ = 	snop;
	(pc) =	sbr.rel @!p1 .LBB2_7-.Ltmp4, $4  }
0x8d: {  	_ =	swait.ge [sflag:s14], $0x800  }
0x8e: {  	[sflag:s14] =	ssyncset.done $0x0  }
0x8f: {  	[sflag:s14] =	ssyncadd.s32 $0xFFFFF800  }
0x90: {  	_ = 	snop  }
.LBB2_3:
.Ltmp5:
0x91: {  	(pc) =	sbr.rel .LBB2_6-.Ltmp5, $2  }
0x92: {  	_ =	sdelay $0x2  }
0x93: {  	s29 =	simm.s32 $0x400  }
.LBB2_7:
0x94: {  	_ =	sfence.sel $0x180000  }
0x95: {  	[bflag:$0x0] =	sbarrier.arrive $0xFFFF  }
0x96: {  	_ =	strace $0x90000053  }
0x97: {  	s0 =	sadd.s32 @!p0 $0x100000, s1;
	[bflag:$0x2] =	sbarrier.arrive $0xFFFF  }
0x98: {  	[sflag:s0] =	ssyncadd.tile.s32 @!p0 $0x1;
	_ =	shalt  }
.Lfunc_end2:
_tile_overlayer_lowered:
.L_overlay_start_2:
0x99: {  	(tag) =	ssettag $0x2  }
0x9a: {  	s0 =	rddreg [dreg:$0x0];
	s2 =	stileid.u32  }
0x9b: {  	s1 =	rddreg [dreg:$0x1];
	p0 =	sne.s32 s2, $0x0  }
0x9c: {  	s3 =	rddreg [dreg:$0x2];
	[bflag:$0x3] =	sbarrier.arrive $0xFFFF;
	s2 =	simm.s32 @!p0 $0x1C05  }
0x9d: {  	[timem:s3], [sflag:s2] =	dma.local @!p0 [hbm:s0], s1  }
0x9e: {  	s0 =	simm.s32 @!p0 $0x5  }
0x9f: {  	_ =	swait.ge @!p0 [sflag:s0], s1  }
0xa0: {  	s1 =	ssub.s32 @!p0 $0x0, s1;
	[sflag:s0] =	ssyncset.done @!p0 $0x0  }
0xa1: {  	[sflag:s0] =	ssyncadd.s32 @!p0 s1  }
0xa2: {  	[bflag:$0x3] =	sbarrier.arrive $0xFFFF  }
0xa3: {  	_ =	shalt  }

</sc_bundles>
